<compile_context>
chip_gen: v7x
topology: tpu7x:2x2x1
jax: 0.10.2.dev20260603
libtpu: 0.0.44.dev20260713+nightly
codegen_flags: <defaults>
</compile_context>

<pallas_src>
import functools

import jax
import jax.numpy as jnp
from jax import lax
from jax.experimental import pallas as pl
from jax.experimental.pallas import tpu as pltpu
from jax.experimental.pallas import tpu_sc as plsc

K = 3
B = 8192
D = 1024
F = 2048
C = 4
OUTW = 128

NC = 2
NS = 16
NW = NC * NS
L = 16

CB = B // NW
T = 256
G = B // T + K
BP = G * T
GEXP = 48
JSUB = 64
NSUB = CB // JSUB

@functools.cache
def _mesh():
    return plsc.VectorSubcoreMesh(
        core_axis_name="c", subcore_axis_name="s",
        num_cores=NC, num_subcores=NS)


def _route_body(e_hbm, j_hbm, pos_hbm, bexp_hbm, jsort_hbm,
                e_all, posbuf, idx2d, jbuf, bexpbuf, sem):
    wid = lax.axis_index("s") * NC + lax.axis_index("c")
    lanes = lax.iota(jnp.int32, L)

    pltpu.sync_copy(e_hbm, e_all)

    myg = wid * (CB // L)

    def count_body(g, carry):
        pre, tot = carry
        ev = e_all[pl.ds(g * L, L)]
        cnt = jnp.zeros((L,), jnp.int32)
        for k in range(K):
            pc = jnp.sum((ev == k).astype(jnp.int32))
            cnt = cnt + jnp.where(lanes == k, lax.broadcast(pc, (L,)),
                                  jnp.zeros((L,), jnp.int32))
        inpre = lax.broadcast((g < myg).astype(jnp.int32), (L,))
        return pre + cnt * inpre, tot + cnt

    zero = jnp.zeros((L,), jnp.int32)
    pre_v, tot_v = lax.fori_loop(0, B // L, count_body, (zero, zero))

    pt = ((tot_v + (T - 1)) // T) * T
    base_v = plsc.cumsum(pt) - pt
    start_v = base_v + pre_v

    def lane_scalar(vec, k):
        return jnp.sum(jnp.where(lanes == k, vec, jnp.zeros((L,), jnp.int32)))

    starts = [lane_scalar(start_v, k) for k in range(K)]

    @pl.when(wid == 0)
    def _():
        bstart = [lane_scalar(base_v, k) // T for k in range(K)]
        nblk = [lane_scalar(pt, k) // T for k in range(K)]
        for gi in range(GEXP // L):
            bb = gi * L + lanes
            v = jnp.zeros((L,), jnp.int32)
            for k in range(1, K):
                lo = lax.broadcast(bstart[k], (L,))
                hi = lax.broadcast(bstart[k] + nblk[k], (L,))
                inb = (bb >= lo) & (bb < hi)
                v = v + jnp.where(inb, jnp.full((L,), k, jnp.int32),
                                  jnp.zeros((L,), jnp.int32))
            bexpbuf[pl.ds(gi * L, L)] = v
        pltpu.sync_copy(bexpbuf, bexp_hbm)

    for g in range(CB // L):
        ev = e_all[pl.ds(wid * CB + g * L, L)]
        posv = jnp.zeros((L,), jnp.int32)
        for k in range(K):
            m = ev == k
            rank = plsc.cumsum(m.astype(jnp.int32))
            sk = lax.broadcast(starts[k], (L,))
            posv = posv + jnp.where(m, sk + rank - 1,
                                    jnp.zeros((L,), jnp.int32))
            starts[k] = starts[k] + jnp.sum(m.astype(jnp.int32))
        posbuf[pl.ds(g * L, L)] = posv
        idx2d[g // (JSUB // L), pl.ds((g % (JSUB // L)) * L, L)] = posv
    pltpu.sync_copy(posbuf, pos_hbm.at[pl.ds(wid * CB, CB)])

    for sub in range(NSUB):
        pltpu.sync_copy(j_hbm.at[pl.ds(wid * CB + sub * JSUB, JSUB)], jbuf)
        pltpu.async_copy(jbuf, jsort_hbm.at[idx2d.at[sub]], sem).wait()


@functools.cache
def _route():
    return pl.kernel(
        _route_body,
        out_type=(jax.ShapeDtypeStruct((B,), jnp.int32),
                  jax.ShapeDtypeStruct((GEXP,), jnp.int32),
                  jax.ShapeDtypeStruct((BP, D), jnp.float32)),
        mesh=_mesh(),
        compiler_params=pltpu.CompilerParams(needs_layout_passes=False),
        scratch_types=[
            pltpu.VMEM((B,), jnp.int32),
            pltpu.VMEM((CB,), jnp.int32),
            pltpu.VMEM((NSUB, JSUB), jnp.int32),
            pltpu.VMEM((JSUB, D), jnp.float32),
            pltpu.VMEM((GEXP,), jnp.int32),
            pltpu.SemaphoreType.DMA,
        ],
    )


def _unperm_body(cq_hbm, pos_hbm, out_hbm, idxbuf, rowbuf, sem):
    wid = lax.axis_index("s") * NC + lax.axis_index("c")
    base = wid * CB
    pltpu.sync_copy(pos_hbm.at[pl.ds(base, CB)], idxbuf)
    pltpu.async_copy(cq_hbm.at[idxbuf], rowbuf, sem).wait()
    pltpu.sync_copy(rowbuf, out_hbm.at[pl.ds(base, CB)])


@functools.cache
def _unperm():
    return pl.kernel(
        _unperm_body,
        out_type=jax.ShapeDtypeStruct((B, OUTW), jnp.float32),
        mesh=_mesh(),
        compiler_params=pltpu.CompilerParams(needs_layout_passes=False),
        scratch_types=[
            pltpu.VMEM((CB,), jnp.int32),
            pltpu.VMEM((CB, OUTW), jnp.float32),
            pltpu.SemaphoreType.DMA,
        ],
    )


def _mlp_body(bexp_ref, j_ref, w1_ref, b1_ref, wcq_ref, bcq_ref, o_ref):
    h = jnp.dot(j_ref[...], w1_ref[0], preferred_element_type=jnp.float32)
    h = jnp.maximum(h + b1_ref[0], 0.0)
    o = jnp.dot(h, wcq_ref[0], preferred_element_type=jnp.float32) + bcq_ref[0]
    col = lax.broadcasted_iota(jnp.int32, (T, OUTW), 1)
    cm = col < C
    qm = (col >= C) & (col < C + 3)
    cmean = jnp.sum(jnp.where(cm, o, 0.0), axis=1, keepdims=True) * (1.0 / C)
    qmean = jnp.sum(jnp.where(qm, o, 0.0), axis=1, keepdims=True) * (1.0 / 3.0)
    o_ref[...] = o - jnp.where(cm, cmean, 0.0) - jnp.where(qm, qmean, 0.0)


def _mlp(bexp, jsort, W1, b1r, Wcq, bcqr):
    grid_spec = pltpu.PrefetchScalarGridSpec(
        num_scalar_prefetch=1,
        grid=(G,),
        in_specs=[
            pl.BlockSpec((T, D), lambda i, be: (i, 0)),
            pl.BlockSpec((1, D, F), lambda i, be: (be[i], 0, 0)),
            pl.BlockSpec((1, 1, F), lambda i, be: (be[i], 0, 0)),
            pl.BlockSpec((1, F, OUTW), lambda i, be: (be[i], 0, 0)),
            pl.BlockSpec((1, 1, OUTW), lambda i, be: (be[i], 0, 0)),
        ],
        out_specs=pl.BlockSpec((T, OUTW), lambda i, be: (i, 0)),
    )
    return pl.pallas_call(
        _mlp_body,
        grid_spec=grid_spec,
        out_shape=jax.ShapeDtypeStruct((BP, OUTW), jnp.float32),
    )(bexp, jsort, W1, b1r, Wcq, bcqr)


def kernel(j, e, W1, b1, Wc, bc, Wq, bq):
    e32 = e.astype(jnp.int32)
    pad = OUTW - C - 3
    Wcq = jnp.concatenate(
        [Wc, Wq, jnp.zeros((K, F, pad), Wc.dtype)], axis=-1)
    bcq = jnp.concatenate(
        [bc, bq, jnp.zeros((K, pad), bc.dtype)], axis=-1).reshape(K, 1, OUTW)
    b1r = b1.reshape(K, 1, F)

    pos, bexp, jsort = _route()(e32, j)
    cq = _mlp(bexp, jsort, W1, b1r, Wcq, bcq)
    out = _unperm()(cq, pos)
    return out[:, :C], out[:, C:C + 3]

# --- scband reference (transcript-rebuilt; emitter-appended) ---
"""Pipeline reference for scband-k-fold-47107201302898 (READ-ONLY COPY).

The authoritative reference and input builder live on the scoring server;
editing this copy changes nothing except your own understanding.
"""

import jax, jax.numpy as jnp
import numpy as np

K = 3        # number of k-fold networks (experts)
B = 8192     # tokens = batch 4 * seq 2048
D = 1024     # input feature dim (d_model)
F = 2048     # hidden dim of each fold network
C = 4        # n_classes (FvT)


def setup_inputs(seed: int = 0) -> dict:
    key = jax.random.key(seed)
    ks = jax.random.split(key, 8)
    j = jax.random.normal(ks[0], (B, D), dtype=jnp.float32)
    e = jax.random.randint(ks[1], (B,), 0, K, dtype=jnp.int64)
    # Per-fold network parameters (stacked over K folds): a 2-layer MLP with
    # two heads producing c_logits [B, C] and q_logits [B, 3], mimicking
    # network(j[mask]) -> (c_logits, q_logits).
    W1 = jax.random.normal(ks[2], (K, D, F), dtype=jnp.float32) * (1.0 / np.sqrt(D))
    b1 = jnp.zeros((K, F), dtype=jnp.float32)
    Wc = jax.random.normal(ks[3], (K, F, C), dtype=jnp.float32) * (1.0 / np.sqrt(F))
    bc = jnp.zeros((K, C), dtype=jnp.float32)
    Wq = jax.random.normal(ks[4], (K, F, 3), dtype=jnp.float32) * (1.0 / np.sqrt(F))
    bq = jnp.zeros((K, 3), dtype=jnp.float32)
    return {"j": j, "e": e, "W1": W1, "b1": b1, "Wc": Wc, "bc": bc, "Wq": Wq, "bq": bq}


def reference(j, e, W1, b1, Wc, bc, Wq, bq):
    # K_Fold.forward for task in {'SvB','FvT'}:
    #   c_logits = zeros(B, n_classes); q_logits = zeros(B, 3)
    #   for offset, network in enumerate(networks):
    #       mask = (e == offset)
    #       c_logits[mask], q_logits[mask] = network(j[mask])
    # Masked scatter-assignment expressed as jnp.where selection (same result).
    c = jnp.zeros((j.shape[0], C), dtype=j.dtype)
    q = jnp.zeros((j.shape[0], 3), dtype=j.dtype)
    for k in range(K):
        h = jax.nn.relu(j @ W1[k] + b1[k])
        ck = h @ Wc[k] + bc[k]
        qk = h @ Wq[k] + bq[k]
        m = (e == k)[:, None]
        c = jnp.where(m, ck, c)
        q = jnp.where(m, qk, q)
    c = c - c.mean(axis=-1, keepdims=True)
    q = q - q.mean(axis=-1, keepdims=True)
    return (c, q)

if __name__ == "__main__":
    import jax
    _d = setup_inputs()
    print(jax.jit(kernel)(*tuple(_d.values())))

</pallas_src>

<mosaic_0001>
#map = affine_map<(d0, d1) -> (0, 0)>
#map1 = affine_map<(d0, d1) -> (0)>
module attributes {stable_mosaic.version = 14 : i64} {
  func.func @_unperm_body(%arg0: i32, %arg1: i32, %arg2: memref<8960x128xf32, #tpu.memory_space<hbm>>, %arg3: memref<8192xi32, #tpu.memory_space<hbm>>, %arg4: memref<8192x128xf32, #tpu.memory_space<hbm>>, %arg5: memref<256xi32, #tpu.memory_space<vmem>>, %arg6: memref<256x128xf32, #tpu.memory_space<vmem>>, %arg7: memref<!tpu.dma_semaphore, #tpu.memory_space<semaphore_mem>>) attributes {dimension_semantics = [#tpu.dimension_semantics<core_parallel>, #tpu.dimension_semantics<subcore_parallel>], iteration_bounds = array<i64: 2, 16>, scalar_prefetch = 0 : i64, scratch_operands = 3 : i64, tpu.core_type = #tpu.core_type<sc_vector_subcore>, window_params = [{transform_indices = #map}, {transform_indices = #map1}, {transform_indices = #map}]} {
    %mul3A = arith.constant 2 : i32
    %mul3A_0 = arith.muli %arg1, %mul3A : i32
    %add3A = arith.addi %mul3A_0, %arg0 : i32
    %mul3A_1 = arith.constant 256 : i32
    %mul3A_2 = arith.muli %add3A, %mul3A_1 : i32
    "tpu.region"() ({
      %run_scoped3A = tpu.sem_alloc : memref<!tpu.dma_semaphore, #tpu.memory_space<semaphore_mem>>
      %dma_start3A_7 = tpu.memref_slice %arg3[%mul3A_2] : memref<8192xi32, #tpu.memory_space<hbm>> -> memref<256xi32, #tpu.memory_space<hbm>>
      %dma_start3A_8 = tpu.memref_slice %arg3[%mul3A_2] : memref<8192xi32, #tpu.memory_space<hbm>> -> memref<256xi32, #tpu.memory_space<hbm>>
      tpu.enqueue_dma source(%dma_start3A_8 : memref<256xi32, #tpu.memory_space<hbm>>) target(%arg5 : memref<256xi32, #tpu.memory_space<vmem>>) target_semaphore(%run_scoped3A : memref<!tpu.dma_semaphore, #tpu.memory_space<semaphore_mem>>)
      %dma_wait3A_9 = tpu.memref_slice %arg3[%mul3A_2] : memref<8192xi32, #tpu.memory_space<hbm>> -> memref<256xi32, #tpu.memory_space<hbm>>
      %dma_wait3A_10 = tpu.memref_slice %arg3[%mul3A_2] : memref<8192xi32, #tpu.memory_space<hbm>> -> memref<256xi32, #tpu.memory_space<hbm>>
      tpu.wait_dma2 semaphore(%run_scoped3A : memref<!tpu.dma_semaphore, #tpu.memory_space<semaphore_mem>>) src(%dma_wait3A_10 : memref<256xi32, #tpu.memory_space<hbm>>) dst(%arg5 : memref<256xi32, #tpu.memory_space<vmem>>)
      tpu.yield
    }) : () -> ()
    %dma_start3A = arith.constant 0 : i32
    %dma_start3A_3 = arith.constant 0 : i32
    %dma_start3A_4 = tpu.memref_slice %arg2[%dma_start3A, %dma_start3A_3] : memref<8960x128xf32, #tpu.memory_space<hbm>> -> memref<8960x128xf32, #tpu.memory_space<hbm>>
    tpu.enqueue_indirect_dma source(%dma_start3A_4 : memref<8960x128xf32, #tpu.memory_space<hbm>>) target(%arg6 : memref<256x128xf32, #tpu.memory_space<vmem>>) offsets(%arg5 : memref<256xi32, #tpu.memory_space<vmem>>) semaphore(%arg7 : memref<!tpu.dma_semaphore, #tpu.memory_space<semaphore_mem>>)
    %dma_wait3A = arith.constant 0 : i32
    %dma_wait3A_5 = arith.constant 0 : i32
    %dma_wait3A_6 = tpu.memref_slice %arg2[%dma_wait3A, %dma_wait3A_5] : memref<8960x128xf32, #tpu.memory_space<hbm>> -> memref<8960x128xf32, #tpu.memory_space<hbm>>
    tpu.wait_indirect_dma semaphore(%arg7 : memref<!tpu.dma_semaphore, #tpu.memory_space<semaphore_mem>>) src(%dma_wait3A_6 : memref<8960x128xf32, #tpu.memory_space<hbm>>) dst(%arg6 : memref<256x128xf32, #tpu.memory_space<vmem>>)
    "tpu.region"() ({
      %run_scoped3A = tpu.sem_alloc : memref<!tpu.dma_semaphore, #tpu.memory_space<semaphore_mem>>
      %dma_start3A_7 = arith.constant 0 : i32
      %dma_start3A_8 = tpu.memref_slice %arg4[%mul3A_2, %dma_start3A_7] : memref<8192x128xf32, #tpu.memory_space<hbm>> -> memref<256x128xf32, #tpu.memory_space<hbm>>
      %dma_start3A_9 = arith.constant 0 : i32
      %dma_start3A_10 = tpu.memref_slice %arg4[%mul3A_2, %dma_start3A_9] : memref<8192x128xf32, #tpu.memory_space<hbm>> -> memref<256x128xf32, #tpu.memory_space<hbm>>
      tpu.enqueue_dma source(%arg6 : memref<256x128xf32, #tpu.memory_space<vmem>>) target(%dma_start3A_10 : memref<256x128xf32, #tpu.memory_space<hbm>>) target_semaphore(%run_scoped3A : memref<!tpu.dma_semaphore, #tpu.memory_space<semaphore_mem>>)
      %dma_wait3A_11 = arith.constant 0 : i32
      %dma_wait3A_12 = tpu.memref_slice %arg4[%mul3A_2, %dma_wait3A_11] : memref<8192x128xf32, #tpu.memory_space<hbm>> -> memref<256x128xf32, #tpu.memory_space<hbm>>
      %dma_wait3A_13 = arith.constant 0 : i32
      %dma_wait3A_14 = tpu.memref_slice %arg4[%mul3A_2, %dma_wait3A_13] : memref<8192x128xf32, #tpu.memory_space<hbm>> -> memref<256x128xf32, #tpu.memory_space<hbm>>
      tpu.wait_dma2 semaphore(%run_scoped3A : memref<!tpu.dma_semaphore, #tpu.memory_space<semaphore_mem>>) src(%arg6 : memref<256x128xf32, #tpu.memory_space<vmem>>) dst(%dma_wait3A_14 : memref<256x128xf32, #tpu.memory_space<hbm>>)
      tpu.yield
    }) : () -> ()
    return
  }
}

#map = affine_map<(d0, d1) -> (0)>
#map1 = affine_map<(d0, d1) -> (0, 0)>
module attributes {stable_mosaic.version = 14 : i64} {
  func.func @_route_body(%arg0: i32, %arg1: i32, %arg2: memref<8192xi32, #tpu.memory_space<hbm>>, %arg3: memref<8192x1024xf32, #tpu.memory_space<hbm>>, %arg4: memref<8192xi32, #tpu.memory_space<hbm>>, %arg5: memref<48xi32, #tpu.memory_space<hbm>>, %arg6: memref<8960x1024xf32, #tpu.memory_space<hbm>>, %arg7: memref<8192xi32, #tpu.memory_space<vmem>>, %arg8: memref<256xi32, #tpu.memory_space<vmem>>, %arg9: memref<4x64xi32, #tpu.memory_space<vmem>>, %arg10: memref<64x1024xf32, #tpu.memory_space<vmem>>, %arg11: memref<48xi32, #tpu.memory_space<vmem>>, %arg12: memref<!tpu.dma_semaphore, #tpu.memory_space<semaphore_mem>>) attributes {dimension_semantics = [#tpu.dimension_semantics<core_parallel>, #tpu.dimension_semantics<subcore_parallel>], iteration_bounds = array<i64: 2, 16>, scalar_prefetch = 0 : i64, scratch_operands = 6 : i64, tpu.core_type = #tpu.core_type<sc_vector_subcore>, window_params = [{transform_indices = #map}, {transform_indices = #map1}, {transform_indices = #map}, {transform_indices = #map}, {transform_indices = #map1}]} {
    %mul3A = arith.constant 2 : i32
    %mul3A_0 = arith.muli %arg1, %mul3A : i32
    %add3A = arith.addi %mul3A_0, %arg0 : i32
    %iota3A = tpu.iota {dimensions = array<i32: 0>} : vector<16xi32>
    "tpu.region"() ({
      %run_scoped3A = tpu.sem_alloc : memref<!tpu.dma_semaphore, #tpu.memory_space<semaphore_mem>>
      tpu.enqueue_dma source(%arg2 : memref<8192xi32, #tpu.memory_space<hbm>>) target(%arg7 : memref<8192xi32, #tpu.memory_space<vmem>>) target_semaphore(%run_scoped3A : memref<!tpu.dma_semaphore, #tpu.memory_space<semaphore_mem>>)
      tpu.wait_dma2 semaphore(%run_scoped3A : memref<!tpu.dma_semaphore, #tpu.memory_space<semaphore_mem>>) src(%arg2 : memref<8192xi32, #tpu.memory_space<hbm>>) dst(%arg7 : memref<8192xi32, #tpu.memory_space<vmem>>)
      tpu.yield
    }) : () -> ()
    %mul3A_1 = arith.constant 16 : i32
    %mul3A_2 = arith.muli %add3A, %mul3A_1 : i32
    %broadcast_in_dim3A = arith.constant 0 : i32
    %broadcast_in_dim3A_3 = vector.broadcast %broadcast_in_dim3A : i32 to vector<16xi32>
    %scan3A = arith.constant 0 : i32
    %scan3A_4 = arith.constant 512 : i32
    %scan3A_5 = arith.addi %scan3A, %scan3A_4 : i32
    %scan3A_6 = arith.constant 1 : i32
    %scan3A_7:2 = scf.for %scan3A_1423 = %scan3A to %scan3A_5 step %scan3A_6 iter_args(%scan3A_1424 = %broadcast_in_dim3A_3, %scan3A_1425 = %broadcast_in_dim3A_3) -> (vector<16xi32>, vector<16xi32>)  : i32 {
      %mul3A_1426 = arith.constant 16 : i32
      %mul3A_1427 = arith.muli %scan3A_1423, %mul3A_1426 : i32
      %get3A_1428 = arith.index_cast %mul3A_1427 : i32 to index
      %get3A_1429 = tpu.vector_load %arg7[%get3A_1428] {strides = array<i32>} : memref<8192xi32, #tpu.memory_space<vmem>>, vector<16xi32>,
      %broadcast_in_dim3A_1430 = arith.constant 0 : i32
      %broadcast_in_dim3A_1431 = vector.broadcast %broadcast_in_dim3A_1430 : i32 to vector<16xi32>
      %eq3A_1432 = arith.constant 0 : i32
      %eq3A_1433 = vector.broadcast %eq3A_1432 : i32 to vector<16xi32>
      %eq3A_1434 = arith.cmpi eq, %get3A_1429, %eq3A_1433 : vector<16xi32>
      %convert_element_type3A_1435 = arith.extui %eq3A_1434 : vector<16xi1> to vector<16xi32>
      %reduce_sum3A_1436 = arith.constant true
      %reduce_sum3A_1437 = vector.broadcast %reduce_sum3A_1436 : i1 to vector<16xi1>
      %reduce_sum3A_1438 = tpu.scan <sum>, %convert_element_type3A_1435 masked %reduce_sum3A_1437 : vector<16xi32>, vector<16xi1> -> vector<16xi32>
      %reduce_sum3A_1439 = vector.extract %reduce_sum3A_1438[15] : i32 from vector<16xi32>
      %eq3A_1440 = arith.constant 0 : i32
      %eq3A_1441 = vector.broadcast %eq3A_1440 : i32 to vector<16xi32>
      %eq3A_1442 = arith.cmpi eq, %iota3A, %eq3A_1441 : vector<16xi32>
      %broadcast_in_dim3A_1443 = vector.broadcast %reduce_sum3A_1439 : i32 to vector<16xi32>
      %broadcast_in_dim3A_1444 = arith.constant 0 : i32
      %broadcast_in_dim3A_1445 = vector.broadcast %broadcast_in_dim3A_1444 : i32 to vector<16xi32>
      %select_n3A_1446 = arith.select %eq3A_1442, %broadcast_in_dim3A_1443, %broadcast_in_dim3A_1445 : vector<16xi1>, vector<16xi32>
      %add3A_1447 = arith.addi %broadcast_in_dim3A_1431, %select_n3A_1446 : vector<16xi32>
      %eq3A_1448 = arith.constant 1 : i32
      %eq3A_1449 = vector.broadcast %eq3A_1448 : i32 to vector<16xi32>
      %eq3A_1450 = arith.cmpi eq, %get3A_1429, %eq3A_1449 : vector<16xi32>
      %convert_element_type3A_1451 = arith.extui %eq3A_1450 : vector<16xi1> to vector<16xi32>
      %reduce_sum3A_1452 = arith.constant true
      %reduce_sum3A_1453 = vector.broadcast %reduce_sum3A_1452 : i1 to vector<16xi1>
      %reduce_sum3A_1454 = tpu.scan <sum>, %convert_element_type3A_1451 masked %reduce_sum3A_1453 : vector<16xi32>, vector<16xi1> -> vector<16xi32>
      %reduce_sum3A_1455 = vector.extract %reduce_sum3A_1454[15] : i32 from vector<16xi32>
      %eq3A_1456 = arith.constant 1 : i32
      %eq3A_1457 = vector.broadcast %eq3A_1456 : i32 to vector<16xi32>
      %eq3A_1458 = arith.cmpi eq, %iota3A, %eq3A_1457 : vector<16xi32>
      %broadcast_in_dim3A_1459 = vector.broadcast %reduce_sum3A_1455 : i32 to vector<16xi32>
      %broadcast_in_dim3A_1460 = arith.constant 0 : i32
      %broadcast_in_dim3A_1461 = vector.broadcast %broadcast_in_dim3A_1460 : i32 to vector<16xi32>
      %select_n3A_1462 = arith.select %eq3A_1458, %broadcast_in_dim3A_1459, %broadcast_in_dim3A_1461 : vector<16xi1>, vector<16xi32>
      %add3A_1463 = arith.addi %add3A_1447, %select_n3A_1462 : vector<16xi32>
      %eq3A_1464 = arith.constant 2 : i32
      %eq3A_1465 = vector.broadcast %eq3A_1464 : i32 to vector<16xi32>
      %eq3A_1466 = arith.cmpi eq, %get3A_1429, %eq3A_1465 : vector<16xi32>
      %convert_element_type3A_1467 = arith.extui %eq3A_1466 : vector<16xi1> to vector<16xi32>
      %reduce_sum3A_1468 = arith.constant true
      %reduce_sum3A_1469 = vector.broadcast %reduce_sum3A_1468 : i1 to vector<16xi1>
      %reduce_sum3A_1470 = tpu.scan <sum>, %convert_element_type3A_1467 masked %reduce_sum3A_1469 : vector<16xi32>, vector<16xi1> -> vector<16xi32>
      %reduce_sum3A_1471 = vector.extract %reduce_sum3A_1470[15] : i32 from vector<16xi32>
      %eq3A_1472 = arith.constant 2 : i32
      %eq3A_1473 = vector.broadcast %eq3A_1472 : i32 to vector<16xi32>
      %eq3A_1474 = arith.cmpi eq, %iota3A, %eq3A_1473 : vector<16xi32>
      %broadcast_in_dim3A_1475 = vector.broadcast %reduce_sum3A_1471 : i32 to vector<16xi32>
      %broadcast_in_dim3A_1476 = arith.constant 0 : i32
      %broadcast_in_dim3A_1477 = vector.broadcast %broadcast_in_dim3A_1476 : i32 to vector<16xi32>
      %select_n3A_1478 = arith.select %eq3A_1474, %broadcast_in_dim3A_1475, %broadcast_in_dim3A_1477 : vector<16xi1>, vector<16xi32>
      %add3A_1479 = arith.addi %add3A_1463, %select_n3A_1478 : vector<16xi32>
      %lt3A = arith.cmpi slt, %scan3A_1423, %mul3A_2 : i32
      %convert_element_type3A_1480 = arith.extui %lt3A : i1 to i32
      %broadcast_in_dim3A_1481 = vector.broadcast %convert_element_type3A_1480 : i32 to vector<16xi32>
      %mul3A_1482 = arith.muli %add3A_1479, %broadcast_in_dim3A_1481 : vector<16xi32>
      %add3A_1483 = arith.addi %scan3A_1424, %mul3A_1482 : vector<16xi32>
      %add3A_1484 = arith.addi %scan3A_1425, %add3A_1479 : vector<16xi32>
      scf.yield %add3A_1483, %add3A_1484 : vector<16xi32>, vector<16xi32>
    }
    %scan3A_8 = arith.constant 512 : i32
    %add3A_9 = arith.constant 255 : i32
    %add3A_10 = vector.broadcast %add3A_9 : i32 to vector<16xi32>
    %add3A_11 = arith.addi %scan3A_7#1, %add3A_10 : vector<16xi32>
    %jit3A = arith.constant 256 : i32
    %div3A = vector.broadcast %jit3A : i32 to vector<16xi32>
    %div3A_12 = arith.divsi %add3A_11, %div3A : vector<16xi32>
    %sign3A = arith.constant 0 : i32
    %sign3A_13 = vector.broadcast %sign3A : i32 to vector<16xi32>
    %sign3A_14 = arith.cmpi sgt, %add3A_11, %sign3A_13 : vector<16xi32>
    %sign3A_15 = arith.extui %sign3A_14 : vector<16xi1> to vector<16xi32>
    %sign3A_16 = arith.constant 0 : i32
    %sign3A_17 = vector.broadcast %sign3A_16 : i32 to vector<16xi32>
    %sign3A_18 = arith.cmpi slt, %add3A_11, %sign3A_17 : vector<16xi32>
    %sign3A_19 = arith.extui %sign3A_18 : vector<16xi1> to vector<16xi32>
    %sign3A_20 = arith.subi %sign3A_15, %sign3A_19 : vector<16xi32>
    %sign3A_21 = arith.constant 0 : i32
    %sign3A_22 = arith.cmpi sgt, %jit3A, %sign3A_21 : i32
    %sign3A_23 = arith.extui %sign3A_22 : i1 to i32
    %sign3A_24 = arith.constant 0 : i32
    %sign3A_25 = arith.cmpi slt, %jit3A, %sign3A_24 : i32
    %sign3A_26 = arith.extui %sign3A_25 : i1 to i32
    %sign3A_27 = arith.subi %sign3A_23, %sign3A_26 : i32
    %ne3A = vector.broadcast %sign3A_27 : i32 to vector<16xi32>
    %ne3A_28 = arith.cmpi ne, %sign3A_20, %ne3A : vector<16xi32>
    %rem3A = vector.broadcast %jit3A : i32 to vector<16xi32>
    %rem3A_29 = arith.remsi %add3A_11, %rem3A : vector<16xi32>
    %ne3A_30 = arith.constant 0 : i32
    %ne3A_31 = vector.broadcast %ne3A_30 : i32 to vector<16xi32>
    %ne3A_32 = arith.cmpi ne, %rem3A_29, %ne3A_31 : vector<16xi32>
    %and3A = arith.andi %ne3A_28, %ne3A_32 : vector<16xi1>
    %sub3A = arith.constant 1 : i32
    %sub3A_33 = vector.broadcast %sub3A : i32 to vector<16xi32>
    %sub3A_34 = arith.subi %div3A_12, %sub3A_33 : vector<16xi32>
    %select_n3A = arith.select %and3A, %sub3A_34, %div3A_12 : vector<16xi1>, vector<16xi32>
    %mul3A_35 = arith.constant 256 : i32
    %mul3A_36 = vector.broadcast %mul3A_35 : i32 to vector<16xi32>
    %mul3A_37 = arith.muli %select_n3A, %mul3A_36 : vector<16xi32>
    %broadcast_in_dim3A_38 = arith.constant true
    %broadcast_in_dim3A_39 = vector.broadcast %broadcast_in_dim3A_38 : i1 to vector<16xi1>
    %masked_cumsum3A = tpu.scan <sum>, %mul3A_37 masked %broadcast_in_dim3A_39 : vector<16xi32>, vector<16xi1> -> vector<16xi32>
    %sub3A_40 = arith.subi %masked_cumsum3A, %mul3A_37 : vector<16xi32>
    %add3A_41 = arith.addi %sub3A_40, %scan3A_7#0 : vector<16xi32>
    %eq3A = arith.constant 0 : i32
    %eq3A_42 = vector.broadcast %eq3A : i32 to vector<16xi32>
    %eq3A_43 = arith.cmpi eq, %iota3A, %eq3A_42 : vector<16xi32>
    %broadcast_in_dim3A_44 = arith.constant 0 : i32
    %broadcast_in_dim3A_45 = vector.broadcast %broadcast_in_dim3A_44 : i32 to vector<16xi32>
    %select_n3A_46 = arith.select %eq3A_43, %add3A_41, %broadcast_in_dim3A_45 : vector<16xi1>, vector<16xi32>
    %reduce_sum3A = arith.constant true
    %reduce_sum3A_47 = vector.broadcast %reduce_sum3A : i1 to vector<16xi1>
    %reduce_sum3A_48 = tpu.scan <sum>, %select_n3A_46 masked %reduce_sum3A_47 : vector<16xi32>, vector<16xi1> -> vector<16xi32>
    %reduce_sum3A_49 = vector.extract %reduce_sum3A_48[15] : i32 from vector<16xi32>
    %eq3A_50 = arith.constant 1 : i32
    %eq3A_51 = vector.broadcast %eq3A_50 : i32 to vector<16xi32>
    %eq3A_52 = arith.cmpi eq, %iota3A, %eq3A_51 : vector<16xi32>
    %broadcast_in_dim3A_53 = arith.constant 0 : i32
    %broadcast_in_dim3A_54 = vector.broadcast %broadcast_in_dim3A_53 : i32 to vector<16xi32>
    %select_n3A_55 = arith.select %eq3A_52, %add3A_41, %broadcast_in_dim3A_54 : vector<16xi1>, vector<16xi32>
    %reduce_sum3A_56 = arith.constant true
    %reduce_sum3A_57 = vector.broadcast %reduce_sum3A_56 : i1 to vector<16xi1>
    %reduce_sum3A_58 = tpu.scan <sum>, %select_n3A_55 masked %reduce_sum3A_57 : vector<16xi32>, vector<16xi1> -> vector<16xi32>
    %reduce_sum3A_59 = vector.extract %reduce_sum3A_58[15] : i32 from vector<16xi32>
    %eq3A_60 = arith.constant 2 : i32
    %eq3A_61 = vector.broadcast %eq3A_60 : i32 to vector<16xi32>
    %eq3A_62 = arith.cmpi eq, %iota3A, %eq3A_61 : vector<16xi32>
    %broadcast_in_dim3A_63 = arith.constant 0 : i32
    %broadcast_in_dim3A_64 = vector.broadcast %broadcast_in_dim3A_63 : i32 to vector<16xi32>
    %select_n3A_65 = arith.select %eq3A_62, %add3A_41, %broadcast_in_dim3A_64 : vector<16xi1>, vector<16xi32>
    %reduce_sum3A_66 = arith.constant true
    %reduce_sum3A_67 = vector.broadcast %reduce_sum3A_66 : i1 to vector<16xi1>
    %reduce_sum3A_68 = tpu.scan <sum>, %select_n3A_65 masked %reduce_sum3A_67 : vector<16xi32>, vector<16xi1> -> vector<16xi32>
    %reduce_sum3A_69 = vector.extract %reduce_sum3A_68[15] : i32 from vector<16xi32>
    %eq3A_70 = arith.constant 0 : i32
    %eq3A_71 = arith.cmpi eq, %add3A, %eq3A_70 : i32
    %convert_element_type3A = arith.extui %eq3A_71 : i1 to i32
    %cond3A = arith.constant 0 : i32
    %cond3A_72 = arith.cmpi ne, %convert_element_type3A, %cond3A : i32
    scf.if %cond3A_72 {
      %eq3A_1423 = arith.constant 0 : i32
      %eq3A_1424 = vector.broadcast %eq3A_1423 : i32 to vector<16xi32>
      %eq3A_1425 = arith.cmpi eq, %iota3A, %eq3A_1424 : vector<16xi32>
      %broadcast_in_dim3A_1426 = arith.constant 0 : i32
      %broadcast_in_dim3A_1427 = vector.broadcast %broadcast_in_dim3A_1426 : i32 to vector<16xi32>
      %select_n3A_1428 = arith.select %eq3A_1425, %sub3A_40, %broadcast_in_dim3A_1427 : vector<16xi1>, vector<16xi32>
      %reduce_sum3A_1429 = arith.constant true
      %reduce_sum3A_1430 = vector.broadcast %reduce_sum3A_1429 : i1 to vector<16xi1>
      %reduce_sum3A_1431 = tpu.scan <sum>, %select_n3A_1428 masked %reduce_sum3A_1430 : vector<16xi32>, vector<16xi1> -> vector<16xi32>
      %reduce_sum3A_1432 = vector.extract %reduce_sum3A_1431[15] : i32 from vector<16xi32>
      %jit3A_1433 = arith.constant 256 : i32
      %div3A_1434 = arith.divsi %reduce_sum3A_1432, %jit3A_1433 : i32
      %sign3A_1435 = arith.constant 0 : i32
      %sign3A_1436 = arith.cmpi sgt, %reduce_sum3A_1432, %sign3A_1435 : i32
      %sign3A_1437 = arith.extui %sign3A_1436 : i1 to i32
      %sign3A_1438 = arith.constant 0 : i32
      %sign3A_1439 = arith.cmpi slt, %reduce_sum3A_1432, %sign3A_1438 : i32
      %sign3A_1440 = arith.extui %sign3A_1439 : i1 to i32
      %sign3A_1441 = arith.subi %sign3A_1437, %sign3A_1440 : i32
      %sign3A_1442 = arith.constant 0 : i32
      %sign3A_1443 = arith.cmpi sgt, %jit3A_1433, %sign3A_1442 : i32
      %sign3A_1444 = arith.extui %sign3A_1443 : i1 to i32
      %sign3A_1445 = arith.constant 0 : i32
      %sign3A_1446 = arith.cmpi slt, %jit3A_1433, %sign3A_1445 : i32
      %sign3A_1447 = arith.extui %sign3A_1446 : i1 to i32
      %sign3A_1448 = arith.subi %sign3A_1444, %sign3A_1447 : i32
      %ne3A_1449 = arith.cmpi ne, %sign3A_1441, %sign3A_1448 : i32
      %rem3A_1450 = arith.remsi %reduce_sum3A_1432, %jit3A_1433 : i32
      %ne3A_1451 = arith.constant 0 : i32
      %ne3A_1452 = arith.cmpi ne, %rem3A_1450, %ne3A_1451 : i32
      %and3A_1453 = arith.andi %ne3A_1449, %ne3A_1452 : i1
      %sub3A_1454 = arith.constant 1 : i32
      %sub3A_1455 = arith.subi %div3A_1434, %sub3A_1454 : i32
      %select_n3A_1456 = arith.select %and3A_1453, %sub3A_1455, %div3A_1434 : i32
      %eq3A_1457 = arith.constant 1 : i32
      %eq3A_1458 = vector.broadcast %eq3A_1457 : i32 to vector<16xi32>
      %eq3A_1459 = arith.cmpi eq, %iota3A, %eq3A_1458 : vector<16xi32>
      %broadcast_in_dim3A_1460 = arith.constant 0 : i32
      %broadcast_in_dim3A_1461 = vector.broadcast %broadcast_in_dim3A_1460 : i32 to vector<16xi32>
      %select_n3A_1462 = arith.select %eq3A_1459, %sub3A_40, %broadcast_in_dim3A_1461 : vector<16xi1>, vector<16xi32>
      %reduce_sum3A_1463 = arith.constant true
      %reduce_sum3A_1464 = vector.broadcast %reduce_sum3A_1463 : i1 to vector<16xi1>
      %reduce_sum3A_1465 = tpu.scan <sum>, %select_n3A_1462 masked %reduce_sum3A_1464 : vector<16xi32>, vector<16xi1> -> vector<16xi32>
      %reduce_sum3A_1466 = vector.extract %reduce_sum3A_1465[15] : i32 from vector<16xi32>
      %jit3A_1467 = arith.constant 256 : i32
      %div3A_1468 = arith.divsi %reduce_sum3A_1466, %jit3A_1467 : i32
      %sign3A_1469 = arith.constant 0 : i32
      %sign3A_1470 = arith.cmpi sgt, %reduce_sum3A_1466, %sign3A_1469 : i32
      %sign3A_1471 = arith.extui %sign3A_1470 : i1 to i32
      %sign3A_1472 = arith.constant 0 : i32
      %sign3A_1473 = arith.cmpi slt, %reduce_sum3A_1466, %sign3A_1472 : i32
      %sign3A_1474 = arith.extui %sign3A_1473 : i1 to i32
      %sign3A_1475 = arith.subi %sign3A_1471, %sign3A_1474 : i32
      %sign3A_1476 = arith.constant 0 : i32
      %sign3A_1477 = arith.cmpi sgt, %jit3A_1467, %sign3A_1476 : i32
      %sign3A_1478 = arith.extui %sign3A_1477 : i1 to i32
      %sign3A_1479 = arith.constant 0 : i32
      %sign3A_1480 = arith.cmpi slt, %jit3A_1467, %sign3A_1479 : i32
      %sign3A_1481 = arith.extui %sign3A_1480 : i1 to i32
      %sign3A_1482 = arith.subi %sign3A_1478, %sign3A_1481 : i32
      %ne3A_1483 = arith.cmpi ne, %sign3A_1475, %sign3A_1482 : i32
      %rem3A_1484 = arith.remsi %reduce_sum3A_1466, %jit3A_1467 : i32
      %ne3A_1485 = arith.constant 0 : i32
      %ne3A_1486 = arith.cmpi ne, %rem3A_1484, %ne3A_1485 : i32
      %and3A_1487 = arith.andi %ne3A_1483, %ne3A_1486 : i1
      %sub3A_1488 = arith.constant 1 : i32
      %sub3A_1489 = arith.subi %div3A_1468, %sub3A_1488 : i32
      %select_n3A_1490 = arith.select %and3A_1487, %sub3A_1489, %div3A_1468 : i32
      %eq3A_1491 = arith.constant 2 : i32
      %eq3A_1492 = vector.broadcast %eq3A_1491 : i32 to vector<16xi32>
      %eq3A_1493 = arith.cmpi eq, %iota3A, %eq3A_1492 : vector<16xi32>
      %broadcast_in_dim3A_1494 = arith.constant 0 : i32
      %broadcast_in_dim3A_1495 = vector.broadcast %broadcast_in_dim3A_1494 : i32 to vector<16xi32>
      %select_n3A_1496 = arith.select %eq3A_1493, %sub3A_40, %broadcast_in_dim3A_1495 : vector<16xi1>, vector<16xi32>
      %reduce_sum3A_1497 = arith.constant true
      %reduce_sum3A_1498 = vector.broadcast %reduce_sum3A_1497 : i1 to vector<16xi1>
      %reduce_sum3A_1499 = tpu.scan <sum>, %select_n3A_1496 masked %reduce_sum3A_1498 : vector<16xi32>, vector<16xi1> -> vector<16xi32>
      %reduce_sum3A_1500 = vector.extract %reduce_sum3A_1499[15] : i32 from vector<16xi32>
      %jit3A_1501 = arith.constant 256 : i32
      %div3A_1502 = arith.divsi %reduce_sum3A_1500, %jit3A_1501 : i32
      %sign3A_1503 = arith.constant 0 : i32
      %sign3A_1504 = arith.cmpi sgt, %reduce_sum3A_1500, %sign3A_1503 : i32
      %sign3A_1505 = arith.extui %sign3A_1504 : i1 to i32
      %sign3A_1506 = arith.constant 0 : i32
      %sign3A_1507 = arith.cmpi slt, %reduce_sum3A_1500, %sign3A_1506 : i32
      %sign3A_1508 = arith.extui %sign3A_1507 : i1 to i32
      %sign3A_1509 = arith.subi %sign3A_1505, %sign3A_1508 : i32
      %sign3A_1510 = arith.constant 0 : i32
      %sign3A_1511 = arith.cmpi sgt, %jit3A_1501, %sign3A_1510 : i32
      %sign3A_1512 = arith.extui %sign3A_1511 : i1 to i32
      %sign3A_1513 = arith.constant 0 : i32
      %sign3A_1514 = arith.cmpi slt, %jit3A_1501, %sign3A_1513 : i32
      %sign3A_1515 = arith.extui %sign3A_1514 : i1 to i32
      %sign3A_1516 = arith.subi %sign3A_1512, %sign3A_1515 : i32
      %ne3A_1517 = arith.cmpi ne, %sign3A_1509, %sign3A_1516 : i32
      %rem3A_1518 = arith.remsi %reduce_sum3A_1500, %jit3A_1501 : i32
      %ne3A_1519 = arith.constant 0 : i32
      %ne3A_1520 = arith.cmpi ne, %rem3A_1518, %ne3A_1519 : i32
      %and3A_1521 = arith.andi %ne3A_1517, %ne3A_1520 : i1
      %sub3A_1522 = arith.constant 1 : i32
      %sub3A_1523 = arith.subi %div3A_1502, %sub3A_1522 : i32
      %select_n3A_1524 = arith.select %and3A_1521, %sub3A_1523, %div3A_1502 : i32
      %eq3A_1525 = arith.constant 0 : i32
      %eq3A_1526 = vector.broadcast %eq3A_1525 : i32 to vector<16xi32>
      %eq3A_1527 = arith.cmpi eq, %iota3A, %eq3A_1526 : vector<16xi32>
      %broadcast_in_dim3A_1528 = arith.constant 0 : i32
      %broadcast_in_dim3A_1529 = vector.broadcast %broadcast_in_dim3A_1528 : i32 to vector<16xi32>
      %select_n3A_1530 = arith.select %eq3A_1527, %mul3A_37, %broadcast_in_dim3A_1529 : vector<16xi1>, vector<16xi32>
      %reduce_sum3A_1531 = arith.constant true
      %reduce_sum3A_1532 = vector.broadcast %reduce_sum3A_1531 : i1 to vector<16xi1>
      %reduce_sum3A_1533 = tpu.scan <sum>, %select_n3A_1530 masked %reduce_sum3A_1532 : vector<16xi32>, vector<16xi1> -> vector<16xi32>
      %reduce_sum3A_1534 = vector.extract %reduce_sum3A_1533[15] : i32 from vector<16xi32>
      %jit3A_1535 = arith.constant 256 : i32
      %div3A_1536 = arith.divsi %reduce_sum3A_1534, %jit3A_1535 : i32
      %sign3A_1537 = arith.constant 0 : i32
      %sign3A_1538 = arith.cmpi sgt, %reduce_sum3A_1534, %sign3A_1537 : i32
      %sign3A_1539 = arith.extui %sign3A_1538 : i1 to i32
      %sign3A_1540 = arith.constant 0 : i32
      %sign3A_1541 = arith.cmpi slt, %reduce_sum3A_1534, %sign3A_1540 : i32
      %sign3A_1542 = arith.extui %sign3A_1541 : i1 to i32
      %sign3A_1543 = arith.subi %sign3A_1539, %sign3A_1542 : i32
      %sign3A_1544 = arith.constant 0 : i32
      %sign3A_1545 = arith.cmpi sgt, %jit3A_1535, %sign3A_1544 : i32
      %sign3A_1546 = arith.extui %sign3A_1545 : i1 to i32
      %sign3A_1547 = arith.constant 0 : i32
      %sign3A_1548 = arith.cmpi slt, %jit3A_1535, %sign3A_1547 : i32
      %sign3A_1549 = arith.extui %sign3A_1548 : i1 to i32
      %sign3A_1550 = arith.subi %sign3A_1546, %sign3A_1549 : i32
      %ne3A_1551 = arith.cmpi ne, %sign3A_1543, %sign3A_1550 : i32
      %rem3A_1552 = arith.remsi %reduce_sum3A_1534, %jit3A_1535 : i32
      %ne3A_1553 = arith.constant 0 : i32
      %ne3A_1554 = arith.cmpi ne, %rem3A_1552, %ne3A_1553 : i32
      %and3A_1555 = arith.andi %ne3A_1551, %ne3A_1554 : i1
      %sub3A_1556 = arith.constant 1 : i32
      %sub3A_1557 = arith.subi %div3A_1536, %sub3A_1556 : i32
      %select_n3A_1558 = arith.select %and3A_1555, %sub3A_1557, %div3A_1536 : i32
      %eq3A_1559 = arith.constant 1 : i32
      %eq3A_1560 = vector.broadcast %eq3A_1559 : i32 to vector<16xi32>
      %eq3A_1561 = arith.cmpi eq, %iota3A, %eq3A_1560 : vector<16xi32>
      %broadcast_in_dim3A_1562 = arith.constant 0 : i32
      %broadcast_in_dim3A_1563 = vector.broadcast %broadcast_in_dim3A_1562 : i32 to vector<16xi32>
      %select_n3A_1564 = arith.select %eq3A_1561, %mul3A_37, %broadcast_in_dim3A_1563 : vector<16xi1>, vector<16xi32>
      %reduce_sum3A_1565 = arith.constant true
      %reduce_sum3A_1566 = vector.broadcast %reduce_sum3A_1565 : i1 to vector<16xi1>
      %reduce_sum3A_1567 = tpu.scan <sum>, %select_n3A_1564 masked %reduce_sum3A_1566 : vector<16xi32>, vector<16xi1> -> vector<16xi32>
      %reduce_sum3A_1568 = vector.extract %reduce_sum3A_1567[15] : i32 from vector<16xi32>
      %jit3A_1569 = arith.constant 256 : i32
      %div3A_1570 = arith.divsi %reduce_sum3A_1568, %jit3A_1569 : i32
      %sign3A_1571 = arith.constant 0 : i32
      %sign3A_1572 = arith.cmpi sgt, %reduce_sum3A_1568, %sign3A_1571 : i32
      %sign3A_1573 = arith.extui %sign3A_1572 : i1 to i32
      %sign3A_1574 = arith.constant 0 : i32
      %sign3A_1575 = arith.cmpi slt, %reduce_sum3A_1568, %sign3A_1574 : i32
      %sign3A_1576 = arith.extui %sign3A_1575 : i1 to i32
      %sign3A_1577 = arith.subi %sign3A_1573, %sign3A_1576 : i32
      %sign3A_1578 = arith.constant 0 : i32
      %sign3A_1579 = arith.cmpi sgt, %jit3A_1569, %sign3A_1578 : i32
      %sign3A_1580 = arith.extui %sign3A_1579 : i1 to i32
      %sign3A_1581 = arith.constant 0 : i32
      %sign3A_1582 = arith.cmpi slt, %jit3A_1569, %sign3A_1581 : i32
      %sign3A_1583 = arith.extui %sign3A_1582 : i1 to i32
      %sign3A_1584 = arith.subi %sign3A_1580, %sign3A_1583 : i32
      %ne3A_1585 = arith.cmpi ne, %sign3A_1577, %sign3A_1584 : i32
      %rem3A_1586 = arith.remsi %reduce_sum3A_1568, %jit3A_1569 : i32
      %ne3A_1587 = arith.constant 0 : i32
      %ne3A_1588 = arith.cmpi ne, %rem3A_1586, %ne3A_1587 : i32
      %and3A_1589 = arith.andi %ne3A_1585, %ne3A_1588 : i1
      %sub3A_1590 = arith.constant 1 : i32
      %sub3A_1591 = arith.subi %div3A_1570, %sub3A_1590 : i32
      %select_n3A_1592 = arith.select %and3A_1589, %sub3A_1591, %div3A_1570 : i32
      %eq3A_1593 = arith.constant 2 : i32
      %eq3A_1594 = vector.broadcast %eq3A_1593 : i32 to vector<16xi32>
      %eq3A_1595 = arith.cmpi eq, %iota3A, %eq3A_1594 : vector<16xi32>
      %broadcast_in_dim3A_1596 = arith.constant 0 : i32
      %broadcast_in_dim3A_1597 = vector.broadcast %broadcast_in_dim3A_1596 : i32 to vector<16xi32>
      %select_n3A_1598 = arith.select %eq3A_1595, %mul3A_37, %broadcast_in_dim3A_1597 : vector<16xi1>, vector<16xi32>
      %reduce_sum3A_1599 = arith.constant true
      %reduce_sum3A_1600 = vector.broadcast %reduce_sum3A_1599 : i1 to vector<16xi1>
      %reduce_sum3A_1601 = tpu.scan <sum>, %select_n3A_1598 masked %reduce_sum3A_1600 : vector<16xi32>, vector<16xi1> -> vector<16xi32>
      %reduce_sum3A_1602 = vector.extract %reduce_sum3A_1601[15] : i32 from vector<16xi32>
      %jit3A_1603 = arith.constant 256 : i32
      %div3A_1604 = arith.divsi %reduce_sum3A_1602, %jit3A_1603 : i32
      %sign3A_1605 = arith.constant 0 : i32
      %sign3A_1606 = arith.cmpi sgt, %reduce_sum3A_1602, %sign3A_1605 : i32
      %sign3A_1607 = arith.extui %sign3A_1606 : i1 to i32
      %sign3A_1608 = arith.constant 0 : i32
      %sign3A_1609 = arith.cmpi slt, %reduce_sum3A_1602, %sign3A_1608 : i32
      %sign3A_1610 = arith.extui %sign3A_1609 : i1 to i32
      %sign3A_1611 = arith.subi %sign3A_1607, %sign3A_1610 : i32
      %sign3A_1612 = arith.constant 0 : i32
      %sign3A_1613 = arith.cmpi sgt, %jit3A_1603, %sign3A_1612 : i32
      %sign3A_1614 = arith.extui %sign3A_1613 : i1 to i32
      %sign3A_1615 = arith.constant 0 : i32
      %sign3A_1616 = arith.cmpi slt, %jit3A_1603, %sign3A_1615 : i32
      %sign3A_1617 = arith.extui %sign3A_1616 : i1 to i32
      %sign3A_1618 = arith.subi %sign3A_1614, %sign3A_1617 : i32
      %ne3A_1619 = arith.cmpi ne, %sign3A_1611, %sign3A_1618 : i32
      %rem3A_1620 = arith.remsi %reduce_sum3A_1602, %jit3A_1603 : i32
      %ne3A_1621 = arith.constant 0 : i32
      %ne3A_1622 = arith.cmpi ne, %rem3A_1620, %ne3A_1621 : i32
      %and3A_1623 = arith.andi %ne3A_1619, %ne3A_1622 : i1
      %sub3A_1624 = arith.constant 1 : i32
      %sub3A_1625 = arith.subi %div3A_1604, %sub3A_1624 : i32
      %select_n3A_1626 = arith.select %and3A_1623, %sub3A_1625, %div3A_1604 : i32
      %add3A_1627 = arith.constant 0 : i32
      %add3A_1628 = vector.broadcast %add3A_1627 : i32 to vector<16xi32>
      %add3A_1629 = arith.addi %add3A_1628, %iota3A : vector<16xi32>
      %broadcast_in_dim3A_1630 = arith.constant 0 : i32
      %broadcast_in_dim3A_1631 = vector.broadcast %broadcast_in_dim3A_1630 : i32 to vector<16xi32>
      %broadcast_in_dim3A_1632 = vector.broadcast %select_n3A_1490 : i32 to vector<16xi32>
      %add3A_1633 = arith.addi %select_n3A_1490, %select_n3A_1592 : i32
      %broadcast_in_dim3A_1634 = vector.broadcast %add3A_1633 : i32 to vector<16xi32>
      %ge3A = arith.cmpi sge, %add3A_1629, %broadcast_in_dim3A_1632 : vector<16xi32>
      %lt3A = arith.cmpi slt, %add3A_1629, %broadcast_in_dim3A_1634 : vector<16xi32>
      %and3A_1635 = arith.andi %ge3A, %lt3A : vector<16xi1>
      %broadcast_in_dim3A_1636 = arith.constant 1 : i32
      %broadcast_in_dim3A_1637 = vector.broadcast %broadcast_in_dim3A_1636 : i32 to vector<16xi32>
      %broadcast_in_dim3A_1638 = arith.constant 0 : i32
      %broadcast_in_dim3A_1639 = vector.broadcast %broadcast_in_dim3A_1638 : i32 to vector<16xi32>
      %select_n3A_1640 = arith.select %and3A_1635, %broadcast_in_dim3A_1637, %broadcast_in_dim3A_1639 : vector<16xi1>, vector<16xi32>
      %add3A_1641 = arith.addi %broadcast_in_dim3A_1631, %select_n3A_1640 : vector<16xi32>
      %broadcast_in_dim3A_1642 = vector.broadcast %select_n3A_1524 : i32 to vector<16xi32>
      %add3A_1643 = arith.addi %select_n3A_1524, %select_n3A_1626 : i32
      %broadcast_in_dim3A_1644 = vector.broadcast %add3A_1643 : i32 to vector<16xi32>
      %ge3A_1645 = arith.cmpi sge, %add3A_1629, %broadcast_in_dim3A_1642 : vector<16xi32>
      %lt3A_1646 = arith.cmpi slt, %add3A_1629, %broadcast_in_dim3A_1644 : vector<16xi32>
      %and3A_1647 = arith.andi %ge3A_1645, %lt3A_1646 : vector<16xi1>
      %broadcast_in_dim3A_1648 = arith.constant 2 : i32
      %broadcast_in_dim3A_1649 = vector.broadcast %broadcast_in_dim3A_1648 : i32 to vector<16xi32>
      %broadcast_in_dim3A_1650 = arith.constant 0 : i32
      %broadcast_in_dim3A_1651 = vector.broadcast %broadcast_in_dim3A_1650 : i32 to vector<16xi32>
      %select_n3A_1652 = arith.select %and3A_1647, %broadcast_in_dim3A_1649, %broadcast_in_dim3A_1651 : vector<16xi1>, vector<16xi32>
      %add3A_1653 = arith.addi %add3A_1641, %select_n3A_1652 : vector<16xi32>
      %swap3A_1654 = arith.constant 0 : index
      %swap3A_1655 = tpu.vector_load %arg11[%swap3A_1654] {strides = array<i32>} : memref<48xi32, #tpu.memory_space<vmem>>, vector<16xi32>,
      tpu.vector_store %arg11[%swap3A_1654], %add3A_1653 {strides = array<i32>} : memref<48xi32, #tpu.memory_space<vmem>>, vector<16xi32>,
      %add3A_1656 = arith.constant 16 : i32
      %add3A_1657 = vector.broadcast %add3A_1656 : i32 to vector<16xi32>
      %add3A_1658 = arith.addi %add3A_1657, %iota3A : vector<16xi32>
      %broadcast_in_dim3A_1659 = arith.constant 0 : i32
      %broadcast_in_dim3A_1660 = vector.broadcast %broadcast_in_dim3A_1659 : i32 to vector<16xi32>
      %broadcast_in_dim3A_1661 = vector.broadcast %select_n3A_1490 : i32 to vector<16xi32>
      %add3A_1662 = arith.addi %select_n3A_1490, %select_n3A_1592 : i32
      %broadcast_in_dim3A_1663 = vector.broadcast %add3A_1662 : i32 to vector<16xi32>
      %ge3A_1664 = arith.cmpi sge, %add3A_1658, %broadcast_in_dim3A_1661 : vector<16xi32>
      %lt3A_1665 = arith.cmpi slt, %add3A_1658, %broadcast_in_dim3A_1663 : vector<16xi32>
      %and3A_1666 = arith.andi %ge3A_1664, %lt3A_1665 : vector<16xi1>
      %broadcast_in_dim3A_1667 = arith.constant 1 : i32
      %broadcast_in_dim3A_1668 = vector.broadcast %broadcast_in_dim3A_1667 : i32 to vector<16xi32>
      %broadcast_in_dim3A_1669 = arith.constant 0 : i32
      %broadcast_in_dim3A_1670 = vector.broadcast %broadcast_in_dim3A_1669 : i32 to vector<16xi32>
      %select_n3A_1671 = arith.select %and3A_1666, %broadcast_in_dim3A_1668, %broadcast_in_dim3A_1670 : vector<16xi1>, vector<16xi32>
      %add3A_1672 = arith.addi %broadcast_in_dim3A_1660, %select_n3A_1671 : vector<16xi32>
      %broadcast_in_dim3A_1673 = vector.broadcast %select_n3A_1524 : i32 to vector<16xi32>
      %add3A_1674 = arith.addi %select_n3A_1524, %select_n3A_1626 : i32
      %broadcast_in_dim3A_1675 = vector.broadcast %add3A_1674 : i32 to vector<16xi32>
      %ge3A_1676 = arith.cmpi sge, %add3A_1658, %broadcast_in_dim3A_1673 : vector<16xi32>
      %lt3A_1677 = arith.cmpi slt, %add3A_1658, %broadcast_in_dim3A_1675 : vector<16xi32>
      %and3A_1678 = arith.andi %ge3A_1676, %lt3A_1677 : vector<16xi1>
      %broadcast_in_dim3A_1679 = arith.constant 2 : i32
      %broadcast_in_dim3A_1680 = vector.broadcast %broadcast_in_dim3A_1679 : i32 to vector<16xi32>
      %broadcast_in_dim3A_1681 = arith.constant 0 : i32
      %broadcast_in_dim3A_1682 = vector.broadcast %broadcast_in_dim3A_1681 : i32 to vector<16xi32>
      %select_n3A_1683 = arith.select %and3A_1678, %broadcast_in_dim3A_1680, %broadcast_in_dim3A_1682 : vector<16xi1>, vector<16xi32>
      %add3A_1684 = arith.addi %add3A_1672, %select_n3A_1683 : vector<16xi32>
      %swap3A_1685 = arith.constant 16 : index
      %swap3A_1686 = tpu.vector_load %arg11[%swap3A_1685] {strides = array<i32>} : memref<48xi32, #tpu.memory_space<vmem>>, vector<16xi32>,
      tpu.vector_store %arg11[%swap3A_1685], %add3A_1684 {strides = array<i32>} : memref<48xi32, #tpu.memory_space<vmem>>, vector<16xi32>,
      %add3A_1687 = arith.constant 32 : i32
      %add3A_1688 = vector.broadcast %add3A_1687 : i32 to vector<16xi32>
      %add3A_1689 = arith.addi %add3A_1688, %iota3A : vector<16xi32>
      %broadcast_in_dim3A_1690 = arith.constant 0 : i32
      %broadcast_in_dim3A_1691 = vector.broadcast %broadcast_in_dim3A_1690 : i32 to vector<16xi32>
      %broadcast_in_dim3A_1692 = vector.broadcast %select_n3A_1490 : i32 to vector<16xi32>
      %add3A_1693 = arith.addi %select_n3A_1490, %select_n3A_1592 : i32
      %broadcast_in_dim3A_1694 = vector.broadcast %add3A_1693 : i32 to vector<16xi32>
      %ge3A_1695 = arith.cmpi sge, %add3A_1689, %broadcast_in_dim3A_1692 : vector<16xi32>
      %lt3A_1696 = arith.cmpi slt, %add3A_1689, %broadcast_in_dim3A_1694 : vector<16xi32>
      %and3A_1697 = arith.andi %ge3A_1695, %lt3A_1696 : vector<16xi1>
      %broadcast_in_dim3A_1698 = arith.constant 1 : i32
      %broadcast_in_dim3A_1699 = vector.broadcast %broadcast_in_dim3A_1698 : i32 to vector<16xi32>
      %broadcast_in_dim3A_1700 = arith.constant 0 : i32
      %broadcast_in_dim3A_1701 = vector.broadcast %broadcast_in_dim3A_1700 : i32 to vector<16xi32>
      %select_n3A_1702 = arith.select %and3A_1697, %broadcast_in_dim3A_1699, %broadcast_in_dim3A_1701 : vector<16xi1>, vector<16xi32>
      %add3A_1703 = arith.addi %broadcast_in_dim3A_1691, %select_n3A_1702 : vector<16xi32>
      %broadcast_in_dim3A_1704 = vector.broadcast %select_n3A_1524 : i32 to vector<16xi32>
      %add3A_1705 = arith.addi %select_n3A_1524, %select_n3A_1626 : i32
      %broadcast_in_dim3A_1706 = vector.broadcast %add3A_1705 : i32 to vector<16xi32>
      %ge3A_1707 = arith.cmpi sge, %add3A_1689, %broadcast_in_dim3A_1704 : vector<16xi32>
      %lt3A_1708 = arith.cmpi slt, %add3A_1689, %broadcast_in_dim3A_1706 : vector<16xi32>
      %and3A_1709 = arith.andi %ge3A_1707, %lt3A_1708 : vector<16xi1>
      %broadcast_in_dim3A_1710 = arith.constant 2 : i32
      %broadcast_in_dim3A_1711 = vector.broadcast %broadcast_in_dim3A_1710 : i32 to vector<16xi32>
      %broadcast_in_dim3A_1712 = arith.constant 0 : i32
      %broadcast_in_dim3A_1713 = vector.broadcast %broadcast_in_dim3A_1712 : i32 to vector<16xi32>
      %select_n3A_1714 = arith.select %and3A_1709, %broadcast_in_dim3A_1711, %broadcast_in_dim3A_1713 : vector<16xi1>, vector<16xi32>
      %add3A_1715 = arith.addi %add3A_1703, %select_n3A_1714 : vector<16xi32>
      %swap3A_1716 = arith.constant 32 : index
      %swap3A_1717 = tpu.vector_load %arg11[%swap3A_1716] {strides = array<i32>} : memref<48xi32, #tpu.memory_space<vmem>>, vector<16xi32>,
      tpu.vector_store %arg11[%swap3A_1716], %add3A_1715 {strides = array<i32>} : memref<48xi32, #tpu.memory_space<vmem>>, vector<16xi32>,
      "tpu.region"() ({
        %run_scoped3A = tpu.sem_alloc : memref<!tpu.dma_semaphore, #tpu.memory_space<semaphore_mem>>
        tpu.enqueue_dma source(%arg11 : memref<48xi32, #tpu.memory_space<vmem>>) target(%arg5 : memref<48xi32, #tpu.memory_space<hbm>>) target_semaphore(%run_scoped3A : memref<!tpu.dma_semaphore, #tpu.memory_space<semaphore_mem>>)
        tpu.wait_dma2 semaphore(%run_scoped3A : memref<!tpu.dma_semaphore, #tpu.memory_space<semaphore_mem>>) src(%arg11 : memref<48xi32, #tpu.memory_space<vmem>>) dst(%arg5 : memref<48xi32, #tpu.memory_space<hbm>>)
        tpu.yield
      }) : () -> ()
    } else {
    }
    %mul3A_73 = arith.constant 256 : i32
    %mul3A_74 = arith.muli %add3A, %mul3A_73 : i32
    %add3A_75 = arith.constant 0 : i32
    %add3A_76 = arith.addi %mul3A_74, %add3A_75 : i32
    %get3A = arith.index_cast %add3A_76 : i32 to index
    %get3A_77 = tpu.vector_load %arg7[%get3A] {strides = array<i32>} : memref<8192xi32, #tpu.memory_space<vmem>>, vector<16xi32>,
    %broadcast_in_dim3A_78 = arith.constant 0 : i32
    %broadcast_in_dim3A_79 = vector.broadcast %broadcast_in_dim3A_78 : i32 to vector<16xi32>
    %eq3A_80 = arith.constant 0 : i32
    %eq3A_81 = vector.broadcast %eq3A_80 : i32 to vector<16xi32>
    %eq3A_82 = arith.cmpi eq, %get3A_77, %eq3A_81 : vector<16xi32>
    %convert_element_type3A_83 = arith.extui %eq3A_82 : vector<16xi1> to vector<16xi32>
    %broadcast_in_dim3A_84 = arith.constant true
    %broadcast_in_dim3A_85 = vector.broadcast %broadcast_in_dim3A_84 : i1 to vector<16xi1>
    %masked_cumsum3A_86 = tpu.scan <sum>, %convert_element_type3A_83 masked %broadcast_in_dim3A_85 : vector<16xi32>, vector<16xi1> -> vector<16xi32>
    %broadcast_in_dim3A_87 = vector.broadcast %reduce_sum3A_49 : i32 to vector<16xi32>
    %add3A_88 = arith.addi %broadcast_in_dim3A_87, %masked_cumsum3A_86 : vector<16xi32>
    %sub3A_89 = arith.constant 1 : i32
    %sub3A_90 = vector.broadcast %sub3A_89 : i32 to vector<16xi32>
    %sub3A_91 = arith.subi %add3A_88, %sub3A_90 : vector<16xi32>
    %broadcast_in_dim3A_92 = arith.constant 0 : i32
    %broadcast_in_dim3A_93 = vector.broadcast %broadcast_in_dim3A_92 : i32 to vector<16xi32>
    %select_n3A_94 = arith.select %eq3A_82, %sub3A_91, %broadcast_in_dim3A_93 : vector<16xi1>, vector<16xi32>
    %add3A_95 = arith.addi %broadcast_in_dim3A_79, %select_n3A_94 : vector<16xi32>
    %convert_element_type3A_96 = arith.extui %eq3A_82 : vector<16xi1> to vector<16xi32>
    %reduce_sum3A_97 = arith.constant true
    %reduce_sum3A_98 = vector.broadcast %reduce_sum3A_97 : i1 to vector<16xi1>
    %reduce_sum3A_99 = tpu.scan <sum>, %convert_element_type3A_96 masked %reduce_sum3A_98 : vector<16xi32>, vector<16xi1> -> vector<16xi32>
    %reduce_sum3A_100 = vector.extract %reduce_sum3A_99[15] : i32 from vector<16xi32>
    %add3A_101 = arith.addi %reduce_sum3A_49, %reduce_sum3A_100 : i32
    %eq3A_102 = arith.constant 1 : i32
    %eq3A_103 = vector.broadcast %eq3A_102 : i32 to vector<16xi32>
    %eq3A_104 = arith.cmpi eq, %get3A_77, %eq3A_103 : vector<16xi32>
    %convert_element_type3A_105 = arith.extui %eq3A_104 : vector<16xi1> to vector<16xi32>
    %broadcast_in_dim3A_106 = arith.constant true
    %broadcast_in_dim3A_107 = vector.broadcast %broadcast_in_dim3A_106 : i1 to vector<16xi1>
    %masked_cumsum3A_108 = tpu.scan <sum>, %convert_element_type3A_105 masked %broadcast_in_dim3A_107 : vector<16xi32>, vector<16xi1> -> vector<16xi32>
    %broadcast_in_dim3A_109 = vector.broadcast %reduce_sum3A_59 : i32 to vector<16xi32>
    %add3A_110 = arith.addi %broadcast_in_dim3A_109, %masked_cumsum3A_108 : vector<16xi32>
    %sub3A_111 = arith.constant 1 : i32
    %sub3A_112 = vector.broadcast %sub3A_111 : i32 to vector<16xi32>
    %sub3A_113 = arith.subi %add3A_110, %sub3A_112 : vector<16xi32>
    %broadcast_in_dim3A_114 = arith.constant 0 : i32
    %broadcast_in_dim3A_115 = vector.broadcast %broadcast_in_dim3A_114 : i32 to vector<16xi32>
    %select_n3A_116 = arith.select %eq3A_104, %sub3A_113, %broadcast_in_dim3A_115 : vector<16xi1>, vector<16xi32>
    %add3A_117 = arith.addi %add3A_95, %select_n3A_116 : vector<16xi32>
    %convert_element_type3A_118 = arith.extui %eq3A_104 : vector<16xi1> to vector<16xi32>
    %reduce_sum3A_119 = arith.constant true
    %reduce_sum3A_120 = vector.broadcast %reduce_sum3A_119 : i1 to vector<16xi1>
    %reduce_sum3A_121 = tpu.scan <sum>, %convert_element_type3A_118 masked %reduce_sum3A_120 : vector<16xi32>, vector<16xi1> -> vector<16xi32>
    %reduce_sum3A_122 = vector.extract %reduce_sum3A_121[15] : i32 from vector<16xi32>
    %add3A_123 = arith.addi %reduce_sum3A_59, %reduce_sum3A_122 : i32
    %eq3A_124 = arith.constant 2 : i32
    %eq3A_125 = vector.broadcast %eq3A_124 : i32 to vector<16xi32>
    %eq3A_126 = arith.cmpi eq, %get3A_77, %eq3A_125 : vector<16xi32>
    %convert_element_type3A_127 = arith.extui %eq3A_126 : vector<16xi1> to vector<16xi32>
    %broadcast_in_dim3A_128 = arith.constant true
    %broadcast_in_dim3A_129 = vector.broadcast %broadcast_in_dim3A_128 : i1 to vector<16xi1>
    %masked_cumsum3A_130 = tpu.scan <sum>, %convert_element_type3A_127 masked %broadcast_in_dim3A_129 : vector<16xi32>, vector<16xi1> -> vector<16xi32>
    %broadcast_in_dim3A_131 = vector.broadcast %reduce_sum3A_69 : i32 to vector<16xi32>
    %add3A_132 = arith.addi %broadcast_in_dim3A_131, %masked_cumsum3A_130 : vector<16xi32>
    %sub3A_133 = arith.constant 1 : i32
    %sub3A_134 = vector.broadcast %sub3A_133 : i32 to vector<16xi32>
    %sub3A_135 = arith.subi %add3A_132, %sub3A_134 : vector<16xi32>
    %broadcast_in_dim3A_136 = arith.constant 0 : i32
    %broadcast_in_dim3A_137 = vector.broadcast %broadcast_in_dim3A_136 : i32 to vector<16xi32>
    %select_n3A_138 = arith.select %eq3A_126, %sub3A_135, %broadcast_in_dim3A_137 : vector<16xi1>, vector<16xi32>
    %add3A_139 = arith.addi %add3A_117, %select_n3A_138 : vector<16xi32>
    %convert_element_type3A_140 = arith.extui %eq3A_126 : vector<16xi1> to vector<16xi32>
    %reduce_sum3A_141 = arith.constant true
    %reduce_sum3A_142 = vector.broadcast %reduce_sum3A_141 : i1 to vector<16xi1>
    %reduce_sum3A_143 = tpu.scan <sum>, %convert_element_type3A_140 masked %reduce_sum3A_142 : vector<16xi32>, vector<16xi1> -> vector<16xi32>
    %reduce_sum3A_144 = vector.extract %reduce_sum3A_143[15] : i32 from vector<16xi32>
    %add3A_145 = arith.addi %reduce_sum3A_69, %reduce_sum3A_144 : i32
    %swap3A = arith.constant 0 : index
    %swap3A_146 = tpu.vector_load %arg8[%swap3A] {strides = array<i32>} : memref<256xi32, #tpu.memory_space<vmem>>, vector<16xi32>,
    tpu.vector_store %arg8[%swap3A], %add3A_139 {strides = array<i32>} : memref<256xi32, #tpu.memory_space<vmem>>, vector<16xi32>,
    %swap3A_147 = arith.constant 0 : i32
    %swap3A_148 = arith.index_cast %swap3A_147 : i32 to index
    %swap3A_149 = arith.constant 0 : index
    %swap3A_150 = tpu.vector_load %arg9[%swap3A_148, %swap3A_149] {strides = array<i32>} : memref<4x64xi32, #tpu.memory_space<vmem>>, vector<16xi32>,
    tpu.vector_store %arg9[%swap3A_148, %swap3A_149], %add3A_139 {strides = array<i32>} : memref<4x64xi32, #tpu.memory_space<vmem>>, vector<16xi32>,
    %mul3A_151 = arith.constant 256 : i32
    %mul3A_152 = arith.muli %add3A, %mul3A_151 : i32
    %add3A_153 = arith.constant 16 : i32
    %add3A_154 = arith.addi %mul3A_152, %add3A_153 : i32
    %get3A_155 = arith.index_cast %add3A_154 : i32 to index
    %get3A_156 = tpu.vector_load %arg7[%get3A_155] {strides = array<i32>} : memref<8192xi32, #tpu.memory_space<vmem>>, vector<16xi32>,
    %broadcast_in_dim3A_157 = arith.constant 0 : i32
    %broadcast_in_dim3A_158 = vector.broadcast %broadcast_in_dim3A_157 : i32 to vector<16xi32>
    %eq3A_159 = arith.constant 0 : i32
    %eq3A_160 = vector.broadcast %eq3A_159 : i32 to vector<16xi32>
    %eq3A_161 = arith.cmpi eq, %get3A_156, %eq3A_160 : vector<16xi32>
    %convert_element_type3A_162 = arith.extui %eq3A_161 : vector<16xi1> to vector<16xi32>
    %broadcast_in_dim3A_163 = arith.constant true
    %broadcast_in_dim3A_164 = vector.broadcast %broadcast_in_dim3A_163 : i1 to vector<16xi1>
    %masked_cumsum3A_165 = tpu.scan <sum>, %convert_element_type3A_162 masked %broadcast_in_dim3A_164 : vector<16xi32>, vector<16xi1> -> vector<16xi32>
    %broadcast_in_dim3A_166 = vector.broadcast %add3A_101 : i32 to vector<16xi32>
    %add3A_167 = arith.addi %broadcast_in_dim3A_166, %masked_cumsum3A_165 : vector<16xi32>
    %sub3A_168 = arith.constant 1 : i32
    %sub3A_169 = vector.broadcast %sub3A_168 : i32 to vector<16xi32>
    %sub3A_170 = arith.subi %add3A_167, %sub3A_169 : vector<16xi32>
    %broadcast_in_dim3A_171 = arith.constant 0 : i32
    %broadcast_in_dim3A_172 = vector.broadcast %broadcast_in_dim3A_171 : i32 to vector<16xi32>
    %select_n3A_173 = arith.select %eq3A_161, %sub3A_170, %broadcast_in_dim3A_172 : vector<16xi1>, vector<16xi32>
    %add3A_174 = arith.addi %broadcast_in_dim3A_158, %select_n3A_173 : vector<16xi32>
    %convert_element_type3A_175 = arith.extui %eq3A_161 : vector<16xi1> to vector<16xi32>
    %reduce_sum3A_176 = arith.constant true
    %reduce_sum3A_177 = vector.broadcast %reduce_sum3A_176 : i1 to vector<16xi1>
    %reduce_sum3A_178 = tpu.scan <sum>, %convert_element_type3A_175 masked %reduce_sum3A_177 : vector<16xi32>, vector<16xi1> -> vector<16xi32>
    %reduce_sum3A_179 = vector.extract %reduce_sum3A_178[15] : i32 from vector<16xi32>
    %add3A_180 = arith.addi %add3A_101, %reduce_sum3A_179 : i32
    %eq3A_181 = arith.constant 1 : i32
    %eq3A_182 = vector.broadcast %eq3A_181 : i32 to vector<16xi32>
    %eq3A_183 = arith.cmpi eq, %get3A_156, %eq3A_182 : vector<16xi32>
    %convert_element_type3A_184 = arith.extui %eq3A_183 : vector<16xi1> to vector<16xi32>
    %broadcast_in_dim3A_185 = arith.constant true
    %broadcast_in_dim3A_186 = vector.broadcast %broadcast_in_dim3A_185 : i1 to vector<16xi1>
    %masked_cumsum3A_187 = tpu.scan <sum>, %convert_element_type3A_184 masked %broadcast_in_dim3A_186 : vector<16xi32>, vector<16xi1> -> vector<16xi32>
    %broadcast_in_dim3A_188 = vector.broadcast %add3A_123 : i32 to vector<16xi32>
    %add3A_189 = arith.addi %broadcast_in_dim3A_188, %masked_cumsum3A_187 : vector<16xi32>
    %sub3A_190 = arith.constant 1 : i32
    %sub3A_191 = vector.broadcast %sub3A_190 : i32 to vector<16xi32>
    %sub3A_192 = arith.subi %add3A_189, %sub3A_191 : vector<16xi32>
    %broadcast_in_dim3A_193 = arith.constant 0 : i32
    %broadcast_in_dim3A_194 = vector.broadcast %broadcast_in_dim3A_193 : i32 to vector<16xi32>
    %select_n3A_195 = arith.select %eq3A_183, %sub3A_192, %broadcast_in_dim3A_194 : vector<16xi1>, vector<16xi32>
    %add3A_196 = arith.addi %add3A_174, %select_n3A_195 : vector<16xi32>
    %convert_element_type3A_197 = arith.extui %eq3A_183 : vector<16xi1> to vector<16xi32>
    %reduce_sum3A_198 = arith.constant true
    %reduce_sum3A_199 = vector.broadcast %reduce_sum3A_198 : i1 to vector<16xi1>
    %reduce_sum3A_200 = tpu.scan <sum>, %convert_element_type3A_197 masked %reduce_sum3A_199 : vector<16xi32>, vector<16xi1> -> vector<16xi32>
    %reduce_sum3A_201 = vector.extract %reduce_sum3A_200[15] : i32 from vector<16xi32>
    %add3A_202 = arith.addi %add3A_123, %reduce_sum3A_201 : i32
    %eq3A_203 = arith.constant 2 : i32
    %eq3A_204 = vector.broadcast %eq3A_203 : i32 to vector<16xi32>
    %eq3A_205 = arith.cmpi eq, %get3A_156, %eq3A_204 : vector<16xi32>
    %convert_element_type3A_206 = arith.extui %eq3A_205 : vector<16xi1> to vector<16xi32>
    %broadcast_in_dim3A_207 = arith.constant true
    %broadcast_in_dim3A_208 = vector.broadcast %broadcast_in_dim3A_207 : i1 to vector<16xi1>
    %masked_cumsum3A_209 = tpu.scan <sum>, %convert_element_type3A_206 masked %broadcast_in_dim3A_208 : vector<16xi32>, vector<16xi1> -> vector<16xi32>
    %broadcast_in_dim3A_210 = vector.broadcast %add3A_145 : i32 to vector<16xi32>
    %add3A_211 = arith.addi %broadcast_in_dim3A_210, %masked_cumsum3A_209 : vector<16xi32>
    %sub3A_212 = arith.constant 1 : i32
    %sub3A_213 = vector.broadcast %sub3A_212 : i32 to vector<16xi32>
    %sub3A_214 = arith.subi %add3A_211, %sub3A_213 : vector<16xi32>
    %broadcast_in_dim3A_215 = arith.constant 0 : i32
    %broadcast_in_dim3A_216 = vector.broadcast %broadcast_in_dim3A_215 : i32 to vector<16xi32>
    %select_n3A_217 = arith.select %eq3A_205, %sub3A_214, %broadcast_in_dim3A_216 : vector<16xi1>, vector<16xi32>
    %add3A_218 = arith.addi %add3A_196, %select_n3A_217 : vector<16xi32>
    %convert_element_type3A_219 = arith.extui %eq3A_205 : vector<16xi1> to vector<16xi32>
    %reduce_sum3A_220 = arith.constant true
    %reduce_sum3A_221 = vector.broadcast %reduce_sum3A_220 : i1 to vector<16xi1>
    %reduce_sum3A_222 = tpu.scan <sum>, %convert_element_type3A_219 masked %reduce_sum3A_221 : vector<16xi32>, vector<16xi1> -> vector<16xi32>
    %reduce_sum3A_223 = vector.extract %reduce_sum3A_222[15] : i32 from vector<16xi32>
    %add3A_224 = arith.addi %add3A_145, %reduce_sum3A_223 : i32
    %swap3A_225 = arith.constant 16 : index
    %swap3A_226 = tpu.vector_load %arg8[%swap3A_225] {strides = array<i32>} : memref<256xi32, #tpu.memory_space<vmem>>, vector<16xi32>,
    tpu.vector_store %arg8[%swap3A_225], %add3A_218 {strides = array<i32>} : memref<256xi32, #tpu.memory_space<vmem>>, vector<16xi32>,
    %swap3A_227 = arith.constant 0 : i32
    %swap3A_228 = arith.index_cast %swap3A_227 : i32 to index
    %swap3A_229 = arith.constant 16 : index
    %swap3A_230 = tpu.vector_load %arg9[%swap3A_228, %swap3A_229] {strides = array<i32>} : memref<4x64xi32, #tpu.memory_space<vmem>>, vector<16xi32>,
    tpu.vector_store %arg9[%swap3A_228, %swap3A_229], %add3A_218 {strides = array<i32>} : memref<4x64xi32, #tpu.memory_space<vmem>>, vector<16xi32>,
    %mul3A_231 = arith.constant 256 : i32
    %mul3A_232 = arith.muli %add3A, %mul3A_231 : i32
    %add3A_233 = arith.constant 32 : i32
    %add3A_234 = arith.addi %mul3A_232, %add3A_233 : i32
    %get3A_235 = arith.index_cast %add3A_234 : i32 to index
    %get3A_236 = tpu.vector_load %arg7[%get3A_235] {strides = array<i32>} : memref<8192xi32, #tpu.memory_space<vmem>>, vector<16xi32>,
    %broadcast_in_dim3A_237 = arith.constant 0 : i32
    %broadcast_in_dim3A_238 = vector.broadcast %broadcast_in_dim3A_237 : i32 to vector<16xi32>
    %eq3A_239 = arith.constant 0 : i32
    %eq3A_240 = vector.broadcast %eq3A_239 : i32 to vector<16xi32>
    %eq3A_241 = arith.cmpi eq, %get3A_236, %eq3A_240 : vector<16xi32>
    %convert_element_type3A_242 = arith.extui %eq3A_241 : vector<16xi1> to vector<16xi32>
    %broadcast_in_dim3A_243 = arith.constant true
    %broadcast_in_dim3A_244 = vector.broadcast %broadcast_in_dim3A_243 : i1 to vector<16xi1>
    %masked_cumsum3A_245 = tpu.scan <sum>, %convert_element_type3A_242 masked %broadcast_in_dim3A_244 : vector<16xi32>, vector<16xi1> -> vector<16xi32>
    %broadcast_in_dim3A_246 = vector.broadcast %add3A_180 : i32 to vector<16xi32>
    %add3A_247 = arith.addi %broadcast_in_dim3A_246, %masked_cumsum3A_245 : vector<16xi32>
    %sub3A_248 = arith.constant 1 : i32
    %sub3A_249 = vector.broadcast %sub3A_248 : i32 to vector<16xi32>
    %sub3A_250 = arith.subi %add3A_247, %sub3A_249 : vector<16xi32>
    %broadcast_in_dim3A_251 = arith.constant 0 : i32
    %broadcast_in_dim3A_252 = vector.broadcast %broadcast_in_dim3A_251 : i32 to vector<16xi32>
    %select_n3A_253 = arith.select %eq3A_241, %sub3A_250, %broadcast_in_dim3A_252 : vector<16xi1>, vector<16xi32>
    %add3A_254 = arith.addi %broadcast_in_dim3A_238, %select_n3A_253 : vector<16xi32>
    %convert_element_type3A_255 = arith.extui %eq3A_241 : vector<16xi1> to vector<16xi32>
    %reduce_sum3A_256 = arith.constant true
    %reduce_sum3A_257 = vector.broadcast %reduce_sum3A_256 : i1 to vector<16xi1>
    %reduce_sum3A_258 = tpu.scan <sum>, %convert_element_type3A_255 masked %reduce_sum3A_257 : vector<16xi32>, vector<16xi1> -> vector<16xi32>
    %reduce_sum3A_259 = vector.extract %reduce_sum3A_258[15] : i32 from vector<16xi32>
    %add3A_260 = arith.addi %add3A_180, %reduce_sum3A_259 : i32
    %eq3A_261 = arith.constant 1 : i32
    %eq3A_262 = vector.broadcast %eq3A_261 : i32 to vector<16xi32>
    %eq3A_263 = arith.cmpi eq, %get3A_236, %eq3A_262 : vector<16xi32>
    %convert_element_type3A_264 = arith.extui %eq3A_263 : vector<16xi1> to vector<16xi32>
    %broadcast_in_dim3A_265 = arith.constant true
    %broadcast_in_dim3A_266 = vector.broadcast %broadcast_in_dim3A_265 : i1 to vector<16xi1>
    %masked_cumsum3A_267 = tpu.scan <sum>, %convert_element_type3A_264 masked %broadcast_in_dim3A_266 : vector<16xi32>, vector<16xi1> -> vector<16xi32>
    %broadcast_in_dim3A_268 = vector.broadcast %add3A_202 : i32 to vector<16xi32>
    %add3A_269 = arith.addi %broadcast_in_dim3A_268, %masked_cumsum3A_267 : vector<16xi32>
    %sub3A_270 = arith.constant 1 : i32
    %sub3A_271 = vector.broadcast %sub3A_270 : i32 to vector<16xi32>
    %sub3A_272 = arith.subi %add3A_269, %sub3A_271 : vector<16xi32>
    %broadcast_in_dim3A_273 = arith.constant 0 : i32
    %broadcast_in_dim3A_274 = vector.broadcast %broadcast_in_dim3A_273 : i32 to vector<16xi32>
    %select_n3A_275 = arith.select %eq3A_263, %sub3A_272, %broadcast_in_dim3A_274 : vector<16xi1>, vector<16xi32>
    %add3A_276 = arith.addi %add3A_254, %select_n3A_275 : vector<16xi32>
    %convert_element_type3A_277 = arith.extui %eq3A_263 : vector<16xi1> to vector<16xi32>
    %reduce_sum3A_278 = arith.constant true
    %reduce_sum3A_279 = vector.broadcast %reduce_sum3A_278 : i1 to vector<16xi1>
    %reduce_sum3A_280 = tpu.scan <sum>, %convert_element_type3A_277 masked %reduce_sum3A_279 : vector<16xi32>, vector<16xi1> -> vector<16xi32>
    %reduce_sum3A_281 = vector.extract %reduce_sum3A_280[15] : i32 from vector<16xi32>
    %add3A_282 = arith.addi %add3A_202, %reduce_sum3A_281 : i32
    %eq3A_283 = arith.constant 2 : i32
    %eq3A_284 = vector.broadcast %eq3A_283 : i32 to vector<16xi32>
    %eq3A_285 = arith.cmpi eq, %get3A_236, %eq3A_284 : vector<16xi32>
    %convert_element_type3A_286 = arith.extui %eq3A_285 : vector<16xi1> to vector<16xi32>
    %broadcast_in_dim3A_287 = arith.constant true
    %broadcast_in_dim3A_288 = vector.broadcast %broadcast_in_dim3A_287 : i1 to vector<16xi1>
    %masked_cumsum3A_289 = tpu.scan <sum>, %convert_element_type3A_286 masked %broadcast_in_dim3A_288 : vector<16xi32>, vector<16xi1> -> vector<16xi32>
    %broadcast_in_dim3A_290 = vector.broadcast %add3A_224 : i32 to vector<16xi32>
    %add3A_291 = arith.addi %broadcast_in_dim3A_290, %masked_cumsum3A_289 : vector<16xi32>
    %sub3A_292 = arith.constant 1 : i32
    %sub3A_293 = vector.broadcast %sub3A_292 : i32 to vector<16xi32>
    %sub3A_294 = arith.subi %add3A_291, %sub3A_293 : vector<16xi32>
    %broadcast_in_dim3A_295 = arith.constant 0 : i32
    %broadcast_in_dim3A_296 = vector.broadcast %broadcast_in_dim3A_295 : i32 to vector<16xi32>
    %select_n3A_297 = arith.select %eq3A_285, %sub3A_294, %broadcast_in_dim3A_296 : vector<16xi1>, vector<16xi32>
    %add3A_298 = arith.addi %add3A_276, %select_n3A_297 : vector<16xi32>
    %convert_element_type3A_299 = arith.extui %eq3A_285 : vector<16xi1> to vector<16xi32>
    %reduce_sum3A_300 = arith.constant true
    %reduce_sum3A_301 = vector.broadcast %reduce_sum3A_300 : i1 to vector<16xi1>
    %reduce_sum3A_302 = tpu.scan <sum>, %convert_element_type3A_299 masked %reduce_sum3A_301 : vector<16xi32>, vector<16xi1> -> vector<16xi32>
    %reduce_sum3A_303 = vector.extract %reduce_sum3A_302[15] : i32 from vector<16xi32>
    %add3A_304 = arith.addi %add3A_224, %reduce_sum3A_303 : i32
    %swap3A_305 = arith.constant 32 : index
    %swap3A_306 = tpu.vector_load %arg8[%swap3A_305] {strides = array<i32>} : memref<256xi32, #tpu.memory_space<vmem>>, vector<16xi32>,
    tpu.vector_store %arg8[%swap3A_305], %add3A_298 {strides = array<i32>} : memref<256xi32, #tpu.memory_space<vmem>>, vector<16xi32>,
    %swap3A_307 = arith.constant 0 : i32
    %swap3A_308 = arith.index_cast %swap3A_307 : i32 to index
    %swap3A_309 = arith.constant 32 : index
    %swap3A_310 = tpu.vector_load %arg9[%swap3A_308, %swap3A_309] {strides = array<i32>} : memref<4x64xi32, #tpu.memory_space<vmem>>, vector<16xi32>,
    tpu.vector_store %arg9[%swap3A_308, %swap3A_309], %add3A_298 {strides = array<i32>} : memref<4x64xi32, #tpu.memory_space<vmem>>, vector<16xi32>,
    %mul3A_311 = arith.constant 256 : i32
    %mul3A_312 = arith.muli %add3A, %mul3A_311 : i32
    %add3A_313 = arith.constant 48 : i32
    %add3A_314 = arith.addi %mul3A_312, %add3A_313 : i32
    %get3A_315 = arith.index_cast %add3A_314 : i32 to index
    %get3A_316 = tpu.vector_load %arg7[%get3A_315] {strides = array<i32>} : memref<8192xi32, #tpu.memory_space<vmem>>, vector<16xi32>,
    %broadcast_in_dim3A_317 = arith.constant 0 : i32
    %broadcast_in_dim3A_318 = vector.broadcast %broadcast_in_dim3A_317 : i32 to vector<16xi32>
    %eq3A_319 = arith.constant 0 : i32
    %eq3A_320 = vector.broadcast %eq3A_319 : i32 to vector<16xi32>
    %eq3A_321 = arith.cmpi eq, %get3A_316, %eq3A_320 : vector<16xi32>
    %convert_element_type3A_322 = arith.extui %eq3A_321 : vector<16xi1> to vector<16xi32>
    %broadcast_in_dim3A_323 = arith.constant true
    %broadcast_in_dim3A_324 = vector.broadcast %broadcast_in_dim3A_323 : i1 to vector<16xi1>
    %masked_cumsum3A_325 = tpu.scan <sum>, %convert_element_type3A_322 masked %broadcast_in_dim3A_324 : vector<16xi32>, vector<16xi1> -> vector<16xi32>
    %broadcast_in_dim3A_326 = vector.broadcast %add3A_260 : i32 to vector<16xi32>
    %add3A_327 = arith.addi %broadcast_in_dim3A_326, %masked_cumsum3A_325 : vector<16xi32>
    %sub3A_328 = arith.constant 1 : i32
    %sub3A_329 = vector.broadcast %sub3A_328 : i32 to vector<16xi32>
    %sub3A_330 = arith.subi %add3A_327, %sub3A_329 : vector<16xi32>
    %broadcast_in_dim3A_331 = arith.constant 0 : i32
    %broadcast_in_dim3A_332 = vector.broadcast %broadcast_in_dim3A_331 : i32 to vector<16xi32>
    %select_n3A_333 = arith.select %eq3A_321, %sub3A_330, %broadcast_in_dim3A_332 : vector<16xi1>, vector<16xi32>
    %add3A_334 = arith.addi %broadcast_in_dim3A_318, %select_n3A_333 : vector<16xi32>
    %convert_element_type3A_335 = arith.extui %eq3A_321 : vector<16xi1> to vector<16xi32>
    %reduce_sum3A_336 = arith.constant true
    %reduce_sum3A_337 = vector.broadcast %reduce_sum3A_336 : i1 to vector<16xi1>
    %reduce_sum3A_338 = tpu.scan <sum>, %convert_element_type3A_335 masked %reduce_sum3A_337 : vector<16xi32>, vector<16xi1> -> vector<16xi32>
    %reduce_sum3A_339 = vector.extract %reduce_sum3A_338[15] : i32 from vector<16xi32>
    %add3A_340 = arith.addi %add3A_260, %reduce_sum3A_339 : i32
    %eq3A_341 = arith.constant 1 : i32
    %eq3A_342 = vector.broadcast %eq3A_341 : i32 to vector<16xi32>
    %eq3A_343 = arith.cmpi eq, %get3A_316, %eq3A_342 : vector<16xi32>
    %convert_element_type3A_344 = arith.extui %eq3A_343 : vector<16xi1> to vector<16xi32>
    %broadcast_in_dim3A_345 = arith.constant true
    %broadcast_in_dim3A_346 = vector.broadcast %broadcast_in_dim3A_345 : i1 to vector<16xi1>
    %masked_cumsum3A_347 = tpu.scan <sum>, %convert_element_type3A_344 masked %broadcast_in_dim3A_346 : vector<16xi32>, vector<16xi1> -> vector<16xi32>
    %broadcast_in_dim3A_348 = vector.broadcast %add3A_282 : i32 to vector<16xi32>
    %add3A_349 = arith.addi %broadcast_in_dim3A_348, %masked_cumsum3A_347 : vector<16xi32>
    %sub3A_350 = arith.constant 1 : i32
    %sub3A_351 = vector.broadcast %sub3A_350 : i32 to vector<16xi32>
    %sub3A_352 = arith.subi %add3A_349, %sub3A_351 : vector<16xi32>
    %broadcast_in_dim3A_353 = arith.constant 0 : i32
    %broadcast_in_dim3A_354 = vector.broadcast %broadcast_in_dim3A_353 : i32 to vector<16xi32>
    %select_n3A_355 = arith.select %eq3A_343, %sub3A_352, %broadcast_in_dim3A_354 : vector<16xi1>, vector<16xi32>
    %add3A_356 = arith.addi %add3A_334, %select_n3A_355 : vector<16xi32>
    %convert_element_type3A_357 = arith.extui %eq3A_343 : vector<16xi1> to vector<16xi32>
    %reduce_sum3A_358 = arith.constant true
    %reduce_sum3A_359 = vector.broadcast %reduce_sum3A_358 : i1 to vector<16xi1>
    %reduce_sum3A_360 = tpu.scan <sum>, %convert_element_type3A_357 masked %reduce_sum3A_359 : vector<16xi32>, vector<16xi1> -> vector<16xi32>
    %reduce_sum3A_361 = vector.extract %reduce_sum3A_360[15] : i32 from vector<16xi32>
    %add3A_362 = arith.addi %add3A_282, %reduce_sum3A_361 : i32
    %eq3A_363 = arith.constant 2 : i32
    %eq3A_364 = vector.broadcast %eq3A_363 : i32 to vector<16xi32>
    %eq3A_365 = arith.cmpi eq, %get3A_316, %eq3A_364 : vector<16xi32>
    %convert_element_type3A_366 = arith.extui %eq3A_365 : vector<16xi1> to vector<16xi32>
    %broadcast_in_dim3A_367 = arith.constant true
    %broadcast_in_dim3A_368 = vector.broadcast %broadcast_in_dim3A_367 : i1 to vector<16xi1>
    %masked_cumsum3A_369 = tpu.scan <sum>, %convert_element_type3A_366 masked %broadcast_in_dim3A_368 : vector<16xi32>, vector<16xi1> -> vector<16xi32>
    %broadcast_in_dim3A_370 = vector.broadcast %add3A_304 : i32 to vector<16xi32>
    %add3A_371 = arith.addi %broadcast_in_dim3A_370, %masked_cumsum3A_369 : vector<16xi32>
    %sub3A_372 = arith.constant 1 : i32
    %sub3A_373 = vector.broadcast %sub3A_372 : i32 to vector<16xi32>
    %sub3A_374 = arith.subi %add3A_371, %sub3A_373 : vector<16xi32>
    %broadcast_in_dim3A_375 = arith.constant 0 : i32
    %broadcast_in_dim3A_376 = vector.broadcast %broadcast_in_dim3A_375 : i32 to vector<16xi32>
    %select_n3A_377 = arith.select %eq3A_365, %sub3A_374, %broadcast_in_dim3A_376 : vector<16xi1>, vector<16xi32>
    %add3A_378 = arith.addi %add3A_356, %select_n3A_377 : vector<16xi32>
    %convert_element_type3A_379 = arith.extui %eq3A_365 : vector<16xi1> to vector<16xi32>
    %reduce_sum3A_380 = arith.constant true
    %reduce_sum3A_381 = vector.broadcast %reduce_sum3A_380 : i1 to vector<16xi1>
    %reduce_sum3A_382 = tpu.scan <sum>, %convert_element_type3A_379 masked %reduce_sum3A_381 : vector<16xi32>, vector<16xi1> -> vector<16xi32>
    %reduce_sum3A_383 = vector.extract %reduce_sum3A_382[15] : i32 from vector<16xi32>
    %add3A_384 = arith.addi %add3A_304, %reduce_sum3A_383 : i32
    %swap3A_385 = arith.constant 48 : index
    %swap3A_386 = tpu.vector_load %arg8[%swap3A_385] {strides = array<i32>} : memref<256xi32, #tpu.memory_space<vmem>>, vector<16xi32>,
    tpu.vector_store %arg8[%swap3A_385], %add3A_378 {strides = array<i32>} : memref<256xi32, #tpu.memory_space<vmem>>, vector<16xi32>,
    %swap3A_387 = arith.constant 0 : i32
    %swap3A_388 = arith.index_cast %swap3A_387 : i32 to index
    %swap3A_389 = arith.constant 48 : index
    %swap3A_390 = tpu.vector_load %arg9[%swap3A_388, %swap3A_389] {strides = array<i32>} : memref<4x64xi32, #tpu.memory_space<vmem>>, vector<16xi32>,
    tpu.vector_store %arg9[%swap3A_388, %swap3A_389], %add3A_378 {strides = array<i32>} : memref<4x64xi32, #tpu.memory_space<vmem>>, vector<16xi32>,
    %mul3A_391 = arith.constant 256 : i32
    %mul3A_392 = arith.muli %add3A, %mul3A_391 : i32
    %add3A_393 = arith.constant 64 : i32
    %add3A_394 = arith.addi %mul3A_392, %add3A_393 : i32
    %get3A_395 = arith.index_cast %add3A_394 : i32 to index
    %get3A_396 = tpu.vector_load %arg7[%get3A_395] {strides = array<i32>} : memref<8192xi32, #tpu.memory_space<vmem>>, vector<16xi32>,
    %broadcast_in_dim3A_397 = arith.constant 0 : i32
    %broadcast_in_dim3A_398 = vector.broadcast %broadcast_in_dim3A_397 : i32 to vector<16xi32>
    %eq3A_399 = arith.constant 0 : i32
    %eq3A_400 = vector.broadcast %eq3A_399 : i32 to vector<16xi32>
    %eq3A_401 = arith.cmpi eq, %get3A_396, %eq3A_400 : vector<16xi32>
    %convert_element_type3A_402 = arith.extui %eq3A_401 : vector<16xi1> to vector<16xi32>
    %broadcast_in_dim3A_403 = arith.constant true
    %broadcast_in_dim3A_404 = vector.broadcast %broadcast_in_dim3A_403 : i1 to vector<16xi1>
    %masked_cumsum3A_405 = tpu.scan <sum>, %convert_element_type3A_402 masked %broadcast_in_dim3A_404 : vector<16xi32>, vector<16xi1> -> vector<16xi32>
    %broadcast_in_dim3A_406 = vector.broadcast %add3A_340 : i32 to vector<16xi32>
    %add3A_407 = arith.addi %broadcast_in_dim3A_406, %masked_cumsum3A_405 : vector<16xi32>
    %sub3A_408 = arith.constant 1 : i32
    %sub3A_409 = vector.broadcast %sub3A_408 : i32 to vector<16xi32>
    %sub3A_410 = arith.subi %add3A_407, %sub3A_409 : vector<16xi32>
    %broadcast_in_dim3A_411 = arith.constant 0 : i32
    %broadcast_in_dim3A_412 = vector.broadcast %broadcast_in_dim3A_411 : i32 to vector<16xi32>
    %select_n3A_413 = arith.select %eq3A_401, %sub3A_410, %broadcast_in_dim3A_412 : vector<16xi1>, vector<16xi32>
    %add3A_414 = arith.addi %broadcast_in_dim3A_398, %select_n3A_413 : vector<16xi32>
    %convert_element_type3A_415 = arith.extui %eq3A_401 : vector<16xi1> to vector<16xi32>
    %reduce_sum3A_416 = arith.constant true
    %reduce_sum3A_417 = vector.broadcast %reduce_sum3A_416 : i1 to vector<16xi1>
    %reduce_sum3A_418 = tpu.scan <sum>, %convert_element_type3A_415 masked %reduce_sum3A_417 : vector<16xi32>, vector<16xi1> -> vector<16xi32>
    %reduce_sum3A_419 = vector.extract %reduce_sum3A_418[15] : i32 from vector<16xi32>
    %add3A_420 = arith.addi %add3A_340, %reduce_sum3A_419 : i32
    %eq3A_421 = arith.constant 1 : i32
    %eq3A_422 = vector.broadcast %eq3A_421 : i32 to vector<16xi32>
    %eq3A_423 = arith.cmpi eq, %get3A_396, %eq3A_422 : vector<16xi32>
    %convert_element_type3A_424 = arith.extui %eq3A_423 : vector<16xi1> to vector<16xi32>
    %broadcast_in_dim3A_425 = arith.constant true
    %broadcast_in_dim3A_426 = vector.broadcast %broadcast_in_dim3A_425 : i1 to vector<16xi1>
    %masked_cumsum3A_427 = tpu.scan <sum>, %convert_element_type3A_424 masked %broadcast_in_dim3A_426 : vector<16xi32>, vector<16xi1> -> vector<16xi32>
    %broadcast_in_dim3A_428 = vector.broadcast %add3A_362 : i32 to vector<16xi32>
    %add3A_429 = arith.addi %broadcast_in_dim3A_428, %masked_cumsum3A_427 : vector<16xi32>
    %sub3A_430 = arith.constant 1 : i32
    %sub3A_431 = vector.broadcast %sub3A_430 : i32 to vector<16xi32>
    %sub3A_432 = arith.subi %add3A_429, %sub3A_431 : vector<16xi32>
    %broadcast_in_dim3A_433 = arith.constant 0 : i32
    %broadcast_in_dim3A_434 = vector.broadcast %broadcast_in_dim3A_433 : i32 to vector<16xi32>
    %select_n3A_435 = arith.select %eq3A_423, %sub3A_432, %broadcast_in_dim3A_434 : vector<16xi1>, vector<16xi32>
    %add3A_436 = arith.addi %add3A_414, %select_n3A_435 : vector<16xi32>
    %convert_element_type3A_437 = arith.extui %eq3A_423 : vector<16xi1> to vector<16xi32>
    %reduce_sum3A_438 = arith.constant true
    %reduce_sum3A_439 = vector.broadcast %reduce_sum3A_438 : i1 to vector<16xi1>
    %reduce_sum3A_440 = tpu.scan <sum>, %convert_element_type3A_437 masked %reduce_sum3A_439 : vector<16xi32>, vector<16xi1> -> vector<16xi32>
    %reduce_sum3A_441 = vector.extract %reduce_sum3A_440[15] : i32 from vector<16xi32>
    %add3A_442 = arith.addi %add3A_362, %reduce_sum3A_441 : i32
    %eq3A_443 = arith.constant 2 : i32
    %eq3A_444 = vector.broadcast %eq3A_443 : i32 to vector<16xi32>
    %eq3A_445 = arith.cmpi eq, %get3A_396, %eq3A_444 : vector<16xi32>
    %convert_element_type3A_446 = arith.extui %eq3A_445 : vector<16xi1> to vector<16xi32>
    %broadcast_in_dim3A_447 = arith.constant true
    %broadcast_in_dim3A_448 = vector.broadcast %broadcast_in_dim3A_447 : i1 to vector<16xi1>
    %masked_cumsum3A_449 = tpu.scan <sum>, %convert_element_type3A_446 masked %broadcast_in_dim3A_448 : vector<16xi32>, vector<16xi1> -> vector<16xi32>
    %broadcast_in_dim3A_450 = vector.broadcast %add3A_384 : i32 to vector<16xi32>
    %add3A_451 = arith.addi %broadcast_in_dim3A_450, %masked_cumsum3A_449 : vector<16xi32>
    %sub3A_452 = arith.constant 1 : i32
    %sub3A_453 = vector.broadcast %sub3A_452 : i32 to vector<16xi32>
    %sub3A_454 = arith.subi %add3A_451, %sub3A_453 : vector<16xi32>
    %broadcast_in_dim3A_455 = arith.constant 0 : i32
    %broadcast_in_dim3A_456 = vector.broadcast %broadcast_in_dim3A_455 : i32 to vector<16xi32>
    %select_n3A_457 = arith.select %eq3A_445, %sub3A_454, %broadcast_in_dim3A_456 : vector<16xi1>, vector<16xi32>
    %add3A_458 = arith.addi %add3A_436, %select_n3A_457 : vector<16xi32>
    %convert_element_type3A_459 = arith.extui %eq3A_445 : vector<16xi1> to vector<16xi32>
    %reduce_sum3A_460 = arith.constant true
    %reduce_sum3A_461 = vector.broadcast %reduce_sum3A_460 : i1 to vector<16xi1>
    %reduce_sum3A_462 = tpu.scan <sum>, %convert_element_type3A_459 masked %reduce_sum3A_461 : vector<16xi32>, vector<16xi1> -> vector<16xi32>
    %reduce_sum3A_463 = vector.extract %reduce_sum3A_462[15] : i32 from vector<16xi32>
    %add3A_464 = arith.addi %add3A_384, %reduce_sum3A_463 : i32
    %swap3A_465 = arith.constant 64 : index
    %swap3A_466 = tpu.vector_load %arg8[%swap3A_465] {strides = array<i32>} : memref<256xi32, #tpu.memory_space<vmem>>, vector<16xi32>,
    tpu.vector_store %arg8[%swap3A_465], %add3A_458 {strides = array<i32>} : memref<256xi32, #tpu.memory_space<vmem>>, vector<16xi32>,
    %swap3A_467 = arith.constant 1 : i32
    %swap3A_468 = arith.index_cast %swap3A_467 : i32 to index
    %swap3A_469 = arith.constant 0 : index
    %swap3A_470 = tpu.vector_load %arg9[%swap3A_468, %swap3A_469] {strides = array<i32>} : memref<4x64xi32, #tpu.memory_space<vmem>>, vector<16xi32>,
    tpu.vector_store %arg9[%swap3A_468, %swap3A_469], %add3A_458 {strides = array<i32>} : memref<4x64xi32, #tpu.memory_space<vmem>>, vector<16xi32>,
    %mul3A_471 = arith.constant 256 : i32
    %mul3A_472 = arith.muli %add3A, %mul3A_471 : i32
    %add3A_473 = arith.constant 80 : i32
    %add3A_474 = arith.addi %mul3A_472, %add3A_473 : i32
    %get3A_475 = arith.index_cast %add3A_474 : i32 to index
    %get3A_476 = tpu.vector_load %arg7[%get3A_475] {strides = array<i32>} : memref<8192xi32, #tpu.memory_space<vmem>>, vector<16xi32>,
    %broadcast_in_dim3A_477 = arith.constant 0 : i32
    %broadcast_in_dim3A_478 = vector.broadcast %broadcast_in_dim3A_477 : i32 to vector<16xi32>
    %eq3A_479 = arith.constant 0 : i32
    %eq3A_480 = vector.broadcast %eq3A_479 : i32 to vector<16xi32>
    %eq3A_481 = arith.cmpi eq, %get3A_476, %eq3A_480 : vector<16xi32>
    %convert_element_type3A_482 = arith.extui %eq3A_481 : vector<16xi1> to vector<16xi32>
    %broadcast_in_dim3A_483 = arith.constant true
    %broadcast_in_dim3A_484 = vector.broadcast %broadcast_in_dim3A_483 : i1 to vector<16xi1>
    %masked_cumsum3A_485 = tpu.scan <sum>, %convert_element_type3A_482 masked %broadcast_in_dim3A_484 : vector<16xi32>, vector<16xi1> -> vector<16xi32>
    %broadcast_in_dim3A_486 = vector.broadcast %add3A_420 : i32 to vector<16xi32>
    %add3A_487 = arith.addi %broadcast_in_dim3A_486, %masked_cumsum3A_485 : vector<16xi32>
    %sub3A_488 = arith.constant 1 : i32
    %sub3A_489 = vector.broadcast %sub3A_488 : i32 to vector<16xi32>
    %sub3A_490 = arith.subi %add3A_487, %sub3A_489 : vector<16xi32>
    %broadcast_in_dim3A_491 = arith.constant 0 : i32
    %broadcast_in_dim3A_492 = vector.broadcast %broadcast_in_dim3A_491 : i32 to vector<16xi32>
    %select_n3A_493 = arith.select %eq3A_481, %sub3A_490, %broadcast_in_dim3A_492 : vector<16xi1>, vector<16xi32>
    %add3A_494 = arith.addi %broadcast_in_dim3A_478, %select_n3A_493 : vector<16xi32>
    %convert_element_type3A_495 = arith.extui %eq3A_481 : vector<16xi1> to vector<16xi32>
    %reduce_sum3A_496 = arith.constant true
    %reduce_sum3A_497 = vector.broadcast %reduce_sum3A_496 : i1 to vector<16xi1>
    %reduce_sum3A_498 = tpu.scan <sum>, %convert_element_type3A_495 masked %reduce_sum3A_497 : vector<16xi32>, vector<16xi1> -> vector<16xi32>
    %reduce_sum3A_499 = vector.extract %reduce_sum3A_498[15] : i32 from vector<16xi32>
    %add3A_500 = arith.addi %add3A_420, %reduce_sum3A_499 : i32
    %eq3A_501 = arith.constant 1 : i32
    %eq3A_502 = vector.broadcast %eq3A_501 : i32 to vector<16xi32>
    %eq3A_503 = arith.cmpi eq, %get3A_476, %eq3A_502 : vector<16xi32>
    %convert_element_type3A_504 = arith.extui %eq3A_503 : vector<16xi1> to vector<16xi32>
    %broadcast_in_dim3A_505 = arith.constant true
    %broadcast_in_dim3A_506 = vector.broadcast %broadcast_in_dim3A_505 : i1 to vector<16xi1>
    %masked_cumsum3A_507 = tpu.scan <sum>, %convert_element_type3A_504 masked %broadcast_in_dim3A_506 : vector<16xi32>, vector<16xi1> -> vector<16xi32>
    %broadcast_in_dim3A_508 = vector.broadcast %add3A_442 : i32 to vector<16xi32>
    %add3A_509 = arith.addi %broadcast_in_dim3A_508, %masked_cumsum3A_507 : vector<16xi32>
    %sub3A_510 = arith.constant 1 : i32
    %sub3A_511 = vector.broadcast %sub3A_510 : i32 to vector<16xi32>
    %sub3A_512 = arith.subi %add3A_509, %sub3A_511 : vector<16xi32>
    %broadcast_in_dim3A_513 = arith.constant 0 : i32
    %broadcast_in_dim3A_514 = vector.broadcast %broadcast_in_dim3A_513 : i32 to vector<16xi32>
    %select_n3A_515 = arith.select %eq3A_503, %sub3A_512, %broadcast_in_dim3A_514 : vector<16xi1>, vector<16xi32>
    %add3A_516 = arith.addi %add3A_494, %select_n3A_515 : vector<16xi32>
    %convert_element_type3A_517 = arith.extui %eq3A_503 : vector<16xi1> to vector<16xi32>
    %reduce_sum3A_518 = arith.constant true
    %reduce_sum3A_519 = vector.broadcast %reduce_sum3A_518 : i1 to vector<16xi1>
    %reduce_sum3A_520 = tpu.scan <sum>, %convert_element_type3A_517 masked %reduce_sum3A_519 : vector<16xi32>, vector<16xi1> -> vector<16xi32>
    %reduce_sum3A_521 = vector.extract %reduce_sum3A_520[15] : i32 from vector<16xi32>
    %add3A_522 = arith.addi %add3A_442, %reduce_sum3A_521 : i32
    %eq3A_523 = arith.constant 2 : i32
    %eq3A_524 = vector.broadcast %eq3A_523 : i32 to vector<16xi32>
    %eq3A_525 = arith.cmpi eq, %get3A_476, %eq3A_524 : vector<16xi32>
    %convert_element_type3A_526 = arith.extui %eq3A_525 : vector<16xi1> to vector<16xi32>
    %broadcast_in_dim3A_527 = arith.constant true
    %broadcast_in_dim3A_528 = vector.broadcast %broadcast_in_dim3A_527 : i1 to vector<16xi1>
    %masked_cumsum3A_529 = tpu.scan <sum>, %convert_element_type3A_526 masked %broadcast_in_dim3A_528 : vector<16xi32>, vector<16xi1> -> vector<16xi32>
    %broadcast_in_dim3A_530 = vector.broadcast %add3A_464 : i32 to vector<16xi32>
    %add3A_531 = arith.addi %broadcast_in_dim3A_530, %masked_cumsum3A_529 : vector<16xi32>
    %sub3A_532 = arith.constant 1 : i32
    %sub3A_533 = vector.broadcast %sub3A_532 : i32 to vector<16xi32>
    %sub3A_534 = arith.subi %add3A_531, %sub3A_533 : vector<16xi32>
    %broadcast_in_dim3A_535 = arith.constant 0 : i32
    %broadcast_in_dim3A_536 = vector.broadcast %broadcast_in_dim3A_535 : i32 to vector<16xi32>
    %select_n3A_537 = arith.select %eq3A_525, %sub3A_534, %broadcast_in_dim3A_536 : vector<16xi1>, vector<16xi32>
    %add3A_538 = arith.addi %add3A_516, %select_n3A_537 : vector<16xi32>
    %convert_element_type3A_539 = arith.extui %eq3A_525 : vector<16xi1> to vector<16xi32>
    %reduce_sum3A_540 = arith.constant true
    %reduce_sum3A_541 = vector.broadcast %reduce_sum3A_540 : i1 to vector<16xi1>
    %reduce_sum3A_542 = tpu.scan <sum>, %convert_element_type3A_539 masked %reduce_sum3A_541 : vector<16xi32>, vector<16xi1> -> vector<16xi32>
    %reduce_sum3A_543 = vector.extract %reduce_sum3A_542[15] : i32 from vector<16xi32>
    %add3A_544 = arith.addi %add3A_464, %reduce_sum3A_543 : i32
    %swap3A_545 = arith.constant 80 : index
    %swap3A_546 = tpu.vector_load %arg8[%swap3A_545] {strides = array<i32>} : memref<256xi32, #tpu.memory_space<vmem>>, vector<16xi32>,
    tpu.vector_store %arg8[%swap3A_545], %add3A_538 {strides = array<i32>} : memref<256xi32, #tpu.memory_space<vmem>>, vector<16xi32>,
    %swap3A_547 = arith.constant 1 : i32
    %swap3A_548 = arith.index_cast %swap3A_547 : i32 to index
    %swap3A_549 = arith.constant 16 : index
    %swap3A_550 = tpu.vector_load %arg9[%swap3A_548, %swap3A_549] {strides = array<i32>} : memref<4x64xi32, #tpu.memory_space<vmem>>, vector<16xi32>,
    tpu.vector_store %arg9[%swap3A_548, %swap3A_549], %add3A_538 {strides = array<i32>} : memref<4x64xi32, #tpu.memory_space<vmem>>, vector<16xi32>,
    %mul3A_551 = arith.constant 256 : i32
    %mul3A_552 = arith.muli %add3A, %mul3A_551 : i32
    %add3A_553 = arith.constant 96 : i32
    %add3A_554 = arith.addi %mul3A_552, %add3A_553 : i32
    %get3A_555 = arith.index_cast %add3A_554 : i32 to index
    %get3A_556 = tpu.vector_load %arg7[%get3A_555] {strides = array<i32>} : memref<8192xi32, #tpu.memory_space<vmem>>, vector<16xi32>,
    %broadcast_in_dim3A_557 = arith.constant 0 : i32
    %broadcast_in_dim3A_558 = vector.broadcast %broadcast_in_dim3A_557 : i32 to vector<16xi32>
    %eq3A_559 = arith.constant 0 : i32
    %eq3A_560 = vector.broadcast %eq3A_559 : i32 to vector<16xi32>
    %eq3A_561 = arith.cmpi eq, %get3A_556, %eq3A_560 : vector<16xi32>
    %convert_element_type3A_562 = arith.extui %eq3A_561 : vector<16xi1> to vector<16xi32>
    %broadcast_in_dim3A_563 = arith.constant true
    %broadcast_in_dim3A_564 = vector.broadcast %broadcast_in_dim3A_563 : i1 to vector<16xi1>
    %masked_cumsum3A_565 = tpu.scan <sum>, %convert_element_type3A_562 masked %broadcast_in_dim3A_564 : vector<16xi32>, vector<16xi1> -> vector<16xi32>
    %broadcast_in_dim3A_566 = vector.broadcast %add3A_500 : i32 to vector<16xi32>
    %add3A_567 = arith.addi %broadcast_in_dim3A_566, %masked_cumsum3A_565 : vector<16xi32>
    %sub3A_568 = arith.constant 1 : i32
    %sub3A_569 = vector.broadcast %sub3A_568 : i32 to vector<16xi32>
    %sub3A_570 = arith.subi %add3A_567, %sub3A_569 : vector<16xi32>
    %broadcast_in_dim3A_571 = arith.constant 0 : i32
    %broadcast_in_dim3A_572 = vector.broadcast %broadcast_in_dim3A_571 : i32 to vector<16xi32>
    %select_n3A_573 = arith.select %eq3A_561, %sub3A_570, %broadcast_in_dim3A_572 : vector<16xi1>, vector<16xi32>
    %add3A_574 = arith.addi %broadcast_in_dim3A_558, %select_n3A_573 : vector<16xi32>
    %convert_element_type3A_575 = arith.extui %eq3A_561 : vector<16xi1> to vector<16xi32>
    %reduce_sum3A_576 = arith.constant true
    %reduce_sum3A_577 = vector.broadcast %reduce_sum3A_576 : i1 to vector<16xi1>
    %reduce_sum3A_578 = tpu.scan <sum>, %convert_element_type3A_575 masked %reduce_sum3A_577 : vector<16xi32>, vector<16xi1> -> vector<16xi32>
    %reduce_sum3A_579 = vector.extract %reduce_sum3A_578[15] : i32 from vector<16xi32>
    %add3A_580 = arith.addi %add3A_500, %reduce_sum3A_579 : i32
    %eq3A_581 = arith.constant 1 : i32
    %eq3A_582 = vector.broadcast %eq3A_581 : i32 to vector<16xi32>
    %eq3A_583 = arith.cmpi eq, %get3A_556, %eq3A_582 : vector<16xi32>
    %convert_element_type3A_584 = arith.extui %eq3A_583 : vector<16xi1> to vector<16xi32>
    %broadcast_in_dim3A_585 = arith.constant true
    %broadcast_in_dim3A_586 = vector.broadcast %broadcast_in_dim3A_585 : i1 to vector<16xi1>
    %masked_cumsum3A_587 = tpu.scan <sum>, %convert_element_type3A_584 masked %broadcast_in_dim3A_586 : vector<16xi32>, vector<16xi1> -> vector<16xi32>
    %broadcast_in_dim3A_588 = vector.broadcast %add3A_522 : i32 to vector<16xi32>
    %add3A_589 = arith.addi %broadcast_in_dim3A_588, %masked_cumsum3A_587 : vector<16xi32>
    %sub3A_590 = arith.constant 1 : i32
    %sub3A_591 = vector.broadcast %sub3A_590 : i32 to vector<16xi32>
    %sub3A_592 = arith.subi %add3A_589, %sub3A_591 : vector<16xi32>
    %broadcast_in_dim3A_593 = arith.constant 0 : i32
    %broadcast_in_dim3A_594 = vector.broadcast %broadcast_in_dim3A_593 : i32 to vector<16xi32>
    %select_n3A_595 = arith.select %eq3A_583, %sub3A_592, %broadcast_in_dim3A_594 : vector<16xi1>, vector<16xi32>
    %add3A_596 = arith.addi %add3A_574, %select_n3A_595 : vector<16xi32>
    %convert_element_type3A_597 = arith.extui %eq3A_583 : vector<16xi1> to vector<16xi32>
    %reduce_sum3A_598 = arith.constant true
    %reduce_sum3A_599 = vector.broadcast %reduce_sum3A_598 : i1 to vector<16xi1>
    %reduce_sum3A_600 = tpu.scan <sum>, %convert_element_type3A_597 masked %reduce_sum3A_599 : vector<16xi32>, vector<16xi1> -> vector<16xi32>
    %reduce_sum3A_601 = vector.extract %reduce_sum3A_600[15] : i32 from vector<16xi32>
    %add3A_602 = arith.addi %add3A_522, %reduce_sum3A_601 : i32
    %eq3A_603 = arith.constant 2 : i32
    %eq3A_604 = vector.broadcast %eq3A_603 : i32 to vector<16xi32>
    %eq3A_605 = arith.cmpi eq, %get3A_556, %eq3A_604 : vector<16xi32>
    %convert_element_type3A_606 = arith.extui %eq3A_605 : vector<16xi1> to vector<16xi32>
    %broadcast_in_dim3A_607 = arith.constant true
    %broadcast_in_dim3A_608 = vector.broadcast %broadcast_in_dim3A_607 : i1 to vector<16xi1>
    %masked_cumsum3A_609 = tpu.scan <sum>, %convert_element_type3A_606 masked %broadcast_in_dim3A_608 : vector<16xi32>, vector<16xi1> -> vector<16xi32>
    %broadcast_in_dim3A_610 = vector.broadcast %add3A_544 : i32 to vector<16xi32>
    %add3A_611 = arith.addi %broadcast_in_dim3A_610, %masked_cumsum3A_609 : vector<16xi32>
    %sub3A_612 = arith.constant 1 : i32
    %sub3A_613 = vector.broadcast %sub3A_612 : i32 to vector<16xi32>
    %sub3A_614 = arith.subi %add3A_611, %sub3A_613 : vector<16xi32>
    %broadcast_in_dim3A_615 = arith.constant 0 : i32
    %broadcast_in_dim3A_616 = vector.broadcast %broadcast_in_dim3A_615 : i32 to vector<16xi32>
    %select_n3A_617 = arith.select %eq3A_605, %sub3A_614, %broadcast_in_dim3A_616 : vector<16xi1>, vector<16xi32>
    %add3A_618 = arith.addi %add3A_596, %select_n3A_617 : vector<16xi32>
    %convert_element_type3A_619 = arith.extui %eq3A_605 : vector<16xi1> to vector<16xi32>
    %reduce_sum3A_620 = arith.constant true
    %reduce_sum3A_621 = vector.broadcast %reduce_sum3A_620 : i1 to vector<16xi1>
    %reduce_sum3A_622 = tpu.scan <sum>, %convert_element_type3A_619 masked %reduce_sum3A_621 : vector<16xi32>, vector<16xi1> -> vector<16xi32>
    %reduce_sum3A_623 = vector.extract %reduce_sum3A_622[15] : i32 from vector<16xi32>
    %add3A_624 = arith.addi %add3A_544, %reduce_sum3A_623 : i32
    %swap3A_625 = arith.constant 96 : index
    %swap3A_626 = tpu.vector_load %arg8[%swap3A_625] {strides = array<i32>} : memref<256xi32, #tpu.memory_space<vmem>>, vector<16xi32>,
    tpu.vector_store %arg8[%swap3A_625], %add3A_618 {strides = array<i32>} : memref<256xi32, #tpu.memory_space<vmem>>, vector<16xi32>,
    %swap3A_627 = arith.constant 1 : i32
    %swap3A_628 = arith.index_cast %swap3A_627 : i32 to index
    %swap3A_629 = arith.constant 32 : index
    %swap3A_630 = tpu.vector_load %arg9[%swap3A_628, %swap3A_629] {strides = array<i32>} : memref<4x64xi32, #tpu.memory_space<vmem>>, vector<16xi32>,
    tpu.vector_store %arg9[%swap3A_628, %swap3A_629], %add3A_618 {strides = array<i32>} : memref<4x64xi32, #tpu.memory_space<vmem>>, vector<16xi32>,
    %mul3A_631 = arith.constant 256 : i32
    %mul3A_632 = arith.muli %add3A, %mul3A_631 : i32
    %add3A_633 = arith.constant 112 : i32
    %add3A_634 = arith.addi %mul3A_632, %add3A_633 : i32
    %get3A_635 = arith.index_cast %add3A_634 : i32 to index
    %get3A_636 = tpu.vector_load %arg7[%get3A_635] {strides = array<i32>} : memref<8192xi32, #tpu.memory_space<vmem>>, vector<16xi32>,
    %broadcast_in_dim3A_637 = arith.constant 0 : i32
    %broadcast_in_dim3A_638 = vector.broadcast %broadcast_in_dim3A_637 : i32 to vector<16xi32>
    %eq3A_639 = arith.constant 0 : i32
    %eq3A_640 = vector.broadcast %eq3A_639 : i32 to vector<16xi32>
    %eq3A_641 = arith.cmpi eq, %get3A_636, %eq3A_640 : vector<16xi32>
    %convert_element_type3A_642 = arith.extui %eq3A_641 : vector<16xi1> to vector<16xi32>
    %broadcast_in_dim3A_643 = arith.constant true
    %broadcast_in_dim3A_644 = vector.broadcast %broadcast_in_dim3A_643 : i1 to vector<16xi1>
    %masked_cumsum3A_645 = tpu.scan <sum>, %convert_element_type3A_642 masked %broadcast_in_dim3A_644 : vector<16xi32>, vector<16xi1> -> vector<16xi32>
    %broadcast_in_dim3A_646 = vector.broadcast %add3A_580 : i32 to vector<16xi32>
    %add3A_647 = arith.addi %broadcast_in_dim3A_646, %masked_cumsum3A_645 : vector<16xi32>
    %sub3A_648 = arith.constant 1 : i32
    %sub3A_649 = vector.broadcast %sub3A_648 : i32 to vector<16xi32>
    %sub3A_650 = arith.subi %add3A_647, %sub3A_649 : vector<16xi32>
    %broadcast_in_dim3A_651 = arith.constant 0 : i32
    %broadcast_in_dim3A_652 = vector.broadcast %broadcast_in_dim3A_651 : i32 to vector<16xi32>
    %select_n3A_653 = arith.select %eq3A_641, %sub3A_650, %broadcast_in_dim3A_652 : vector<16xi1>, vector<16xi32>
    %add3A_654 = arith.addi %broadcast_in_dim3A_638, %select_n3A_653 : vector<16xi32>
    %convert_element_type3A_655 = arith.extui %eq3A_641 : vector<16xi1> to vector<16xi32>
    %reduce_sum3A_656 = arith.constant true
    %reduce_sum3A_657 = vector.broadcast %reduce_sum3A_656 : i1 to vector<16xi1>
    %reduce_sum3A_658 = tpu.scan <sum>, %convert_element_type3A_655 masked %reduce_sum3A_657 : vector<16xi32>, vector<16xi1> -> vector<16xi32>
    %reduce_sum3A_659 = vector.extract %reduce_sum3A_658[15] : i32 from vector<16xi32>
    %add3A_660 = arith.addi %add3A_580, %reduce_sum3A_659 : i32
    %eq3A_661 = arith.constant 1 : i32
    %eq3A_662 = vector.broadcast %eq3A_661 : i32 to vector<16xi32>
    %eq3A_663 = arith.cmpi eq, %get3A_636, %eq3A_662 : vector<16xi32>
    %convert_element_type3A_664 = arith.extui %eq3A_663 : vector<16xi1> to vector<16xi32>
    %broadcast_in_dim3A_665 = arith.constant true
    %broadcast_in_dim3A_666 = vector.broadcast %broadcast_in_dim3A_665 : i1 to vector<16xi1>
    %masked_cumsum3A_667 = tpu.scan <sum>, %convert_element_type3A_664 masked %broadcast_in_dim3A_666 : vector<16xi32>, vector<16xi1> -> vector<16xi32>
    %broadcast_in_dim3A_668 = vector.broadcast %add3A_602 : i32 to vector<16xi32>
    %add3A_669 = arith.addi %broadcast_in_dim3A_668, %masked_cumsum3A_667 : vector<16xi32>
    %sub3A_670 = arith.constant 1 : i32
    %sub3A_671 = vector.broadcast %sub3A_670 : i32 to vector<16xi32>
    %sub3A_672 = arith.subi %add3A_669, %sub3A_671 : vector<16xi32>
    %broadcast_in_dim3A_673 = arith.constant 0 : i32
    %broadcast_in_dim3A_674 = vector.broadcast %broadcast_in_dim3A_673 : i32 to vector<16xi32>
    %select_n3A_675 = arith.select %eq3A_663, %sub3A_672, %broadcast_in_dim3A_674 : vector<16xi1>, vector<16xi32>
    %add3A_676 = arith.addi %add3A_654, %select_n3A_675 : vector<16xi32>
    %convert_element_type3A_677 = arith.extui %eq3A_663 : vector<16xi1> to vector<16xi32>
    %reduce_sum3A_678 = arith.constant true
    %reduce_sum3A_679 = vector.broadcast %reduce_sum3A_678 : i1 to vector<16xi1>
    %reduce_sum3A_680 = tpu.scan <sum>, %convert_element_type3A_677 masked %reduce_sum3A_679 : vector<16xi32>, vector<16xi1> -> vector<16xi32>
    %reduce_sum3A_681 = vector.extract %reduce_sum3A_680[15] : i32 from vector<16xi32>
    %add3A_682 = arith.addi %add3A_602, %reduce_sum3A_681 : i32
    %eq3A_683 = arith.constant 2 : i32
    %eq3A_684 = vector.broadcast %eq3A_683 : i32 to vector<16xi32>
    %eq3A_685 = arith.cmpi eq, %get3A_636, %eq3A_684 : vector<16xi32>
    %convert_element_type3A_686 = arith.extui %eq3A_685 : vector<16xi1> to vector<16xi32>
    %broadcast_in_dim3A_687 = arith.constant true
    %broadcast_in_dim3A_688 = vector.broadcast %broadcast_in_dim3A_687 : i1 to vector<16xi1>
    %masked_cumsum3A_689 = tpu.scan <sum>, %convert_element_type3A_686 masked %broadcast_in_dim3A_688 : vector<16xi32>, vector<16xi1> -> vector<16xi32>
    %broadcast_in_dim3A_690 = vector.broadcast %add3A_624 : i32 to vector<16xi32>
    %add3A_691 = arith.addi %broadcast_in_dim3A_690, %masked_cumsum3A_689 : vector<16xi32>
    %sub3A_692 = arith.constant 1 : i32
    %sub3A_693 = vector.broadcast %sub3A_692 : i32 to vector<16xi32>
    %sub3A_694 = arith.subi %add3A_691, %sub3A_693 : vector<16xi32>
    %broadcast_in_dim3A_695 = arith.constant 0 : i32
    %broadcast_in_dim3A_696 = vector.broadcast %broadcast_in_dim3A_695 : i32 to vector<16xi32>
    %select_n3A_697 = arith.select %eq3A_685, %sub3A_694, %broadcast_in_dim3A_696 : vector<16xi1>, vector<16xi32>
    %add3A_698 = arith.addi %add3A_676, %select_n3A_697 : vector<16xi32>
    %convert_element_type3A_699 = arith.extui %eq3A_685 : vector<16xi1> to vector<16xi32>
    %reduce_sum3A_700 = arith.constant true
    %reduce_sum3A_701 = vector.broadcast %reduce_sum3A_700 : i1 to vector<16xi1>
    %reduce_sum3A_702 = tpu.scan <sum>, %convert_element_type3A_699 masked %reduce_sum3A_701 : vector<16xi32>, vector<16xi1> -> vector<16xi32>
    %reduce_sum3A_703 = vector.extract %reduce_sum3A_702[15] : i32 from vector<16xi32>
    %add3A_704 = arith.addi %add3A_624, %reduce_sum3A_703 : i32
    %swap3A_705 = arith.constant 112 : index
    %swap3A_706 = tpu.vector_load %arg8[%swap3A_705] {strides = array<i32>} : memref<256xi32, #tpu.memory_space<vmem>>, vector<16xi32>,
    tpu.vector_store %arg8[%swap3A_705], %add3A_698 {strides = array<i32>} : memref<256xi32, #tpu.memory_space<vmem>>, vector<16xi32>,
    %swap3A_707 = arith.constant 1 : i32
    %swap3A_708 = arith.index_cast %swap3A_707 : i32 to index
    %swap3A_709 = arith.constant 48 : index
    %swap3A_710 = tpu.vector_load %arg9[%swap3A_708, %swap3A_709] {strides = array<i32>} : memref<4x64xi32, #tpu.memory_space<vmem>>, vector<16xi32>,
    tpu.vector_store %arg9[%swap3A_708, %swap3A_709], %add3A_698 {strides = array<i32>} : memref<4x64xi32, #tpu.memory_space<vmem>>, vector<16xi32>,
    %mul3A_711 = arith.constant 256 : i32
    %mul3A_712 = arith.muli %add3A, %mul3A_711 : i32
    %add3A_713 = arith.constant 128 : i32
    %add3A_714 = arith.addi %mul3A_712, %add3A_713 : i32
    %get3A_715 = arith.index_cast %add3A_714 : i32 to index
    %get3A_716 = tpu.vector_load %arg7[%get3A_715] {strides = array<i32>} : memref<8192xi32, #tpu.memory_space<vmem>>, vector<16xi32>,
    %broadcast_in_dim3A_717 = arith.constant 0 : i32
    %broadcast_in_dim3A_718 = vector.broadcast %broadcast_in_dim3A_717 : i32 to vector<16xi32>
    %eq3A_719 = arith.constant 0 : i32
    %eq3A_720 = vector.broadcast %eq3A_719 : i32 to vector<16xi32>
    %eq3A_721 = arith.cmpi eq, %get3A_716, %eq3A_720 : vector<16xi32>
    %convert_element_type3A_722 = arith.extui %eq3A_721 : vector<16xi1> to vector<16xi32>
    %broadcast_in_dim3A_723 = arith.constant true
    %broadcast_in_dim3A_724 = vector.broadcast %broadcast_in_dim3A_723 : i1 to vector<16xi1>
    %masked_cumsum3A_725 = tpu.scan <sum>, %convert_element_type3A_722 masked %broadcast_in_dim3A_724 : vector<16xi32>, vector<16xi1> -> vector<16xi32>
    %broadcast_in_dim3A_726 = vector.broadcast %add3A_660 : i32 to vector<16xi32>
    %add3A_727 = arith.addi %broadcast_in_dim3A_726, %masked_cumsum3A_725 : vector<16xi32>
    %sub3A_728 = arith.constant 1 : i32
    %sub3A_729 = vector.broadcast %sub3A_728 : i32 to vector<16xi32>
    %sub3A_730 = arith.subi %add3A_727, %sub3A_729 : vector<16xi32>
    %broadcast_in_dim3A_731 = arith.constant 0 : i32
    %broadcast_in_dim3A_732 = vector.broadcast %broadcast_in_dim3A_731 : i32 to vector<16xi32>
    %select_n3A_733 = arith.select %eq3A_721, %sub3A_730, %broadcast_in_dim3A_732 : vector<16xi1>, vector<16xi32>
    %add3A_734 = arith.addi %broadcast_in_dim3A_718, %select_n3A_733 : vector<16xi32>
    %convert_element_type3A_735 = arith.extui %eq3A_721 : vector<16xi1> to vector<16xi32>
    %reduce_sum3A_736 = arith.constant true
    %reduce_sum3A_737 = vector.broadcast %reduce_sum3A_736 : i1 to vector<16xi1>
    %reduce_sum3A_738 = tpu.scan <sum>, %convert_element_type3A_735 masked %reduce_sum3A_737 : vector<16xi32>, vector<16xi1> -> vector<16xi32>
    %reduce_sum3A_739 = vector.extract %reduce_sum3A_738[15] : i32 from vector<16xi32>
    %add3A_740 = arith.addi %add3A_660, %reduce_sum3A_739 : i32
    %eq3A_741 = arith.constant 1 : i32
    %eq3A_742 = vector.broadcast %eq3A_741 : i32 to vector<16xi32>
    %eq3A_743 = arith.cmpi eq, %get3A_716, %eq3A_742 : vector<16xi32>
    %convert_element_type3A_744 = arith.extui %eq3A_743 : vector<16xi1> to vector<16xi32>
    %broadcast_in_dim3A_745 = arith.constant true
    %broadcast_in_dim3A_746 = vector.broadcast %broadcast_in_dim3A_745 : i1 to vector<16xi1>
    %masked_cumsum3A_747 = tpu.scan <sum>, %convert_element_type3A_744 masked %broadcast_in_dim3A_746 : vector<16xi32>, vector<16xi1> -> vector<16xi32>
    %broadcast_in_dim3A_748 = vector.broadcast %add3A_682 : i32 to vector<16xi32>
    %add3A_749 = arith.addi %broadcast_in_dim3A_748, %masked_cumsum3A_747 : vector<16xi32>
    %sub3A_750 = arith.constant 1 : i32
    %sub3A_751 = vector.broadcast %sub3A_750 : i32 to vector<16xi32>
    %sub3A_752 = arith.subi %add3A_749, %sub3A_751 : vector<16xi32>
    %broadcast_in_dim3A_753 = arith.constant 0 : i32
    %broadcast_in_dim3A_754 = vector.broadcast %broadcast_in_dim3A_753 : i32 to vector<16xi32>
    %select_n3A_755 = arith.select %eq3A_743, %sub3A_752, %broadcast_in_dim3A_754 : vector<16xi1>, vector<16xi32>
    %add3A_756 = arith.addi %add3A_734, %select_n3A_755 : vector<16xi32>
    %convert_element_type3A_757 = arith.extui %eq3A_743 : vector<16xi1> to vector<16xi32>
    %reduce_sum3A_758 = arith.constant true
    %reduce_sum3A_759 = vector.broadcast %reduce_sum3A_758 : i1 to vector<16xi1>
    %reduce_sum3A_760 = tpu.scan <sum>, %convert_element_type3A_757 masked %reduce_sum3A_759 : vector<16xi32>, vector<16xi1> -> vector<16xi32>
    %reduce_sum3A_761 = vector.extract %reduce_sum3A_760[15] : i32 from vector<16xi32>
    %add3A_762 = arith.addi %add3A_682, %reduce_sum3A_761 : i32
    %eq3A_763 = arith.constant 2 : i32
    %eq3A_764 = vector.broadcast %eq3A_763 : i32 to vector<16xi32>
    %eq3A_765 = arith.cmpi eq, %get3A_716, %eq3A_764 : vector<16xi32>
    %convert_element_type3A_766 = arith.extui %eq3A_765 : vector<16xi1> to vector<16xi32>
    %broadcast_in_dim3A_767 = arith.constant true
    %broadcast_in_dim3A_768 = vector.broadcast %broadcast_in_dim3A_767 : i1 to vector<16xi1>
    %masked_cumsum3A_769 = tpu.scan <sum>, %convert_element_type3A_766 masked %broadcast_in_dim3A_768 : vector<16xi32>, vector<16xi1> -> vector<16xi32>
    %broadcast_in_dim3A_770 = vector.broadcast %add3A_704 : i32 to vector<16xi32>
    %add3A_771 = arith.addi %broadcast_in_dim3A_770, %masked_cumsum3A_769 : vector<16xi32>
    %sub3A_772 = arith.constant 1 : i32
    %sub3A_773 = vector.broadcast %sub3A_772 : i32 to vector<16xi32>
    %sub3A_774 = arith.subi %add3A_771, %sub3A_773 : vector<16xi32>
    %broadcast_in_dim3A_775 = arith.constant 0 : i32
    %broadcast_in_dim3A_776 = vector.broadcast %broadcast_in_dim3A_775 : i32 to vector<16xi32>
    %select_n3A_777 = arith.select %eq3A_765, %sub3A_774, %broadcast_in_dim3A_776 : vector<16xi1>, vector<16xi32>
    %add3A_778 = arith.addi %add3A_756, %select_n3A_777 : vector<16xi32>
    %convert_element_type3A_779 = arith.extui %eq3A_765 : vector<16xi1> to vector<16xi32>
    %reduce_sum3A_780 = arith.constant true
    %reduce_sum3A_781 = vector.broadcast %reduce_sum3A_780 : i1 to vector<16xi1>
    %reduce_sum3A_782 = tpu.scan <sum>, %convert_element_type3A_779 masked %reduce_sum3A_781 : vector<16xi32>, vector<16xi1> -> vector<16xi32>
    %reduce_sum3A_783 = vector.extract %reduce_sum3A_782[15] : i32 from vector<16xi32>
    %add3A_784 = arith.addi %add3A_704, %reduce_sum3A_783 : i32
    %swap3A_785 = arith.constant 128 : index
    %swap3A_786 = tpu.vector_load %arg8[%swap3A_785] {strides = array<i32>} : memref<256xi32, #tpu.memory_space<vmem>>, vector<16xi32>,
    tpu.vector_store %arg8[%swap3A_785], %add3A_778 {strides = array<i32>} : memref<256xi32, #tpu.memory_space<vmem>>, vector<16xi32>,
    %swap3A_787 = arith.constant 2 : i32
    %swap3A_788 = arith.index_cast %swap3A_787 : i32 to index
    %swap3A_789 = arith.constant 0 : index
    %swap3A_790 = tpu.vector_load %arg9[%swap3A_788, %swap3A_789] {strides = array<i32>} : memref<4x64xi32, #tpu.memory_space<vmem>>, vector<16xi32>,
    tpu.vector_store %arg9[%swap3A_788, %swap3A_789], %add3A_778 {strides = array<i32>} : memref<4x64xi32, #tpu.memory_space<vmem>>, vector<16xi32>,
    %mul3A_791 = arith.constant 256 : i32
    %mul3A_792 = arith.muli %add3A, %mul3A_791 : i32
    %add3A_793 = arith.constant 144 : i32
    %add3A_794 = arith.addi %mul3A_792, %add3A_793 : i32
    %get3A_795 = arith.index_cast %add3A_794 : i32 to index
    %get3A_796 = tpu.vector_load %arg7[%get3A_795] {strides = array<i32>} : memref<8192xi32, #tpu.memory_space<vmem>>, vector<16xi32>,
    %broadcast_in_dim3A_797 = arith.constant 0 : i32
    %broadcast_in_dim3A_798 = vector.broadcast %broadcast_in_dim3A_797 : i32 to vector<16xi32>
    %eq3A_799 = arith.constant 0 : i32
    %eq3A_800 = vector.broadcast %eq3A_799 : i32 to vector<16xi32>
    %eq3A_801 = arith.cmpi eq, %get3A_796, %eq3A_800 : vector<16xi32>
    %convert_element_type3A_802 = arith.extui %eq3A_801 : vector<16xi1> to vector<16xi32>
    %broadcast_in_dim3A_803 = arith.constant true
    %broadcast_in_dim3A_804 = vector.broadcast %broadcast_in_dim3A_803 : i1 to vector<16xi1>
    %masked_cumsum3A_805 = tpu.scan <sum>, %convert_element_type3A_802 masked %broadcast_in_dim3A_804 : vector<16xi32>, vector<16xi1> -> vector<16xi32>
    %broadcast_in_dim3A_806 = vector.broadcast %add3A_740 : i32 to vector<16xi32>
    %add3A_807 = arith.addi %broadcast_in_dim3A_806, %masked_cumsum3A_805 : vector<16xi32>
    %sub3A_808 = arith.constant 1 : i32
    %sub3A_809 = vector.broadcast %sub3A_808 : i32 to vector<16xi32>
    %sub3A_810 = arith.subi %add3A_807, %sub3A_809 : vector<16xi32>
    %broadcast_in_dim3A_811 = arith.constant 0 : i32
    %broadcast_in_dim3A_812 = vector.broadcast %broadcast_in_dim3A_811 : i32 to vector<16xi32>
    %select_n3A_813 = arith.select %eq3A_801, %sub3A_810, %broadcast_in_dim3A_812 : vector<16xi1>, vector<16xi32>
    %add3A_814 = arith.addi %broadcast_in_dim3A_798, %select_n3A_813 : vector<16xi32>
    %convert_element_type3A_815 = arith.extui %eq3A_801 : vector<16xi1> to vector<16xi32>
    %reduce_sum3A_816 = arith.constant true
    %reduce_sum3A_817 = vector.broadcast %reduce_sum3A_816 : i1 to vector<16xi1>
    %reduce_sum3A_818 = tpu.scan <sum>, %convert_element_type3A_815 masked %reduce_sum3A_817 : vector<16xi32>, vector<16xi1> -> vector<16xi32>
    %reduce_sum3A_819 = vector.extract %reduce_sum3A_818[15] : i32 from vector<16xi32>
    %add3A_820 = arith.addi %add3A_740, %reduce_sum3A_819 : i32
    %eq3A_821 = arith.constant 1 : i32
    %eq3A_822 = vector.broadcast %eq3A_821 : i32 to vector<16xi32>
    %eq3A_823 = arith.cmpi eq, %get3A_796, %eq3A_822 : vector<16xi32>
    %convert_element_type3A_824 = arith.extui %eq3A_823 : vector<16xi1> to vector<16xi32>
    %broadcast_in_dim3A_825 = arith.constant true
    %broadcast_in_dim3A_826 = vector.broadcast %broadcast_in_dim3A_825 : i1 to vector<16xi1>
    %masked_cumsum3A_827 = tpu.scan <sum>, %convert_element_type3A_824 masked %broadcast_in_dim3A_826 : vector<16xi32>, vector<16xi1> -> vector<16xi32>
    %broadcast_in_dim3A_828 = vector.broadcast %add3A_762 : i32 to vector<16xi32>
    %add3A_829 = arith.addi %broadcast_in_dim3A_828, %masked_cumsum3A_827 : vector<16xi32>
    %sub3A_830 = arith.constant 1 : i32
    %sub3A_831 = vector.broadcast %sub3A_830 : i32 to vector<16xi32>
    %sub3A_832 = arith.subi %add3A_829, %sub3A_831 : vector<16xi32>
    %broadcast_in_dim3A_833 = arith.constant 0 : i32
    %broadcast_in_dim3A_834 = vector.broadcast %broadcast_in_dim3A_833 : i32 to vector<16xi32>
    %select_n3A_835 = arith.select %eq3A_823, %sub3A_832, %broadcast_in_dim3A_834 : vector<16xi1>, vector<16xi32>
    %add3A_836 = arith.addi %add3A_814, %select_n3A_835 : vector<16xi32>
    %convert_element_type3A_837 = arith.extui %eq3A_823 : vector<16xi1> to vector<16xi32>
    %reduce_sum3A_838 = arith.constant true
    %reduce_sum3A_839 = vector.broadcast %reduce_sum3A_838 : i1 to vector<16xi1>
    %reduce_sum3A_840 = tpu.scan <sum>, %convert_element_type3A_837 masked %reduce_sum3A_839 : vector<16xi32>, vector<16xi1> -> vector<16xi32>
    %reduce_sum3A_841 = vector.extract %reduce_sum3A_840[15] : i32 from vector<16xi32>
    %add3A_842 = arith.addi %add3A_762, %reduce_sum3A_841 : i32
    %eq3A_843 = arith.constant 2 : i32
    %eq3A_844 = vector.broadcast %eq3A_843 : i32 to vector<16xi32>
    %eq3A_845 = arith.cmpi eq, %get3A_796, %eq3A_844 : vector<16xi32>
    %convert_element_type3A_846 = arith.extui %eq3A_845 : vector<16xi1> to vector<16xi32>
    %broadcast_in_dim3A_847 = arith.constant true
    %broadcast_in_dim3A_848 = vector.broadcast %broadcast_in_dim3A_847 : i1 to vector<16xi1>
    %masked_cumsum3A_849 = tpu.scan <sum>, %convert_element_type3A_846 masked %broadcast_in_dim3A_848 : vector<16xi32>, vector<16xi1> -> vector<16xi32>
    %broadcast_in_dim3A_850 = vector.broadcast %add3A_784 : i32 to vector<16xi32>
    %add3A_851 = arith.addi %broadcast_in_dim3A_850, %masked_cumsum3A_849 : vector<16xi32>
    %sub3A_852 = arith.constant 1 : i32
    %sub3A_853 = vector.broadcast %sub3A_852 : i32 to vector<16xi32>
    %sub3A_854 = arith.subi %add3A_851, %sub3A_853 : vector<16xi32>
    %broadcast_in_dim3A_855 = arith.constant 0 : i32
    %broadcast_in_dim3A_856 = vector.broadcast %broadcast_in_dim3A_855 : i32 to vector<16xi32>
    %select_n3A_857 = arith.select %eq3A_845, %sub3A_854, %broadcast_in_dim3A_856 : vector<16xi1>, vector<16xi32>
    %add3A_858 = arith.addi %add3A_836, %select_n3A_857 : vector<16xi32>
    %convert_element_type3A_859 = arith.extui %eq3A_845 : vector<16xi1> to vector<16xi32>
    %reduce_sum3A_860 = arith.constant true
    %reduce_sum3A_861 = vector.broadcast %reduce_sum3A_860 : i1 to vector<16xi1>
    %reduce_sum3A_862 = tpu.scan <sum>, %convert_element_type3A_859 masked %reduce_sum3A_861 : vector<16xi32>, vector<16xi1> -> vector<16xi32>
    %reduce_sum3A_863 = vector.extract %reduce_sum3A_862[15] : i32 from vector<16xi32>
    %add3A_864 = arith.addi %add3A_784, %reduce_sum3A_863 : i32
    %swap3A_865 = arith.constant 144 : index
    %swap3A_866 = tpu.vector_load %arg8[%swap3A_865] {strides = array<i32>} : memref<256xi32, #tpu.memory_space<vmem>>, vector<16xi32>,
    tpu.vector_store %arg8[%swap3A_865], %add3A_858 {strides = array<i32>} : memref<256xi32, #tpu.memory_space<vmem>>, vector<16xi32>,
    %swap3A_867 = arith.constant 2 : i32
    %swap3A_868 = arith.index_cast %swap3A_867 : i32 to index
    %swap3A_869 = arith.constant 16 : index
    %swap3A_870 = tpu.vector_load %arg9[%swap3A_868, %swap3A_869] {strides = array<i32>} : memref<4x64xi32, #tpu.memory_space<vmem>>, vector<16xi32>,
    tpu.vector_store %arg9[%swap3A_868, %swap3A_869], %add3A_858 {strides = array<i32>} : memref<4x64xi32, #tpu.memory_space<vmem>>, vector<16xi32>,
    %mul3A_871 = arith.constant 256 : i32
    %mul3A_872 = arith.muli %add3A, %mul3A_871 : i32
    %add3A_873 = arith.constant 160 : i32
    %add3A_874 = arith.addi %mul3A_872, %add3A_873 : i32
    %get3A_875 = arith.index_cast %add3A_874 : i32 to index
    %get3A_876 = tpu.vector_load %arg7[%get3A_875] {strides = array<i32>} : memref<8192xi32, #tpu.memory_space<vmem>>, vector<16xi32>,
    %broadcast_in_dim3A_877 = arith.constant 0 : i32
    %broadcast_in_dim3A_878 = vector.broadcast %broadcast_in_dim3A_877 : i32 to vector<16xi32>
    %eq3A_879 = arith.constant 0 : i32
    %eq3A_880 = vector.broadcast %eq3A_879 : i32 to vector<16xi32>
    %eq3A_881 = arith.cmpi eq, %get3A_876, %eq3A_880 : vector<16xi32>
    %convert_element_type3A_882 = arith.extui %eq3A_881 : vector<16xi1> to vector<16xi32>
    %broadcast_in_dim3A_883 = arith.constant true
    %broadcast_in_dim3A_884 = vector.broadcast %broadcast_in_dim3A_883 : i1 to vector<16xi1>
    %masked_cumsum3A_885 = tpu.scan <sum>, %convert_element_type3A_882 masked %broadcast_in_dim3A_884 : vector<16xi32>, vector<16xi1> -> vector<16xi32>
    %broadcast_in_dim3A_886 = vector.broadcast %add3A_820 : i32 to vector<16xi32>
    %add3A_887 = arith.addi %broadcast_in_dim3A_886, %masked_cumsum3A_885 : vector<16xi32>
    %sub3A_888 = arith.constant 1 : i32
    %sub3A_889 = vector.broadcast %sub3A_888 : i32 to vector<16xi32>
    %sub3A_890 = arith.subi %add3A_887, %sub3A_889 : vector<16xi32>
    %broadcast_in_dim3A_891 = arith.constant 0 : i32
    %broadcast_in_dim3A_892 = vector.broadcast %broadcast_in_dim3A_891 : i32 to vector<16xi32>
    %select_n3A_893 = arith.select %eq3A_881, %sub3A_890, %broadcast_in_dim3A_892 : vector<16xi1>, vector<16xi32>
    %add3A_894 = arith.addi %broadcast_in_dim3A_878, %select_n3A_893 : vector<16xi32>
    %convert_element_type3A_895 = arith.extui %eq3A_881 : vector<16xi1> to vector<16xi32>
    %reduce_sum3A_896 = arith.constant true
    %reduce_sum3A_897 = vector.broadcast %reduce_sum3A_896 : i1 to vector<16xi1>
    %reduce_sum3A_898 = tpu.scan <sum>, %convert_element_type3A_895 masked %reduce_sum3A_897 : vector<16xi32>, vector<16xi1> -> vector<16xi32>
    %reduce_sum3A_899 = vector.extract %reduce_sum3A_898[15] : i32 from vector<16xi32>
    %add3A_900 = arith.addi %add3A_820, %reduce_sum3A_899 : i32
    %eq3A_901 = arith.constant 1 : i32
    %eq3A_902 = vector.broadcast %eq3A_901 : i32 to vector<16xi32>
    %eq3A_903 = arith.cmpi eq, %get3A_876, %eq3A_902 : vector<16xi32>
    %convert_element_type3A_904 = arith.extui %eq3A_903 : vector<16xi1> to vector<16xi32>
    %broadcast_in_dim3A_905 = arith.constant true
    %broadcast_in_dim3A_906 = vector.broadcast %broadcast_in_dim3A_905 : i1 to vector<16xi1>
    %masked_cumsum3A_907 = tpu.scan <sum>, %convert_element_type3A_904 masked %broadcast_in_dim3A_906 : vector<16xi32>, vector<16xi1> -> vector<16xi32>
    %broadcast_in_dim3A_908 = vector.broadcast %add3A_842 : i32 to vector<16xi32>
    %add3A_909 = arith.addi %broadcast_in_dim3A_908, %masked_cumsum3A_907 : vector<16xi32>
    %sub3A_910 = arith.constant 1 : i32
    %sub3A_911 = vector.broadcast %sub3A_910 : i32 to vector<16xi32>
    %sub3A_912 = arith.subi %add3A_909, %sub3A_911 : vector<16xi32>
    %broadcast_in_dim3A_913 = arith.constant 0 : i32
    %broadcast_in_dim3A_914 = vector.broadcast %broadcast_in_dim3A_913 : i32 to vector<16xi32>
    %select_n3A_915 = arith.select %eq3A_903, %sub3A_912, %broadcast_in_dim3A_914 : vector<16xi1>, vector<16xi32>
    %add3A_916 = arith.addi %add3A_894, %select_n3A_915 : vector<16xi32>
    %convert_element_type3A_917 = arith.extui %eq3A_903 : vector<16xi1> to vector<16xi32>
    %reduce_sum3A_918 = arith.constant true
    %reduce_sum3A_919 = vector.broadcast %reduce_sum3A_918 : i1 to vector<16xi1>
    %reduce_sum3A_920 = tpu.scan <sum>, %convert_element_type3A_917 masked %reduce_sum3A_919 : vector<16xi32>, vector<16xi1> -> vector<16xi32>
    %reduce_sum3A_921 = vector.extract %reduce_sum3A_920[15] : i32 from vector<16xi32>
    %add3A_922 = arith.addi %add3A_842, %reduce_sum3A_921 : i32
    %eq3A_923 = arith.constant 2 : i32
    %eq3A_924 = vector.broadcast %eq3A_923 : i32 to vector<16xi32>
    %eq3A_925 = arith.cmpi eq, %get3A_876, %eq3A_924 : vector<16xi32>
    %convert_element_type3A_926 = arith.extui %eq3A_925 : vector<16xi1> to vector<16xi32>
    %broadcast_in_dim3A_927 = arith.constant true
    %broadcast_in_dim3A_928 = vector.broadcast %broadcast_in_dim3A_927 : i1 to vector<16xi1>
    %masked_cumsum3A_929 = tpu.scan <sum>, %convert_element_type3A_926 masked %broadcast_in_dim3A_928 : vector<16xi32>, vector<16xi1> -> vector<16xi32>
    %broadcast_in_dim3A_930 = vector.broadcast %add3A_864 : i32 to vector<16xi32>
    %add3A_931 = arith.addi %broadcast_in_dim3A_930, %masked_cumsum3A_929 : vector<16xi32>
    %sub3A_932 = arith.constant 1 : i32
    %sub3A_933 = vector.broadcast %sub3A_932 : i32 to vector<16xi32>
    %sub3A_934 = arith.subi %add3A_931, %sub3A_933 : vector<16xi32>
    %broadcast_in_dim3A_935 = arith.constant 0 : i32
    %broadcast_in_dim3A_936 = vector.broadcast %broadcast_in_dim3A_935 : i32 to vector<16xi32>
    %select_n3A_937 = arith.select %eq3A_925, %sub3A_934, %broadcast_in_dim3A_936 : vector<16xi1>, vector<16xi32>
    %add3A_938 = arith.addi %add3A_916, %select_n3A_937 : vector<16xi32>
    %convert_element_type3A_939 = arith.extui %eq3A_925 : vector<16xi1> to vector<16xi32>
    %reduce_sum3A_940 = arith.constant true
    %reduce_sum3A_941 = vector.broadcast %reduce_sum3A_940 : i1 to vector<16xi1>
    %reduce_sum3A_942 = tpu.scan <sum>, %convert_element_type3A_939 masked %reduce_sum3A_941 : vector<16xi32>, vector<16xi1> -> vector<16xi32>
    %reduce_sum3A_943 = vector.extract %reduce_sum3A_942[15] : i32 from vector<16xi32>
    %add3A_944 = arith.addi %add3A_864, %reduce_sum3A_943 : i32
    %swap3A_945 = arith.constant 160 : index
    %swap3A_946 = tpu.vector_load %arg8[%swap3A_945] {strides = array<i32>} : memref<256xi32, #tpu.memory_space<vmem>>, vector<16xi32>,
    tpu.vector_store %arg8[%swap3A_945], %add3A_938 {strides = array<i32>} : memref<256xi32, #tpu.memory_space<vmem>>, vector<16xi32>,
    %swap3A_947 = arith.constant 2 : i32
    %swap3A_948 = arith.index_cast %swap3A_947 : i32 to index
    %swap3A_949 = arith.constant 32 : index
    %swap3A_950 = tpu.vector_load %arg9[%swap3A_948, %swap3A_949] {strides = array<i32>} : memref<4x64xi32, #tpu.memory_space<vmem>>, vector<16xi32>,
    tpu.vector_store %arg9[%swap3A_948, %swap3A_949], %add3A_938 {strides = array<i32>} : memref<4x64xi32, #tpu.memory_space<vmem>>, vector<16xi32>,
    %mul3A_951 = arith.constant 256 : i32
    %mul3A_952 = arith.muli %add3A, %mul3A_951 : i32
    %add3A_953 = arith.constant 176 : i32
    %add3A_954 = arith.addi %mul3A_952, %add3A_953 : i32
    %get3A_955 = arith.index_cast %add3A_954 : i32 to index
    %get3A_956 = tpu.vector_load %arg7[%get3A_955] {strides = array<i32>} : memref<8192xi32, #tpu.memory_space<vmem>>, vector<16xi32>,
    %broadcast_in_dim3A_957 = arith.constant 0 : i32
    %broadcast_in_dim3A_958 = vector.broadcast %broadcast_in_dim3A_957 : i32 to vector<16xi32>
    %eq3A_959 = arith.constant 0 : i32
    %eq3A_960 = vector.broadcast %eq3A_959 : i32 to vector<16xi32>
    %eq3A_961 = arith.cmpi eq, %get3A_956, %eq3A_960 : vector<16xi32>
    %convert_element_type3A_962 = arith.extui %eq3A_961 : vector<16xi1> to vector<16xi32>
    %broadcast_in_dim3A_963 = arith.constant true
    %broadcast_in_dim3A_964 = vector.broadcast %broadcast_in_dim3A_963 : i1 to vector<16xi1>
    %masked_cumsum3A_965 = tpu.scan <sum>, %convert_element_type3A_962 masked %broadcast_in_dim3A_964 : vector<16xi32>, vector<16xi1> -> vector<16xi32>
    %broadcast_in_dim3A_966 = vector.broadcast %add3A_900 : i32 to vector<16xi32>
    %add3A_967 = arith.addi %broadcast_in_dim3A_966, %masked_cumsum3A_965 : vector<16xi32>
    %sub3A_968 = arith.constant 1 : i32
    %sub3A_969 = vector.broadcast %sub3A_968 : i32 to vector<16xi32>
    %sub3A_970 = arith.subi %add3A_967, %sub3A_969 : vector<16xi32>
    %broadcast_in_dim3A_971 = arith.constant 0 : i32
    %broadcast_in_dim3A_972 = vector.broadcast %broadcast_in_dim3A_971 : i32 to vector<16xi32>
    %select_n3A_973 = arith.select %eq3A_961, %sub3A_970, %broadcast_in_dim3A_972 : vector<16xi1>, vector<16xi32>
    %add3A_974 = arith.addi %broadcast_in_dim3A_958, %select_n3A_973 : vector<16xi32>
    %convert_element_type3A_975 = arith.extui %eq3A_961 : vector<16xi1> to vector<16xi32>
    %reduce_sum3A_976 = arith.constant true
    %reduce_sum3A_977 = vector.broadcast %reduce_sum3A_976 : i1 to vector<16xi1>
    %reduce_sum3A_978 = tpu.scan <sum>, %convert_element_type3A_975 masked %reduce_sum3A_977 : vector<16xi32>, vector<16xi1> -> vector<16xi32>
    %reduce_sum3A_979 = vector.extract %reduce_sum3A_978[15] : i32 from vector<16xi32>
    %add3A_980 = arith.addi %add3A_900, %reduce_sum3A_979 : i32
    %eq3A_981 = arith.constant 1 : i32
    %eq3A_982 = vector.broadcast %eq3A_981 : i32 to vector<16xi32>
    %eq3A_983 = arith.cmpi eq, %get3A_956, %eq3A_982 : vector<16xi32>
    %convert_element_type3A_984 = arith.extui %eq3A_983 : vector<16xi1> to vector<16xi32>
    %broadcast_in_dim3A_985 = arith.constant true
    %broadcast_in_dim3A_986 = vector.broadcast %broadcast_in_dim3A_985 : i1 to vector<16xi1>
    %masked_cumsum3A_987 = tpu.scan <sum>, %convert_element_type3A_984 masked %broadcast_in_dim3A_986 : vector<16xi32>, vector<16xi1> -> vector<16xi32>
    %broadcast_in_dim3A_988 = vector.broadcast %add3A_922 : i32 to vector<16xi32>
    %add3A_989 = arith.addi %broadcast_in_dim3A_988, %masked_cumsum3A_987 : vector<16xi32>
    %sub3A_990 = arith.constant 1 : i32
    %sub3A_991 = vector.broadcast %sub3A_990 : i32 to vector<16xi32>
    %sub3A_992 = arith.subi %add3A_989, %sub3A_991 : vector<16xi32>
    %broadcast_in_dim3A_993 = arith.constant 0 : i32
    %broadcast_in_dim3A_994 = vector.broadcast %broadcast_in_dim3A_993 : i32 to vector<16xi32>
    %select_n3A_995 = arith.select %eq3A_983, %sub3A_992, %broadcast_in_dim3A_994 : vector<16xi1>, vector<16xi32>
    %add3A_996 = arith.addi %add3A_974, %select_n3A_995 : vector<16xi32>
    %convert_element_type3A_997 = arith.extui %eq3A_983 : vector<16xi1> to vector<16xi32>
    %reduce_sum3A_998 = arith.constant true
    %reduce_sum3A_999 = vector.broadcast %reduce_sum3A_998 : i1 to vector<16xi1>
    %reduce_sum3A_1000 = tpu.scan <sum>, %convert_element_type3A_997 masked %reduce_sum3A_999 : vector<16xi32>, vector<16xi1> -> vector<16xi32>
    %reduce_sum3A_1001 = vector.extract %reduce_sum3A_1000[15] : i32 from vector<16xi32>
    %add3A_1002 = arith.addi %add3A_922, %reduce_sum3A_1001 : i32
    %eq3A_1003 = arith.constant 2 : i32
    %eq3A_1004 = vector.broadcast %eq3A_1003 : i32 to vector<16xi32>
    %eq3A_1005 = arith.cmpi eq, %get3A_956, %eq3A_1004 : vector<16xi32>
    %convert_element_type3A_1006 = arith.extui %eq3A_1005 : vector<16xi1> to vector<16xi32>
    %broadcast_in_dim3A_1007 = arith.constant true
    %broadcast_in_dim3A_1008 = vector.broadcast %broadcast_in_dim3A_1007 : i1 to vector<16xi1>
    %masked_cumsum3A_1009 = tpu.scan <sum>, %convert_element_type3A_1006 masked %broadcast_in_dim3A_1008 : vector<16xi32>, vector<16xi1> -> vector<16xi32>
    %broadcast_in_dim3A_1010 = vector.broadcast %add3A_944 : i32 to vector<16xi32>
    %add3A_1011 = arith.addi %broadcast_in_dim3A_1010, %masked_cumsum3A_1009 : vector<16xi32>
    %sub3A_1012 = arith.constant 1 : i32
    %sub3A_1013 = vector.broadcast %sub3A_1012 : i32 to vector<16xi32>
    %sub3A_1014 = arith.subi %add3A_1011, %sub3A_1013 : vector<16xi32>
    %broadcast_in_dim3A_1015 = arith.constant 0 : i32
    %broadcast_in_dim3A_1016 = vector.broadcast %broadcast_in_dim3A_1015 : i32 to vector<16xi32>
    %select_n3A_1017 = arith.select %eq3A_1005, %sub3A_1014, %broadcast_in_dim3A_1016 : vector<16xi1>, vector<16xi32>
    %add3A_1018 = arith.addi %add3A_996, %select_n3A_1017 : vector<16xi32>
    %convert_element_type3A_1019 = arith.extui %eq3A_1005 : vector<16xi1> to vector<16xi32>
    %reduce_sum3A_1020 = arith.constant true
    %reduce_sum3A_1021 = vector.broadcast %reduce_sum3A_1020 : i1 to vector<16xi1>
    %reduce_sum3A_1022 = tpu.scan <sum>, %convert_element_type3A_1019 masked %reduce_sum3A_1021 : vector<16xi32>, vector<16xi1> -> vector<16xi32>
    %reduce_sum3A_1023 = vector.extract %reduce_sum3A_1022[15] : i32 from vector<16xi32>
    %add3A_1024 = arith.addi %add3A_944, %reduce_sum3A_1023 : i32
    %swap3A_1025 = arith.constant 176 : index
    %swap3A_1026 = tpu.vector_load %arg8[%swap3A_1025] {strides = array<i32>} : memref<256xi32, #tpu.memory_space<vmem>>, vector<16xi32>,
    tpu.vector_store %arg8[%swap3A_1025], %add3A_1018 {strides = array<i32>} : memref<256xi32, #tpu.memory_space<vmem>>, vector<16xi32>,
    %swap3A_1027 = arith.constant 2 : i32
    %swap3A_1028 = arith.index_cast %swap3A_1027 : i32 to index
    %swap3A_1029 = arith.constant 48 : index
    %swap3A_1030 = tpu.vector_load %arg9[%swap3A_1028, %swap3A_1029] {strides = array<i32>} : memref<4x64xi32, #tpu.memory_space<vmem>>, vector<16xi32>,
    tpu.vector_store %arg9[%swap3A_1028, %swap3A_1029], %add3A_1018 {strides = array<i32>} : memref<4x64xi32, #tpu.memory_space<vmem>>, vector<16xi32>,
    %mul3A_1031 = arith.constant 256 : i32
    %mul3A_1032 = arith.muli %add3A, %mul3A_1031 : i32
    %add3A_1033 = arith.constant 192 : i32
    %add3A_1034 = arith.addi %mul3A_1032, %add3A_1033 : i32
    %get3A_1035 = arith.index_cast %add3A_1034 : i32 to index
    %get3A_1036 = tpu.vector_load %arg7[%get3A_1035] {strides = array<i32>} : memref<8192xi32, #tpu.memory_space<vmem>>, vector<16xi32>,
    %broadcast_in_dim3A_1037 = arith.constant 0 : i32
    %broadcast_in_dim3A_1038 = vector.broadcast %broadcast_in_dim3A_1037 : i32 to vector<16xi32>
    %eq3A_1039 = arith.constant 0 : i32
    %eq3A_1040 = vector.broadcast %eq3A_1039 : i32 to vector<16xi32>
    %eq3A_1041 = arith.cmpi eq, %get3A_1036, %eq3A_1040 : vector<16xi32>
    %convert_element_type3A_1042 = arith.extui %eq3A_1041 : vector<16xi1> to vector<16xi32>
    %broadcast_in_dim3A_1043 = arith.constant true
    %broadcast_in_dim3A_1044 = vector.broadcast %broadcast_in_dim3A_1043 : i1 to vector<16xi1>
    %masked_cumsum3A_1045 = tpu.scan <sum>, %convert_element_type3A_1042 masked %broadcast_in_dim3A_1044 : vector<16xi32>, vector<16xi1> -> vector<16xi32>
    %broadcast_in_dim3A_1046 = vector.broadcast %add3A_980 : i32 to vector<16xi32>
    %add3A_1047 = arith.addi %broadcast_in_dim3A_1046, %masked_cumsum3A_1045 : vector<16xi32>
    %sub3A_1048 = arith.constant 1 : i32
    %sub3A_1049 = vector.broadcast %sub3A_1048 : i32 to vector<16xi32>
    %sub3A_1050 = arith.subi %add3A_1047, %sub3A_1049 : vector<16xi32>
    %broadcast_in_dim3A_1051 = arith.constant 0 : i32
    %broadcast_in_dim3A_1052 = vector.broadcast %broadcast_in_dim3A_1051 : i32 to vector<16xi32>
    %select_n3A_1053 = arith.select %eq3A_1041, %sub3A_1050, %broadcast_in_dim3A_1052 : vector<16xi1>, vector<16xi32>
    %add3A_1054 = arith.addi %broadcast_in_dim3A_1038, %select_n3A_1053 : vector<16xi32>
    %convert_element_type3A_1055 = arith.extui %eq3A_1041 : vector<16xi1> to vector<16xi32>
    %reduce_sum3A_1056 = arith.constant true
    %reduce_sum3A_1057 = vector.broadcast %reduce_sum3A_1056 : i1 to vector<16xi1>
    %reduce_sum3A_1058 = tpu.scan <sum>, %convert_element_type3A_1055 masked %reduce_sum3A_1057 : vector<16xi32>, vector<16xi1> -> vector<16xi32>
    %reduce_sum3A_1059 = vector.extract %reduce_sum3A_1058[15] : i32 from vector<16xi32>
    %add3A_1060 = arith.addi %add3A_980, %reduce_sum3A_1059 : i32
    %eq3A_1061 = arith.constant 1 : i32
    %eq3A_1062 = vector.broadcast %eq3A_1061 : i32 to vector<16xi32>
    %eq3A_1063 = arith.cmpi eq, %get3A_1036, %eq3A_1062 : vector<16xi32>
    %convert_element_type3A_1064 = arith.extui %eq3A_1063 : vector<16xi1> to vector<16xi32>
    %broadcast_in_dim3A_1065 = arith.constant true
    %broadcast_in_dim3A_1066 = vector.broadcast %broadcast_in_dim3A_1065 : i1 to vector<16xi1>
    %masked_cumsum3A_1067 = tpu.scan <sum>, %convert_element_type3A_1064 masked %broadcast_in_dim3A_1066 : vector<16xi32>, vector<16xi1> -> vector<16xi32>
    %broadcast_in_dim3A_1068 = vector.broadcast %add3A_1002 : i32 to vector<16xi32>
    %add3A_1069 = arith.addi %broadcast_in_dim3A_1068, %masked_cumsum3A_1067 : vector<16xi32>
    %sub3A_1070 = arith.constant 1 : i32
    %sub3A_1071 = vector.broadcast %sub3A_1070 : i32 to vector<16xi32>
    %sub3A_1072 = arith.subi %add3A_1069, %sub3A_1071 : vector<16xi32>
    %broadcast_in_dim3A_1073 = arith.constant 0 : i32
    %broadcast_in_dim3A_1074 = vector.broadcast %broadcast_in_dim3A_1073 : i32 to vector<16xi32>
    %select_n3A_1075 = arith.select %eq3A_1063, %sub3A_1072, %broadcast_in_dim3A_1074 : vector<16xi1>, vector<16xi32>
    %add3A_1076 = arith.addi %add3A_1054, %select_n3A_1075 : vector<16xi32>
    %convert_element_type3A_1077 = arith.extui %eq3A_1063 : vector<16xi1> to vector<16xi32>
    %reduce_sum3A_1078 = arith.constant true
    %reduce_sum3A_1079 = vector.broadcast %reduce_sum3A_1078 : i1 to vector<16xi1>
    %reduce_sum3A_1080 = tpu.scan <sum>, %convert_element_type3A_1077 masked %reduce_sum3A_1079 : vector<16xi32>, vector<16xi1> -> vector<16xi32>
    %reduce_sum3A_1081 = vector.extract %reduce_sum3A_1080[15] : i32 from vector<16xi32>
    %add3A_1082 = arith.addi %add3A_1002, %reduce_sum3A_1081 : i32
    %eq3A_1083 = arith.constant 2 : i32
    %eq3A_1084 = vector.broadcast %eq3A_1083 : i32 to vector<16xi32>
    %eq3A_1085 = arith.cmpi eq, %get3A_1036, %eq3A_1084 : vector<16xi32>
    %convert_element_type3A_1086 = arith.extui %eq3A_1085 : vector<16xi1> to vector<16xi32>
    %broadcast_in_dim3A_1087 = arith.constant true
    %broadcast_in_dim3A_1088 = vector.broadcast %broadcast_in_dim3A_1087 : i1 to vector<16xi1>
    %masked_cumsum3A_1089 = tpu.scan <sum>, %convert_element_type3A_1086 masked %broadcast_in_dim3A_1088 : vector<16xi32>, vector<16xi1> -> vector<16xi32>
    %broadcast_in_dim3A_1090 = vector.broadcast %add3A_1024 : i32 to vector<16xi32>
    %add3A_1091 = arith.addi %broadcast_in_dim3A_1090, %masked_cumsum3A_1089 : vector<16xi32>
    %sub3A_1092 = arith.constant 1 : i32
    %sub3A_1093 = vector.broadcast %sub3A_1092 : i32 to vector<16xi32>
    %sub3A_1094 = arith.subi %add3A_1091, %sub3A_1093 : vector<16xi32>
    %broadcast_in_dim3A_1095 = arith.constant 0 : i32
    %broadcast_in_dim3A_1096 = vector.broadcast %broadcast_in_dim3A_1095 : i32 to vector<16xi32>
    %select_n3A_1097 = arith.select %eq3A_1085, %sub3A_1094, %broadcast_in_dim3A_1096 : vector<16xi1>, vector<16xi32>
    %add3A_1098 = arith.addi %add3A_1076, %select_n3A_1097 : vector<16xi32>
    %convert_element_type3A_1099 = arith.extui %eq3A_1085 : vector<16xi1> to vector<16xi32>
    %reduce_sum3A_1100 = arith.constant true
    %reduce_sum3A_1101 = vector.broadcast %reduce_sum3A_1100 : i1 to vector<16xi1>
    %reduce_sum3A_1102 = tpu.scan <sum>, %convert_element_type3A_1099 masked %reduce_sum3A_1101 : vector<16xi32>, vector<16xi1> -> vector<16xi32>
    %reduce_sum3A_1103 = vector.extract %reduce_sum3A_1102[15] : i32 from vector<16xi32>
    %add3A_1104 = arith.addi %add3A_1024, %reduce_sum3A_1103 : i32
    %swap3A_1105 = arith.constant 192 : index
    %swap3A_1106 = tpu.vector_load %arg8[%swap3A_1105] {strides = array<i32>} : memref<256xi32, #tpu.memory_space<vmem>>, vector<16xi32>,
    tpu.vector_store %arg8[%swap3A_1105], %add3A_1098 {strides = array<i32>} : memref<256xi32, #tpu.memory_space<vmem>>, vector<16xi32>,
    %swap3A_1107 = arith.constant 3 : i32
    %swap3A_1108 = arith.index_cast %swap3A_1107 : i32 to index
    %swap3A_1109 = arith.constant 0 : index
    %swap3A_1110 = tpu.vector_load %arg9[%swap3A_1108, %swap3A_1109] {strides = array<i32>} : memref<4x64xi32, #tpu.memory_space<vmem>>, vector<16xi32>,
    tpu.vector_store %arg9[%swap3A_1108, %swap3A_1109], %add3A_1098 {strides = array<i32>} : memref<4x64xi32, #tpu.memory_space<vmem>>, vector<16xi32>,
    %mul3A_1111 = arith.constant 256 : i32
    %mul3A_1112 = arith.muli %add3A, %mul3A_1111 : i32
    %add3A_1113 = arith.constant 208 : i32
    %add3A_1114 = arith.addi %mul3A_1112, %add3A_1113 : i32
    %get3A_1115 = arith.index_cast %add3A_1114 : i32 to index
    %get3A_1116 = tpu.vector_load %arg7[%get3A_1115] {strides = array<i32>} : memref<8192xi32, #tpu.memory_space<vmem>>, vector<16xi32>,
    %broadcast_in_dim3A_1117 = arith.constant 0 : i32
    %broadcast_in_dim3A_1118 = vector.broadcast %broadcast_in_dim3A_1117 : i32 to vector<16xi32>
    %eq3A_1119 = arith.constant 0 : i32
    %eq3A_1120 = vector.broadcast %eq3A_1119 : i32 to vector<16xi32>
    %eq3A_1121 = arith.cmpi eq, %get3A_1116, %eq3A_1120 : vector<16xi32>
    %convert_element_type3A_1122 = arith.extui %eq3A_1121 : vector<16xi1> to vector<16xi32>
    %broadcast_in_dim3A_1123 = arith.constant true
    %broadcast_in_dim3A_1124 = vector.broadcast %broadcast_in_dim3A_1123 : i1 to vector<16xi1>
    %masked_cumsum3A_1125 = tpu.scan <sum>, %convert_element_type3A_1122 masked %broadcast_in_dim3A_1124 : vector<16xi32>, vector<16xi1> -> vector<16xi32>
    %broadcast_in_dim3A_1126 = vector.broadcast %add3A_1060 : i32 to vector<16xi32>
    %add3A_1127 = arith.addi %broadcast_in_dim3A_1126, %masked_cumsum3A_1125 : vector<16xi32>
    %sub3A_1128 = arith.constant 1 : i32
    %sub3A_1129 = vector.broadcast %sub3A_1128 : i32 to vector<16xi32>
    %sub3A_1130 = arith.subi %add3A_1127, %sub3A_1129 : vector<16xi32>
    %broadcast_in_dim3A_1131 = arith.constant 0 : i32
    %broadcast_in_dim3A_1132 = vector.broadcast %broadcast_in_dim3A_1131 : i32 to vector<16xi32>
    %select_n3A_1133 = arith.select %eq3A_1121, %sub3A_1130, %broadcast_in_dim3A_1132 : vector<16xi1>, vector<16xi32>
    %add3A_1134 = arith.addi %broadcast_in_dim3A_1118, %select_n3A_1133 : vector<16xi32>
    %convert_element_type3A_1135 = arith.extui %eq3A_1121 : vector<16xi1> to vector<16xi32>
    %reduce_sum3A_1136 = arith.constant true
    %reduce_sum3A_1137 = vector.broadcast %reduce_sum3A_1136 : i1 to vector<16xi1>
    %reduce_sum3A_1138 = tpu.scan <sum>, %convert_element_type3A_1135 masked %reduce_sum3A_1137 : vector<16xi32>, vector<16xi1> -> vector<16xi32>
    %reduce_sum3A_1139 = vector.extract %reduce_sum3A_1138[15] : i32 from vector<16xi32>
    %add3A_1140 = arith.addi %add3A_1060, %reduce_sum3A_1139 : i32
    %eq3A_1141 = arith.constant 1 : i32
    %eq3A_1142 = vector.broadcast %eq3A_1141 : i32 to vector<16xi32>
    %eq3A_1143 = arith.cmpi eq, %get3A_1116, %eq3A_1142 : vector<16xi32>
    %convert_element_type3A_1144 = arith.extui %eq3A_1143 : vector<16xi1> to vector<16xi32>
    %broadcast_in_dim3A_1145 = arith.constant true
    %broadcast_in_dim3A_1146 = vector.broadcast %broadcast_in_dim3A_1145 : i1 to vector<16xi1>
    %masked_cumsum3A_1147 = tpu.scan <sum>, %convert_element_type3A_1144 masked %broadcast_in_dim3A_1146 : vector<16xi32>, vector<16xi1> -> vector<16xi32>
    %broadcast_in_dim3A_1148 = vector.broadcast %add3A_1082 : i32 to vector<16xi32>
    %add3A_1149 = arith.addi %broadcast_in_dim3A_1148, %masked_cumsum3A_1147 : vector<16xi32>
    %sub3A_1150 = arith.constant 1 : i32
    %sub3A_1151 = vector.broadcast %sub3A_1150 : i32 to vector<16xi32>
    %sub3A_1152 = arith.subi %add3A_1149, %sub3A_1151 : vector<16xi32>
    %broadcast_in_dim3A_1153 = arith.constant 0 : i32
    %broadcast_in_dim3A_1154 = vector.broadcast %broadcast_in_dim3A_1153 : i32 to vector<16xi32>
    %select_n3A_1155 = arith.select %eq3A_1143, %sub3A_1152, %broadcast_in_dim3A_1154 : vector<16xi1>, vector<16xi32>
    %add3A_1156 = arith.addi %add3A_1134, %select_n3A_1155 : vector<16xi32>
    %convert_element_type3A_1157 = arith.extui %eq3A_1143 : vector<16xi1> to vector<16xi32>
    %reduce_sum3A_1158 = arith.constant true
    %reduce_sum3A_1159 = vector.broadcast %reduce_sum3A_1158 : i1 to vector<16xi1>
    %reduce_sum3A_1160 = tpu.scan <sum>, %convert_element_type3A_1157 masked %reduce_sum3A_1159 : vector<16xi32>, vector<16xi1> -> vector<16xi32>
    %reduce_sum3A_1161 = vector.extract %reduce_sum3A_1160[15] : i32 from vector<16xi32>
    %add3A_1162 = arith.addi %add3A_1082, %reduce_sum3A_1161 : i32
    %eq3A_1163 = arith.constant 2 : i32
    %eq3A_1164 = vector.broadcast %eq3A_1163 : i32 to vector<16xi32>
    %eq3A_1165 = arith.cmpi eq, %get3A_1116, %eq3A_1164 : vector<16xi32>
    %convert_element_type3A_1166 = arith.extui %eq3A_1165 : vector<16xi1> to vector<16xi32>
    %broadcast_in_dim3A_1167 = arith.constant true
    %broadcast_in_dim3A_1168 = vector.broadcast %broadcast_in_dim3A_1167 : i1 to vector<16xi1>
    %masked_cumsum3A_1169 = tpu.scan <sum>, %convert_element_type3A_1166 masked %broadcast_in_dim3A_1168 : vector<16xi32>, vector<16xi1> -> vector<16xi32>
    %broadcast_in_dim3A_1170 = vector.broadcast %add3A_1104 : i32 to vector<16xi32>
    %add3A_1171 = arith.addi %broadcast_in_dim3A_1170, %masked_cumsum3A_1169 : vector<16xi32>
    %sub3A_1172 = arith.constant 1 : i32
    %sub3A_1173 = vector.broadcast %sub3A_1172 : i32 to vector<16xi32>
    %sub3A_1174 = arith.subi %add3A_1171, %sub3A_1173 : vector<16xi32>
    %broadcast_in_dim3A_1175 = arith.constant 0 : i32
    %broadcast_in_dim3A_1176 = vector.broadcast %broadcast_in_dim3A_1175 : i32 to vector<16xi32>
    %select_n3A_1177 = arith.select %eq3A_1165, %sub3A_1174, %broadcast_in_dim3A_1176 : vector<16xi1>, vector<16xi32>
    %add3A_1178 = arith.addi %add3A_1156, %select_n3A_1177 : vector<16xi32>
    %convert_element_type3A_1179 = arith.extui %eq3A_1165 : vector<16xi1> to vector<16xi32>
    %reduce_sum3A_1180 = arith.constant true
    %reduce_sum3A_1181 = vector.broadcast %reduce_sum3A_1180 : i1 to vector<16xi1>
    %reduce_sum3A_1182 = tpu.scan <sum>, %convert_element_type3A_1179 masked %reduce_sum3A_1181 : vector<16xi32>, vector<16xi1> -> vector<16xi32>
    %reduce_sum3A_1183 = vector.extract %reduce_sum3A_1182[15] : i32 from vector<16xi32>
    %add3A_1184 = arith.addi %add3A_1104, %reduce_sum3A_1183 : i32
    %swap3A_1185 = arith.constant 208 : index
    %swap3A_1186 = tpu.vector_load %arg8[%swap3A_1185] {strides = array<i32>} : memref<256xi32, #tpu.memory_space<vmem>>, vector<16xi32>,
    tpu.vector_store %arg8[%swap3A_1185], %add3A_1178 {strides = array<i32>} : memref<256xi32, #tpu.memory_space<vmem>>, vector<16xi32>,
    %swap3A_1187 = arith.constant 3 : i32
    %swap3A_1188 = arith.index_cast %swap3A_1187 : i32 to index
    %swap3A_1189 = arith.constant 16 : index
    %swap3A_1190 = tpu.vector_load %arg9[%swap3A_1188, %swap3A_1189] {strides = array<i32>} : memref<4x64xi32, #tpu.memory_space<vmem>>, vector<16xi32>,
    tpu.vector_store %arg9[%swap3A_1188, %swap3A_1189], %add3A_1178 {strides = array<i32>} : memref<4x64xi32, #tpu.memory_space<vmem>>, vector<16xi32>,
    %mul3A_1191 = arith.constant 256 : i32
    %mul3A_1192 = arith.muli %add3A, %mul3A_1191 : i32
    %add3A_1193 = arith.constant 224 : i32
    %add3A_1194 = arith.addi %mul3A_1192, %add3A_1193 : i32
    %get3A_1195 = arith.index_cast %add3A_1194 : i32 to index
    %get3A_1196 = tpu.vector_load %arg7[%get3A_1195] {strides = array<i32>} : memref<8192xi32, #tpu.memory_space<vmem>>, vector<16xi32>,
    %broadcast_in_dim3A_1197 = arith.constant 0 : i32
    %broadcast_in_dim3A_1198 = vector.broadcast %broadcast_in_dim3A_1197 : i32 to vector<16xi32>
    %eq3A_1199 = arith.constant 0 : i32
    %eq3A_1200 = vector.broadcast %eq3A_1199 : i32 to vector<16xi32>
    %eq3A_1201 = arith.cmpi eq, %get3A_1196, %eq3A_1200 : vector<16xi32>
    %convert_element_type3A_1202 = arith.extui %eq3A_1201 : vector<16xi1> to vector<16xi32>
    %broadcast_in_dim3A_1203 = arith.constant true
    %broadcast_in_dim3A_1204 = vector.broadcast %broadcast_in_dim3A_1203 : i1 to vector<16xi1>
    %masked_cumsum3A_1205 = tpu.scan <sum>, %convert_element_type3A_1202 masked %broadcast_in_dim3A_1204 : vector<16xi32>, vector<16xi1> -> vector<16xi32>
    %broadcast_in_dim3A_1206 = vector.broadcast %add3A_1140 : i32 to vector<16xi32>
    %add3A_1207 = arith.addi %broadcast_in_dim3A_1206, %masked_cumsum3A_1205 : vector<16xi32>
    %sub3A_1208 = arith.constant 1 : i32
    %sub3A_1209 = vector.broadcast %sub3A_1208 : i32 to vector<16xi32>
    %sub3A_1210 = arith.subi %add3A_1207, %sub3A_1209 : vector<16xi32>
    %broadcast_in_dim3A_1211 = arith.constant 0 : i32
    %broadcast_in_dim3A_1212 = vector.broadcast %broadcast_in_dim3A_1211 : i32 to vector<16xi32>
    %select_n3A_1213 = arith.select %eq3A_1201, %sub3A_1210, %broadcast_in_dim3A_1212 : vector<16xi1>, vector<16xi32>
    %add3A_1214 = arith.addi %broadcast_in_dim3A_1198, %select_n3A_1213 : vector<16xi32>
    %convert_element_type3A_1215 = arith.extui %eq3A_1201 : vector<16xi1> to vector<16xi32>
    %reduce_sum3A_1216 = arith.constant true
    %reduce_sum3A_1217 = vector.broadcast %reduce_sum3A_1216 : i1 to vector<16xi1>
    %reduce_sum3A_1218 = tpu.scan <sum>, %convert_element_type3A_1215 masked %reduce_sum3A_1217 : vector<16xi32>, vector<16xi1> -> vector<16xi32>
    %reduce_sum3A_1219 = vector.extract %reduce_sum3A_1218[15] : i32 from vector<16xi32>
    %add3A_1220 = arith.addi %add3A_1140, %reduce_sum3A_1219 : i32
    %eq3A_1221 = arith.constant 1 : i32
    %eq3A_1222 = vector.broadcast %eq3A_1221 : i32 to vector<16xi32>
    %eq3A_1223 = arith.cmpi eq, %get3A_1196, %eq3A_1222 : vector<16xi32>
    %convert_element_type3A_1224 = arith.extui %eq3A_1223 : vector<16xi1> to vector<16xi32>
    %broadcast_in_dim3A_1225 = arith.constant true
    %broadcast_in_dim3A_1226 = vector.broadcast %broadcast_in_dim3A_1225 : i1 to vector<16xi1>
    %masked_cumsum3A_1227 = tpu.scan <sum>, %convert_element_type3A_1224 masked %broadcast_in_dim3A_1226 : vector<16xi32>, vector<16xi1> -> vector<16xi32>
    %broadcast_in_dim3A_1228 = vector.broadcast %add3A_1162 : i32 to vector<16xi32>
    %add3A_1229 = arith.addi %broadcast_in_dim3A_1228, %masked_cumsum3A_1227 : vector<16xi32>
    %sub3A_1230 = arith.constant 1 : i32
    %sub3A_1231 = vector.broadcast %sub3A_1230 : i32 to vector<16xi32>
    %sub3A_1232 = arith.subi %add3A_1229, %sub3A_1231 : vector<16xi32>
    %broadcast_in_dim3A_1233 = arith.constant 0 : i32
    %broadcast_in_dim3A_1234 = vector.broadcast %broadcast_in_dim3A_1233 : i32 to vector<16xi32>
    %select_n3A_1235 = arith.select %eq3A_1223, %sub3A_1232, %broadcast_in_dim3A_1234 : vector<16xi1>, vector<16xi32>
    %add3A_1236 = arith.addi %add3A_1214, %select_n3A_1235 : vector<16xi32>
    %convert_element_type3A_1237 = arith.extui %eq3A_1223 : vector<16xi1> to vector<16xi32>
    %reduce_sum3A_1238 = arith.constant true
    %reduce_sum3A_1239 = vector.broadcast %reduce_sum3A_1238 : i1 to vector<16xi1>
    %reduce_sum3A_1240 = tpu.scan <sum>, %convert_element_type3A_1237 masked %reduce_sum3A_1239 : vector<16xi32>, vector<16xi1> -> vector<16xi32>
    %reduce_sum3A_1241 = vector.extract %reduce_sum3A_1240[15] : i32 from vector<16xi32>
    %add3A_1242 = arith.addi %add3A_1162, %reduce_sum3A_1241 : i32
    %eq3A_1243 = arith.constant 2 : i32
    %eq3A_1244 = vector.broadcast %eq3A_1243 : i32 to vector<16xi32>
    %eq3A_1245 = arith.cmpi eq, %get3A_1196, %eq3A_1244 : vector<16xi32>
    %convert_element_type3A_1246 = arith.extui %eq3A_1245 : vector<16xi1> to vector<16xi32>
    %broadcast_in_dim3A_1247 = arith.constant true
    %broadcast_in_dim3A_1248 = vector.broadcast %broadcast_in_dim3A_1247 : i1 to vector<16xi1>
    %masked_cumsum3A_1249 = tpu.scan <sum>, %convert_element_type3A_1246 masked %broadcast_in_dim3A_1248 : vector<16xi32>, vector<16xi1> -> vector<16xi32>
    %broadcast_in_dim3A_1250 = vector.broadcast %add3A_1184 : i32 to vector<16xi32>
    %add3A_1251 = arith.addi %broadcast_in_dim3A_1250, %masked_cumsum3A_1249 : vector<16xi32>
    %sub3A_1252 = arith.constant 1 : i32
    %sub3A_1253 = vector.broadcast %sub3A_1252 : i32 to vector<16xi32>
    %sub3A_1254 = arith.subi %add3A_1251, %sub3A_1253 : vector<16xi32>
    %broadcast_in_dim3A_1255 = arith.constant 0 : i32
    %broadcast_in_dim3A_1256 = vector.broadcast %broadcast_in_dim3A_1255 : i32 to vector<16xi32>
    %select_n3A_1257 = arith.select %eq3A_1245, %sub3A_1254, %broadcast_in_dim3A_1256 : vector<16xi1>, vector<16xi32>
    %add3A_1258 = arith.addi %add3A_1236, %select_n3A_1257 : vector<16xi32>
    %convert_element_type3A_1259 = arith.extui %eq3A_1245 : vector<16xi1> to vector<16xi32>
    %reduce_sum3A_1260 = arith.constant true
    %reduce_sum3A_1261 = vector.broadcast %reduce_sum3A_1260 : i1 to vector<16xi1>
    %reduce_sum3A_1262 = tpu.scan <sum>, %convert_element_type3A_1259 masked %reduce_sum3A_1261 : vector<16xi32>, vector<16xi1> -> vector<16xi32>
    %reduce_sum3A_1263 = vector.extract %reduce_sum3A_1262[15] : i32 from vector<16xi32>
    %add3A_1264 = arith.addi %add3A_1184, %reduce_sum3A_1263 : i32
    %swap3A_1265 = arith.constant 224 : index
    %swap3A_1266 = tpu.vector_load %arg8[%swap3A_1265] {strides = array<i32>} : memref<256xi32, #tpu.memory_space<vmem>>, vector<16xi32>,
    tpu.vector_store %arg8[%swap3A_1265], %add3A_1258 {strides = array<i32>} : memref<256xi32, #tpu.memory_space<vmem>>, vector<16xi32>,
    %swap3A_1267 = arith.constant 3 : i32
    %swap3A_1268 = arith.index_cast %swap3A_1267 : i32 to index
    %swap3A_1269 = arith.constant 32 : index
    %swap3A_1270 = tpu.vector_load %arg9[%swap3A_1268, %swap3A_1269] {strides = array<i32>} : memref<4x64xi32, #tpu.memory_space<vmem>>, vector<16xi32>,
    tpu.vector_store %arg9[%swap3A_1268, %swap3A_1269], %add3A_1258 {strides = array<i32>} : memref<4x64xi32, #tpu.memory_space<vmem>>, vector<16xi32>,
    %mul3A_1271 = arith.constant 256 : i32
    %mul3A_1272 = arith.muli %add3A, %mul3A_1271 : i32
    %add3A_1273 = arith.constant 240 : i32
    %add3A_1274 = arith.addi %mul3A_1272, %add3A_1273 : i32
    %get3A_1275 = arith.index_cast %add3A_1274 : i32 to index
    %get3A_1276 = tpu.vector_load %arg7[%get3A_1275] {strides = array<i32>} : memref<8192xi32, #tpu.memory_space<vmem>>, vector<16xi32>,
    %broadcast_in_dim3A_1277 = arith.constant 0 : i32
    %broadcast_in_dim3A_1278 = vector.broadcast %broadcast_in_dim3A_1277 : i32 to vector<16xi32>
    %eq3A_1279 = arith.constant 0 : i32
    %eq3A_1280 = vector.broadcast %eq3A_1279 : i32 to vector<16xi32>
    %eq3A_1281 = arith.cmpi eq, %get3A_1276, %eq3A_1280 : vector<16xi32>
    %convert_element_type3A_1282 = arith.extui %eq3A_1281 : vector<16xi1> to vector<16xi32>
    %broadcast_in_dim3A_1283 = arith.constant true
    %broadcast_in_dim3A_1284 = vector.broadcast %broadcast_in_dim3A_1283 : i1 to vector<16xi1>
    %masked_cumsum3A_1285 = tpu.scan <sum>, %convert_element_type3A_1282 masked %broadcast_in_dim3A_1284 : vector<16xi32>, vector<16xi1> -> vector<16xi32>
    %broadcast_in_dim3A_1286 = vector.broadcast %add3A_1220 : i32 to vector<16xi32>
    %add3A_1287 = arith.addi %broadcast_in_dim3A_1286, %masked_cumsum3A_1285 : vector<16xi32>
    %sub3A_1288 = arith.constant 1 : i32
    %sub3A_1289 = vector.broadcast %sub3A_1288 : i32 to vector<16xi32>
    %sub3A_1290 = arith.subi %add3A_1287, %sub3A_1289 : vector<16xi32>
    %broadcast_in_dim3A_1291 = arith.constant 0 : i32
    %broadcast_in_dim3A_1292 = vector.broadcast %broadcast_in_dim3A_1291 : i32 to vector<16xi32>
    %select_n3A_1293 = arith.select %eq3A_1281, %sub3A_1290, %broadcast_in_dim3A_1292 : vector<16xi1>, vector<16xi32>
    %add3A_1294 = arith.addi %broadcast_in_dim3A_1278, %select_n3A_1293 : vector<16xi32>
    %convert_element_type3A_1295 = arith.extui %eq3A_1281 : vector<16xi1> to vector<16xi32>
    %reduce_sum3A_1296 = arith.constant true
    %reduce_sum3A_1297 = vector.broadcast %reduce_sum3A_1296 : i1 to vector<16xi1>
    %reduce_sum3A_1298 = tpu.scan <sum>, %convert_element_type3A_1295 masked %reduce_sum3A_1297 : vector<16xi32>, vector<16xi1> -> vector<16xi32>
    %reduce_sum3A_1299 = vector.extract %reduce_sum3A_1298[15] : i32 from vector<16xi32>
    %add3A_1300 = arith.addi %add3A_1220, %reduce_sum3A_1299 : i32
    %eq3A_1301 = arith.constant 1 : i32
    %eq3A_1302 = vector.broadcast %eq3A_1301 : i32 to vector<16xi32>
    %eq3A_1303 = arith.cmpi eq, %get3A_1276, %eq3A_1302 : vector<16xi32>
    %convert_element_type3A_1304 = arith.extui %eq3A_1303 : vector<16xi1> to vector<16xi32>
    %broadcast_in_dim3A_1305 = arith.constant true
    %broadcast_in_dim3A_1306 = vector.broadcast %broadcast_in_dim3A_1305 : i1 to vector<16xi1>
    %masked_cumsum3A_1307 = tpu.scan <sum>, %convert_element_type3A_1304 masked %broadcast_in_dim3A_1306 : vector<16xi32>, vector<16xi1> -> vector<16xi32>
    %broadcast_in_dim3A_1308 = vector.broadcast %add3A_1242 : i32 to vector<16xi32>
    %add3A_1309 = arith.addi %broadcast_in_dim3A_1308, %masked_cumsum3A_1307 : vector<16xi32>
    %sub3A_1310 = arith.constant 1 : i32
    %sub3A_1311 = vector.broadcast %sub3A_1310 : i32 to vector<16xi32>
    %sub3A_1312 = arith.subi %add3A_1309, %sub3A_1311 : vector<16xi32>
    %broadcast_in_dim3A_1313 = arith.constant 0 : i32
    %broadcast_in_dim3A_1314 = vector.broadcast %broadcast_in_dim3A_1313 : i32 to vector<16xi32>
    %select_n3A_1315 = arith.select %eq3A_1303, %sub3A_1312, %broadcast_in_dim3A_1314 : vector<16xi1>, vector<16xi32>
    %add3A_1316 = arith.addi %add3A_1294, %select_n3A_1315 : vector<16xi32>
    %convert_element_type3A_1317 = arith.extui %eq3A_1303 : vector<16xi1> to vector<16xi32>
    %reduce_sum3A_1318 = arith.constant true
    %reduce_sum3A_1319 = vector.broadcast %reduce_sum3A_1318 : i1 to vector<16xi1>
    %reduce_sum3A_1320 = tpu.scan <sum>, %convert_element_type3A_1317 masked %reduce_sum3A_1319 : vector<16xi32>, vector<16xi1> -> vector<16xi32>
    %reduce_sum3A_1321 = vector.extract %reduce_sum3A_1320[15] : i32 from vector<16xi32>
    %add3A_1322 = arith.addi %add3A_1242, %reduce_sum3A_1321 : i32
    %eq3A_1323 = arith.constant 2 : i32
    %eq3A_1324 = vector.broadcast %eq3A_1323 : i32 to vector<16xi32>
    %eq3A_1325 = arith.cmpi eq, %get3A_1276, %eq3A_1324 : vector<16xi32>
    %convert_element_type3A_1326 = arith.extui %eq3A_1325 : vector<16xi1> to vector<16xi32>
    %broadcast_in_dim3A_1327 = arith.constant true
    %broadcast_in_dim3A_1328 = vector.broadcast %broadcast_in_dim3A_1327 : i1 to vector<16xi1>
    %masked_cumsum3A_1329 = tpu.scan <sum>, %convert_element_type3A_1326 masked %broadcast_in_dim3A_1328 : vector<16xi32>, vector<16xi1> -> vector<16xi32>
    %broadcast_in_dim3A_1330 = vector.broadcast %add3A_1264 : i32 to vector<16xi32>
    %add3A_1331 = arith.addi %broadcast_in_dim3A_1330, %masked_cumsum3A_1329 : vector<16xi32>
    %sub3A_1332 = arith.constant 1 : i32
    %sub3A_1333 = vector.broadcast %sub3A_1332 : i32 to vector<16xi32>
    %sub3A_1334 = arith.subi %add3A_1331, %sub3A_1333 : vector<16xi32>
    %broadcast_in_dim3A_1335 = arith.constant 0 : i32
    %broadcast_in_dim3A_1336 = vector.broadcast %broadcast_in_dim3A_1335 : i32 to vector<16xi32>
    %select_n3A_1337 = arith.select %eq3A_1325, %sub3A_1334, %broadcast_in_dim3A_1336 : vector<16xi1>, vector<16xi32>
    %add3A_1338 = arith.addi %add3A_1316, %select_n3A_1337 : vector<16xi32>
    %convert_element_type3A_1339 = arith.extui %eq3A_1325 : vector<16xi1> to vector<16xi32>
    %reduce_sum3A_1340 = arith.constant true
    %reduce_sum3A_1341 = vector.broadcast %reduce_sum3A_1340 : i1 to vector<16xi1>
    %reduce_sum3A_1342 = tpu.scan <sum>, %convert_element_type3A_1339 masked %reduce_sum3A_1341 : vector<16xi32>, vector<16xi1> -> vector<16xi32>
    %reduce_sum3A_1343 = vector.extract %reduce_sum3A_1342[15] : i32 from vector<16xi32>
    %add3A_1344 = arith.addi %add3A_1264, %reduce_sum3A_1343 : i32
    %swap3A_1345 = arith.constant 240 : index
    %swap3A_1346 = tpu.vector_load %arg8[%swap3A_1345] {strides = array<i32>} : memref<256xi32, #tpu.memory_space<vmem>>, vector<16xi32>,
    tpu.vector_store %arg8[%swap3A_1345], %add3A_1338 {strides = array<i32>} : memref<256xi32, #tpu.memory_space<vmem>>, vector<16xi32>,
    %swap3A_1347 = arith.constant 3 : i32
    %swap3A_1348 = arith.index_cast %swap3A_1347 : i32 to index
    %swap3A_1349 = arith.constant 48 : index
    %swap3A_1350 = tpu.vector_load %arg9[%swap3A_1348, %swap3A_1349] {strides = array<i32>} : memref<4x64xi32, #tpu.memory_space<vmem>>, vector<16xi32>,
    tpu.vector_store %arg9[%swap3A_1348, %swap3A_1349], %add3A_1338 {strides = array<i32>} : memref<4x64xi32, #tpu.memory_space<vmem>>, vector<16xi32>,
    %mul3A_1351 = arith.constant 256 : i32
    %mul3A_1352 = arith.muli %add3A, %mul3A_1351 : i32
    "tpu.region"() ({
      %run_scoped3A = tpu.sem_alloc : memref<!tpu.dma_semaphore, #tpu.memory_space<semaphore_mem>>
      %dma_start3A_1423 = tpu.memref_slice %arg4[%mul3A_1352] : memref<8192xi32, #tpu.memory_space<hbm>> -> memref<256xi32, #tpu.memory_space<hbm>>
      %dma_start3A_1424 = tpu.memref_slice %arg4[%mul3A_1352] : memref<8192xi32, #tpu.memory_space<hbm>> -> memref<256xi32, #tpu.memory_space<hbm>>
      tpu.enqueue_dma source(%arg8 : memref<256xi32, #tpu.memory_space<vmem>>) target(%dma_start3A_1424 : memref<256xi32, #tpu.memory_space<hbm>>) target_semaphore(%run_scoped3A : memref<!tpu.dma_semaphore, #tpu.memory_space<semaphore_mem>>)
      %dma_wait3A_1425 = tpu.memref_slice %arg4[%mul3A_1352] : memref<8192xi32, #tpu.memory_space<hbm>> -> memref<256xi32, #tpu.memory_space<hbm>>
      %dma_wait3A_1426 = tpu.memref_slice %arg4[%mul3A_1352] : memref<8192xi32, #tpu.memory_space<hbm>> -> memref<256xi32, #tpu.memory_space<hbm>>
      tpu.wait_dma2 semaphore(%run_scoped3A : memref<!tpu.dma_semaphore, #tpu.memory_space<semaphore_mem>>) src(%arg8 : memref<256xi32, #tpu.memory_space<vmem>>) dst(%dma_wait3A_1426 : memref<256xi32, #tpu.memory_space<hbm>>)
      tpu.yield
    }) : () -> ()
    %mul3A_1353 = arith.constant 256 : i32
    %mul3A_1354 = arith.muli %add3A, %mul3A_1353 : i32
    %add3A_1355 = arith.constant 0 : i32
    %add3A_1356 = arith.addi %mul3A_1354, %add3A_1355 : i32
    "tpu.region"() ({
      %run_scoped3A = tpu.sem_alloc : memref<!tpu.dma_semaphore, #tpu.memory_space<semaphore_mem>>
      %dma_start3A_1423 = arith.constant 0 : i32
      %dma_start3A_1424 = tpu.memref_slice %arg3[%add3A_1356, %dma_start3A_1423] : memref<8192x1024xf32, #tpu.memory_space<hbm>> -> memref<64x1024xf32, #tpu.memory_space<hbm>>
      %dma_start3A_1425 = arith.constant 0 : i32
      %dma_start3A_1426 = tpu.memref_slice %arg3[%add3A_1356, %dma_start3A_1425] : memref<8192x1024xf32, #tpu.memory_space<hbm>> -> memref<64x1024xf32, #tpu.memory_space<hbm>>
      tpu.enqueue_dma source(%dma_start3A_1426 : memref<64x1024xf32, #tpu.memory_space<hbm>>) target(%arg10 : memref<64x1024xf32, #tpu.memory_space<vmem>>) target_semaphore(%run_scoped3A : memref<!tpu.dma_semaphore, #tpu.memory_space<semaphore_mem>>)
      %dma_wait3A_1427 = arith.constant 0 : i32
      %dma_wait3A_1428 = tpu.memref_slice %arg3[%add3A_1356, %dma_wait3A_1427] : memref<8192x1024xf32, #tpu.memory_space<hbm>> -> memref<64x1024xf32, #tpu.memory_space<hbm>>
      %dma_wait3A_1429 = arith.constant 0 : i32
      %dma_wait3A_1430 = tpu.memref_slice %arg3[%add3A_1356, %dma_wait3A_1429] : memref<8192x1024xf32, #tpu.memory_space<hbm>> -> memref<64x1024xf32, #tpu.memory_space<hbm>>
      tpu.wait_dma2 semaphore(%run_scoped3A : memref<!tpu.dma_semaphore, #tpu.memory_space<semaphore_mem>>) src(%dma_wait3A_1430 : memref<64x1024xf32, #tpu.memory_space<hbm>>) dst(%arg10 : memref<64x1024xf32, #tpu.memory_space<vmem>>)
      tpu.yield
    }) : () -> ()
    %dma_start3A = arith.constant 0 : i32
    %dma_start3A_1357 = arith.constant 0 : i32
    %dma_start3A_1358 = tpu.memref_slice %arg9[%dma_start3A, %dma_start3A_1357] : memref<4x64xi32, #tpu.memory_space<vmem>> -> memref<1x64xi32, #tpu.memory_space<vmem>>
    %dma_start3A_1359 = tpu.memref_squeeze %dma_start3A_1358 : memref<1x64xi32, #tpu.memory_space<vmem>> -> memref<64xi32, #tpu.memory_space<vmem>>
    %dma_start3A_1360 = arith.constant 0 : i32
    %dma_start3A_1361 = arith.constant 0 : i32
    %dma_start3A_1362 = tpu.memref_slice %arg6[%dma_start3A_1360, %dma_start3A_1361] : memref<8960x1024xf32, #tpu.memory_space<hbm>> -> memref<8960x1024xf32, #tpu.memory_space<hbm>>
    tpu.enqueue_indirect_dma source(%arg10 : memref<64x1024xf32, #tpu.memory_space<vmem>>) target(%dma_start3A_1362 : memref<8960x1024xf32, #tpu.memory_space<hbm>>) offsets(%dma_start3A_1359 : memref<64xi32, #tpu.memory_space<vmem>>) semaphore(%arg12 : memref<!tpu.dma_semaphore, #tpu.memory_space<semaphore_mem>>)
    %dma_wait3A = arith.constant 0 : i32
    %dma_wait3A_1363 = arith.constant 0 : i32
    %dma_wait3A_1364 = tpu.memref_slice %arg9[%dma_wait3A, %dma_wait3A_1363] : memref<4x64xi32, #tpu.memory_space<vmem>> -> memref<1x64xi32, #tpu.memory_space<vmem>>
    %dma_wait3A_1365 = tpu.memref_squeeze %dma_wait3A_1364 : memref<1x64xi32, #tpu.memory_space<vmem>> -> memref<64xi32, #tpu.memory_space<vmem>>
    %dma_wait3A_1366 = arith.constant 0 : i32
    %dma_wait3A_1367 = arith.constant 0 : i32
    %dma_wait3A_1368 = tpu.memref_slice %arg6[%dma_wait3A_1366, %dma_wait3A_1367] : memref<8960x1024xf32, #tpu.memory_space<hbm>> -> memref<8960x1024xf32, #tpu.memory_space<hbm>>
    tpu.wait_indirect_dma semaphore(%arg12 : memref<!tpu.dma_semaphore, #tpu.memory_space<semaphore_mem>>) src(%arg10 : memref<64x1024xf32, #tpu.memory_space<vmem>>) dst(%dma_wait3A_1368 : memref<8960x1024xf32, #tpu.memory_space<hbm>>)
    %mul3A_1369 = arith.constant 256 : i32
    %mul3A_1370 = arith.muli %add3A, %mul3A_1369 : i32
    %add3A_1371 = arith.constant 64 : i32
    %add3A_1372 = arith.addi %mul3A_1370, %add3A_1371 : i32
    "tpu.region"() ({
      %run_scoped3A = tpu.sem_alloc : memref<!tpu.dma_semaphore, #tpu.memory_space<semaphore_mem>>
      %dma_start3A_1423 = arith.constant 0 : i32
      %dma_start3A_1424 = tpu.memref_slice %arg3[%add3A_1372, %dma_start3A_1423] : memref<8192x1024xf32, #tpu.memory_space<hbm>> -> memref<64x1024xf32, #tpu.memory_space<hbm>>
      %dma_start3A_1425 = arith.constant 0 : i32
      %dma_start3A_1426 = tpu.memref_slice %arg3[%add3A_1372, %dma_start3A_1425] : memref<8192x1024xf32, #tpu.memory_space<hbm>> -> memref<64x1024xf32, #tpu.memory_space<hbm>>
      tpu.enqueue_dma source(%dma_start3A_1426 : memref<64x1024xf32, #tpu.memory_space<hbm>>) target(%arg10 : memref<64x1024xf32, #tpu.memory_space<vmem>>) target_semaphore(%run_scoped3A : memref<!tpu.dma_semaphore, #tpu.memory_space<semaphore_mem>>)
      %dma_wait3A_1427 = arith.constant 0 : i32
      %dma_wait3A_1428 = tpu.memref_slice %arg3[%add3A_1372, %dma_wait3A_1427] : memref<8192x1024xf32, #tpu.memory_space<hbm>> -> memref<64x1024xf32, #tpu.memory_space<hbm>>
      %dma_wait3A_1429 = arith.constant 0 : i32
      %dma_wait3A_1430 = tpu.memref_slice %arg3[%add3A_1372, %dma_wait3A_1429] : memref<8192x1024xf32, #tpu.memory_space<hbm>> -> memref<64x1024xf32, #tpu.memory_space<hbm>>
      tpu.wait_dma2 semaphore(%run_scoped3A : memref<!tpu.dma_semaphore, #tpu.memory_space<semaphore_mem>>) src(%dma_wait3A_1430 : memref<64x1024xf32, #tpu.memory_space<hbm>>) dst(%arg10 : memref<64x1024xf32, #tpu.memory_space<vmem>>)
      tpu.yield
    }) : () -> ()
    %dma_start3A_1373 = arith.constant 1 : i32
    %dma_start3A_1374 = arith.constant 0 : i32
    %dma_start3A_1375 = tpu.memref_slice %arg9[%dma_start3A_1373, %dma_start3A_1374] : memref<4x64xi32, #tpu.memory_space<vmem>> -> memref<1x64xi32, #tpu.memory_space<vmem>>
    %dma_start3A_1376 = tpu.memref_squeeze %dma_start3A_1375 : memref<1x64xi32, #tpu.memory_space<vmem>> -> memref<64xi32, #tpu.memory_space<vmem>>
    %dma_start3A_1377 = arith.constant 0 : i32
    %dma_start3A_1378 = arith.constant 0 : i32
    %dma_start3A_1379 = tpu.memref_slice %arg6[%dma_start3A_1377, %dma_start3A_1378] : memref<8960x1024xf32, #tpu.memory_space<hbm>> -> memref<8960x1024xf32, #tpu.memory_space<hbm>>
    tpu.enqueue_indirect_dma source(%arg10 : memref<64x1024xf32, #tpu.memory_space<vmem>>) target(%dma_start3A_1379 : memref<8960x1024xf32, #tpu.memory_space<hbm>>) offsets(%dma_start3A_1376 : memref<64xi32, #tpu.memory_space<vmem>>) semaphore(%arg12 : memref<!tpu.dma_semaphore, #tpu.memory_space<semaphore_mem>>)
    %dma_wait3A_1380 = arith.constant 1 : i32
    %dma_wait3A_1381 = arith.constant 0 : i32
    %dma_wait3A_1382 = tpu.memref_slice %arg9[%dma_wait3A_1380, %dma_wait3A_1381] : memref<4x64xi32, #tpu.memory_space<vmem>> -> memref<1x64xi32, #tpu.memory_space<vmem>>
    %dma_wait3A_1383 = tpu.memref_squeeze %dma_wait3A_1382 : memref<1x64xi32, #tpu.memory_space<vmem>> -> memref<64xi32, #tpu.memory_space<vmem>>
    %dma_wait3A_1384 = arith.constant 0 : i32
    %dma_wait3A_1385 = arith.constant 0 : i32
    %dma_wait3A_1386 = tpu.memref_slice %arg6[%dma_wait3A_1384, %dma_wait3A_1385] : memref<8960x1024xf32, #tpu.memory_space<hbm>> -> memref<8960x1024xf32, #tpu.memory_space<hbm>>
    tpu.wait_indirect_dma semaphore(%arg12 : memref<!tpu.dma_semaphore, #tpu.memory_space<semaphore_mem>>) src(%arg10 : memref<64x1024xf32, #tpu.memory_space<vmem>>) dst(%dma_wait3A_1386 : memref<8960x1024xf32, #tpu.memory_space<hbm>>)
    %mul3A_1387 = arith.constant 256 : i32
    %mul3A_1388 = arith.muli %add3A, %mul3A_1387 : i32
    %add3A_1389 = arith.constant 128 : i32
    %add3A_1390 = arith.addi %mul3A_1388, %add3A_1389 : i32
    "tpu.region"() ({
      %run_scoped3A = tpu.sem_alloc : memref<!tpu.dma_semaphore, #tpu.memory_space<semaphore_mem>>
      %dma_start3A_1423 = arith.constant 0 : i32
      %dma_start3A_1424 = tpu.memref_slice %arg3[%add3A_1390, %dma_start3A_1423] : memref<8192x1024xf32, #tpu.memory_space<hbm>> -> memref<64x1024xf32, #tpu.memory_space<hbm>>
      %dma_start3A_1425 = arith.constant 0 : i32
      %dma_start3A_1426 = tpu.memref_slice %arg3[%add3A_1390, %dma_start3A_1425] : memref<8192x1024xf32, #tpu.memory_space<hbm>> -> memref<64x1024xf32, #tpu.memory_space<hbm>>
      tpu.enqueue_dma source(%dma_start3A_1426 : memref<64x1024xf32, #tpu.memory_space<hbm>>) target(%arg10 : memref<64x1024xf32, #tpu.memory_space<vmem>>) target_semaphore(%run_scoped3A : memref<!tpu.dma_semaphore, #tpu.memory_space<semaphore_mem>>)
      %dma_wait3A_1427 = arith.constant 0 : i32
      %dma_wait3A_1428 = tpu.memref_slice %arg3[%add3A_1390, %dma_wait3A_1427] : memref<8192x1024xf32, #tpu.memory_space<hbm>> -> memref<64x1024xf32, #tpu.memory_space<hbm>>
      %dma_wait3A_1429 = arith.constant 0 : i32
      %dma_wait3A_1430 = tpu.memref_slice %arg3[%add3A_1390, %dma_wait3A_1429] : memref<8192x1024xf32, #tpu.memory_space<hbm>> -> memref<64x1024xf32, #tpu.memory_space<hbm>>
      tpu.wait_dma2 semaphore(%run_scoped3A : memref<!tpu.dma_semaphore, #tpu.memory_space<semaphore_mem>>) src(%dma_wait3A_1430 : memref<64x1024xf32, #tpu.memory_space<hbm>>) dst(%arg10 : memref<64x1024xf32, #tpu.memory_space<vmem>>)
      tpu.yield
    }) : () -> ()
    %dma_start3A_1391 = arith.constant 2 : i32
    %dma_start3A_1392 = arith.constant 0 : i32
    %dma_start3A_1393 = tpu.memref_slice %arg9[%dma_start3A_1391, %dma_start3A_1392] : memref<4x64xi32, #tpu.memory_space<vmem>> -> memref<1x64xi32, #tpu.memory_space<vmem>>
    %dma_start3A_1394 = tpu.memref_squeeze %dma_start3A_1393 : memref<1x64xi32, #tpu.memory_space<vmem>> -> memref<64xi32, #tpu.memory_space<vmem>>
    %dma_start3A_1395 = arith.constant 0 : i32
    %dma_start3A_1396 = arith.constant 0 : i32
    %dma_start3A_1397 = tpu.memref_slice %arg6[%dma_start3A_1395, %dma_start3A_1396] : memref<8960x1024xf32, #tpu.memory_space<hbm>> -> memref<8960x1024xf32, #tpu.memory_space<hbm>>
    tpu.enqueue_indirect_dma source(%arg10 : memref<64x1024xf32, #tpu.memory_space<vmem>>) target(%dma_start3A_1397 : memref<8960x1024xf32, #tpu.memory_space<hbm>>) offsets(%dma_start3A_1394 : memref<64xi32, #tpu.memory_space<vmem>>) semaphore(%arg12 : memref<!tpu.dma_semaphore, #tpu.memory_space<semaphore_mem>>)
    %dma_wait3A_1398 = arith.constant 2 : i32
    %dma_wait3A_1399 = arith.constant 0 : i32
    %dma_wait3A_1400 = tpu.memref_slice %arg9[%dma_wait3A_1398, %dma_wait3A_1399] : memref<4x64xi32, #tpu.memory_space<vmem>> -> memref<1x64xi32, #tpu.memory_space<vmem>>
    %dma_wait3A_1401 = tpu.memref_squeeze %dma_wait3A_1400 : memref<1x64xi32, #tpu.memory_space<vmem>> -> memref<64xi32, #tpu.memory_space<vmem>>
    %dma_wait3A_1402 = arith.constant 0 : i32
    %dma_wait3A_1403 = arith.constant 0 : i32
    %dma_wait3A_1404 = tpu.memref_slice %arg6[%dma_wait3A_1402, %dma_wait3A_1403] : memref<8960x1024xf32, #tpu.memory_space<hbm>> -> memref<8960x1024xf32, #tpu.memory_space<hbm>>
    tpu.wait_indirect_dma semaphore(%arg12 : memref<!tpu.dma_semaphore, #tpu.memory_space<semaphore_mem>>) src(%arg10 : memref<64x1024xf32, #tpu.memory_space<vmem>>) dst(%dma_wait3A_1404 : memref<8960x1024xf32, #tpu.memory_space<hbm>>)
    %mul3A_1405 = arith.constant 256 : i32
    %mul3A_1406 = arith.muli %add3A, %mul3A_1405 : i32
    %add3A_1407 = arith.constant 192 : i32
    %add3A_1408 = arith.addi %mul3A_1406, %add3A_1407 : i32
    "tpu.region"() ({
      %run_scoped3A = tpu.sem_alloc : memref<!tpu.dma_semaphore, #tpu.memory_space<semaphore_mem>>
      %dma_start3A_1423 = arith.constant 0 : i32
      %dma_start3A_1424 = tpu.memref_slice %arg3[%add3A_1408, %dma_start3A_1423] : memref<8192x1024xf32, #tpu.memory_space<hbm>> -> memref<64x1024xf32, #tpu.memory_space<hbm>>
      %dma_start3A_1425 = arith.constant 0 : i32
      %dma_start3A_1426 = tpu.memref_slice %arg3[%add3A_1408, %dma_start3A_1425] : memref<8192x1024xf32, #tpu.memory_space<hbm>> -> memref<64x1024xf32, #tpu.memory_space<hbm>>
      tpu.enqueue_dma source(%dma_start3A_1426 : memref<64x1024xf32, #tpu.memory_space<hbm>>) target(%arg10 : memref<64x1024xf32, #tpu.memory_space<vmem>>) target_semaphore(%run_scoped3A : memref<!tpu.dma_semaphore, #tpu.memory_space<semaphore_mem>>)
      %dma_wait3A_1427 = arith.constant 0 : i32
      %dma_wait3A_1428 = tpu.memref_slice %arg3[%add3A_1408, %dma_wait3A_1427] : memref<8192x1024xf32, #tpu.memory_space<hbm>> -> memref<64x1024xf32, #tpu.memory_space<hbm>>
      %dma_wait3A_1429 = arith.constant 0 : i32
      %dma_wait3A_1430 = tpu.memref_slice %arg3[%add3A_1408, %dma_wait3A_1429] : memref<8192x1024xf32, #tpu.memory_space<hbm>> -> memref<64x1024xf32, #tpu.memory_space<hbm>>
      tpu.wait_dma2 semaphore(%run_scoped3A : memref<!tpu.dma_semaphore, #tpu.memory_space<semaphore_mem>>) src(%dma_wait3A_1430 : memref<64x1024xf32, #tpu.memory_space<hbm>>) dst(%arg10 : memref<64x1024xf32, #tpu.memory_space<vmem>>)
      tpu.yield
    }) : () -> ()
    %dma_start3A_1409 = arith.constant 3 : i32
    %dma_start3A_1410 = arith.constant 0 : i32
    %dma_start3A_1411 = tpu.memref_slice %arg9[%dma_start3A_1409, %dma_start3A_1410] : memref<4x64xi32, #tpu.memory_space<vmem>> -> memref<1x64xi32, #tpu.memory_space<vmem>>
    %dma_start3A_1412 = tpu.memref_squeeze %dma_start3A_1411 : memref<1x64xi32, #tpu.memory_space<vmem>> -> memref<64xi32, #tpu.memory_space<vmem>>
    %dma_start3A_1413 = arith.constant 0 : i32
    %dma_start3A_1414 = arith.constant 0 : i32
    %dma_start3A_1415 = tpu.memref_slice %arg6[%dma_start3A_1413, %dma_start3A_1414] : memref<8960x1024xf32, #tpu.memory_space<hbm>> -> memref<8960x1024xf32, #tpu.memory_space<hbm>>
    tpu.enqueue_indirect_dma source(%arg10 : memref<64x1024xf32, #tpu.memory_space<vmem>>) target(%dma_start3A_1415 : memref<8960x1024xf32, #tpu.memory_space<hbm>>) offsets(%dma_start3A_1412 : memref<64xi32, #tpu.memory_space<vmem>>) semaphore(%arg12 : memref<!tpu.dma_semaphore, #tpu.memory_space<semaphore_mem>>)
    %dma_wait3A_1416 = arith.constant 3 : i32
    %dma_wait3A_1417 = arith.constant 0 : i32
    %dma_wait3A_1418 = tpu.memref_slice %arg9[%dma_wait3A_1416, %dma_wait3A_1417] : memref<4x64xi32, #tpu.memory_space<vmem>> -> memref<1x64xi32, #tpu.memory_space<vmem>>
    %dma_wait3A_1419 = tpu.memref_squeeze %dma_wait3A_1418 : memref<1x64xi32, #tpu.memory_space<vmem>> -> memref<64xi32, #tpu.memory_space<vmem>>
    %dma_wait3A_1420 = arith.constant 0 : i32
    %dma_wait3A_1421 = arith.constant 0 : i32
    %dma_wait3A_1422 = tpu.memref_slice %arg6[%dma_wait3A_1420, %dma_wait3A_1421] : memref<8960x1024xf32, #tpu.memory_space<hbm>> -> memref<8960x1024xf32, #tpu.memory_space<hbm>>
    tpu.wait_indirect_dma semaphore(%arg12 : memref<!tpu.dma_semaphore, #tpu.memory_space<semaphore_mem>>) src(%arg10 : memref<64x1024xf32, #tpu.memory_space<vmem>>) dst(%dma_wait3A_1422 : memref<8960x1024xf32, #tpu.memory_space<hbm>>)
    return
  }
}

module attributes {stable_mosaic.version = 14 : i64} {
  func.func @_mlp_body(%arg0: i32, %arg1: memref<48xi32, #tpu.memory_space<smem>>, %arg2: memref<256x1024xf32, #tpu.memory_space<vmem>>, %arg3: memref<1x1024x2048xf32, #tpu.memory_space<vmem>>, %arg4: memref<1x1x2048xf32, #tpu.memory_space<vmem>>, %arg5: memref<1x2048x128xf32, #tpu.memory_space<vmem>>, %arg6: memref<1x1x128xf32, #tpu.memory_space<vmem>>, %arg7: memref<256x128xf32, #tpu.memory_space<vmem>>) attributes {dimension_semantics = [#tpu.dimension_semantics<arbitrary>], iteration_bounds = array<i64: 35>, scalar_prefetch = 1 : i64, scratch_operands = 0 : i64, tpu.core_type = #tpu.core_type<tc>, window_params = [{transform_indices = @transform_0, window_bounds = array<i64: 256, 1024>}, {transform_indices = @transform_1, window_bounds = array<i64: 1, 1024, 2048>}, {transform_indices = @transform_2, window_bounds = array<i64: 1, 1, 2048>}, {transform_indices = @transform_3, window_bounds = array<i64: 1, 2048, 128>}, {transform_indices = @transform_4, window_bounds = array<i64: 1, 1, 128>}, {transform_indices = @transform_5, window_bounds = array<i64: 256, 128>}]} {
    %get3A = arith.constant 0 : index
    %get3A_0 = arith.constant 0 : index
    %get3A_1 = vector.load %arg2[%get3A, %get3A_0] : memref<256x1024xf32, #tpu.memory_space<vmem>>, vector<256x1024xf32>
    %get3A_2 = arith.constant 0 : index
    %get3A_3 = arith.constant 0 : index
    %get3A_4 = arith.constant 0 : index
    %get3A_5 = vector.load %arg3[%get3A_2, %get3A_3, %get3A_4] : memref<1x1024x2048xf32, #tpu.memory_space<vmem>>, vector<1x1024x2048xf32>
    %get3A_6 = vector.shape_cast %get3A_5 : vector<1x1024x2048xf32> to vector<1024x2048xf32>
    %dot_general3A = arith.constant dense<0.000000e+00> : vector<256x2048xf32>
    %dot_general3A_7 = tpu.matmul %get3A_1, %get3A_6, %dot_general3A {dimension_numbers = #tpu.dot_dimension_numbers<[1], [0], [0], [1], [0, 0, 1, 1], [], []>, transpose_lhs_hint = false} : vector<256x1024xf32>, vector<1024x2048xf32>, vector<256x2048xf32> -> vector<256x2048xf32>
    %get3A_8 = arith.constant 0 : index
    %get3A_9 = arith.constant 0 : index
    %get3A_10 = arith.constant 0 : index
    %get3A_11 = vector.load %arg4[%get3A_8, %get3A_9, %get3A_10] : memref<1x1x2048xf32, #tpu.memory_space<vmem>>, vector<1x1x2048xf32>
    %get3A_12 = vector.shape_cast %get3A_11 : vector<1x1x2048xf32> to vector<1x2048xf32>
    %add3A = vector.broadcast %get3A_12 : vector<1x2048xf32> to vector<256x2048xf32>
    %add3A_13 = arith.addf %dot_general3A_7, %add3A : vector<256x2048xf32>
    %max3A = arith.constant 0.000000e+00 : f32
    %max3A_14 = vector.broadcast %max3A : f32 to vector<256x2048xf32>
    %max3A_15 = arith.maximumf %add3A_13, %max3A_14 : vector<256x2048xf32>
    %get3A_16 = arith.constant 0 : index
    %get3A_17 = arith.constant 0 : index
    %get3A_18 = arith.constant 0 : index
    %get3A_19 = vector.load %arg5[%get3A_16, %get3A_17, %get3A_18] : memref<1x2048x128xf32, #tpu.memory_space<vmem>>, vector<1x2048x128xf32>
    %get3A_20 = vector.shape_cast %get3A_19 : vector<1x2048x128xf32> to vector<2048x128xf32>
    %dot_general3A_21 = arith.constant dense<0.000000e+00> : vector<256x128xf32>
    %dot_general3A_22 = tpu.matmul %max3A_15, %get3A_20, %dot_general3A_21 {dimension_numbers = #tpu.dot_dimension_numbers<[1], [0], [0], [1], [0, 0, 1, 1], [], []>, transpose_lhs_hint = false} : vector<256x2048xf32>, vector<2048x128xf32>, vector<256x128xf32> -> vector<256x128xf32>
    %get3A_23 = arith.constant 0 : index
    %get3A_24 = arith.constant 0 : index
    %get3A_25 = arith.constant 0 : index
    %get3A_26 = vector.load %arg6[%get3A_23, %get3A_24, %get3A_25] : memref<1x1x128xf32, #tpu.memory_space<vmem>>, vector<1x1x128xf32>
    %get3A_27 = vector.shape_cast %get3A_26 : vector<1x1x128xf32> to vector<1x128xf32>
    %add3A_28 = vector.broadcast %get3A_27 : vector<1x128xf32> to vector<256x128xf32>
    %add3A_29 = arith.addf %dot_general3A_22, %add3A_28 : vector<256x128xf32>
    %iota3A = tpu.iota {dimensions = array<i32: 1>} : vector<256x128xi32>
    %lt3A = arith.constant 4 : i32
    %lt3A_30 = vector.broadcast %lt3A : i32 to vector<256x128xi32>
    %lt3A_31 = arith.cmpi slt, %iota3A, %lt3A_30 : vector<256x128xi32>
    %ge3A = arith.constant 4 : i32
    %ge3A_32 = vector.broadcast %ge3A : i32 to vector<256x128xi32>
    %ge3A_33 = arith.cmpi sge, %iota3A, %ge3A_32 : vector<256x128xi32>
    %lt3A_34 = arith.constant 7 : i32
    %lt3A_35 = vector.broadcast %lt3A_34 : i32 to vector<256x128xi32>
    %lt3A_36 = arith.cmpi slt, %iota3A, %lt3A_35 : vector<256x128xi32>
    %and3A = arith.andi %ge3A_33, %lt3A_36 : vector<256x128xi1>
    %jit3A = arith.constant 0.000000e+00 : f32
    %broadcast_in_dim3A = vector.broadcast %jit3A : f32 to vector<256x128xf32>
    %select_n3A = arith.select %lt3A_31, %add3A_29, %broadcast_in_dim3A : vector<256x128xi1>, vector<256x128xf32>
    %reduce_sum3A = arith.constant dense<0.000000e+00> : vector<256xf32>
    %reduce_sum3A_37 = vector.multi_reduction <add>, %select_n3A, %reduce_sum3A [1] : vector<256x128xf32> to vector<256xf32>
    %broadcast_in_dim3A_38 = vector.shape_cast %reduce_sum3A_37 : vector<256xf32> to vector<256x1xf32>
    %mul3A = arith.constant 2.500000e-01 : f32
    %mul3A_39 = vector.broadcast %mul3A : f32 to vector<256x1xf32>
    %mul3A_40 = arith.mulf %broadcast_in_dim3A_38, %mul3A_39 : vector<256x1xf32>
    %jit3A_41 = arith.constant 0.000000e+00 : f32
    %broadcast_in_dim3A_42 = vector.broadcast %jit3A_41 : f32 to vector<256x128xf32>
    %select_n3A_43 = arith.select %and3A, %add3A_29, %broadcast_in_dim3A_42 : vector<256x128xi1>, vector<256x128xf32>
    %reduce_sum3A_44 = arith.constant dense<0.000000e+00> : vector<256xf32>
    %reduce_sum3A_45 = vector.multi_reduction <add>, %select_n3A_43, %reduce_sum3A_44 [1] : vector<256x128xf32> to vector<256xf32>
    %broadcast_in_dim3A_46 = vector.shape_cast %reduce_sum3A_45 : vector<256xf32> to vector<256x1xf32>
    %mul3A_47 = arith.constant 0.333333343 : f32
    %mul3A_48 = vector.broadcast %mul3A_47 : f32 to vector<256x1xf32>
    %mul3A_49 = arith.mulf %broadcast_in_dim3A_46, %mul3A_48 : vector<256x1xf32>
    %jit3A_50 = arith.constant 0.000000e+00 : f32
    %broadcast_in_dim3A_51 = vector.shape_cast %mul3A_40 : vector<256x1xf32> to vector<256x1xf32>
    %broadcast_in_dim3A_52 = vector.broadcast %broadcast_in_dim3A_51 : vector<256x1xf32> to vector<256x128xf32>
    %broadcast_in_dim3A_53 = vector.broadcast %jit3A_50 : f32 to vector<256x128xf32>
    %select_n3A_54 = arith.select %lt3A_31, %broadcast_in_dim3A_52, %broadcast_in_dim3A_53 : vector<256x128xi1>, vector<256x128xf32>
    %sub3A = arith.subf %add3A_29, %select_n3A_54 : vector<256x128xf32>
    %jit3A_55 = arith.constant 0.000000e+00 : f32
    %broadcast_in_dim3A_56 = vector.shape_cast %mul3A_49 : vector<256x1xf32> to vector<256x1xf32>
    %broadcast_in_dim3A_57 = vector.broadcast %broadcast_in_dim3A_56 : vector<256x1xf32> to vector<256x128xf32>
    %broadcast_in_dim3A_58 = vector.broadcast %jit3A_55 : f32 to vector<256x128xf32>
    %select_n3A_59 = arith.select %and3A, %broadcast_in_dim3A_57, %broadcast_in_dim3A_58 : vector<256x128xi1>, vector<256x128xf32>
    %sub3A_60 = arith.subf %sub3A, %select_n3A_59 : vector<256x128xf32>
    %swap3A = arith.constant 0 : index
    %swap3A_61 = arith.constant 0 : index
    %swap3A_62 = vector.load %arg7[%swap3A, %swap3A_61] : memref<256x128xf32, #tpu.memory_space<vmem>>, vector<256x128xf32>
    tpu.vector_store %arg7[%swap3A, %swap3A_61], %sub3A_60 {strides = array<i32>} : memref<256x128xf32, #tpu.memory_space<vmem>>, vector<256x128xf32>,
    return
  }
  func.func @transform_0(%arg0: i32, %arg1: memref<48xi32, #tpu.memory_space<smem>>) -> (i32, i32) {
    %c0_i32 = arith.constant 0 : i32
    %c0_i32_0 = arith.constant 0 : i32
    return %arg0, %c0_i32 : i32, i32
  }
  func.func @transform_1(%arg0: i32, %arg1: memref<48xi32, #tpu.memory_space<smem>>) -> (i32, i32, i32) {
    %get3A = arith.index_cast %arg0 : i32 to index
    %get3A_0 = memref.load %arg1[%get3A] : memref<48xi32, #tpu.memory_space<smem>>
    %c0_i32 = arith.constant 0 : i32
    %c0_i32_1 = arith.constant 0 : i32
    %c0_i32_2 = arith.constant 0 : i32
    return %get3A_0, %c0_i32, %c0_i32_1 : i32, i32, i32
  }
  func.func @transform_2(%arg0: i32, %arg1: memref<48xi32, #tpu.memory_space<smem>>) -> (i32, i32, i32) {
    %get3A = arith.index_cast %arg0 : i32 to index
    %get3A_0 = memref.load %arg1[%get3A] : memref<48xi32, #tpu.memory_space<smem>>
    %c0_i32 = arith.constant 0 : i32
    %c0_i32_1 = arith.constant 0 : i32
    %c0_i32_2 = arith.constant 0 : i32
    return %get3A_0, %c0_i32, %c0_i32_1 : i32, i32, i32
  }
  func.func @transform_3(%arg0: i32, %arg1: memref<48xi32, #tpu.memory_space<smem>>) -> (i32, i32, i32) {
    %get3A = arith.index_cast %arg0 : i32 to index
    %get3A_0 = memref.load %arg1[%get3A] : memref<48xi32, #tpu.memory_space<smem>>
    %c0_i32 = arith.constant 0 : i32
    %c0_i32_1 = arith.constant 0 : i32
    %c0_i32_2 = arith.constant 0 : i32
    return %get3A_0, %c0_i32, %c0_i32_1 : i32, i32, i32
  }
  func.func @transform_4(%arg0: i32, %arg1: memref<48xi32, #tpu.memory_space<smem>>) -> (i32, i32, i32) {
    %get3A = arith.index_cast %arg0 : i32 to index
    %get3A_0 = memref.load %arg1[%get3A] : memref<48xi32, #tpu.memory_space<smem>>
    %c0_i32 = arith.constant 0 : i32
    %c0_i32_1 = arith.constant 0 : i32
    %c0_i32_2 = arith.constant 0 : i32
    return %get3A_0, %c0_i32, %c0_i32_1 : i32, i32, i32
  }
  func.func @transform_5(%arg0: i32, %arg1: memref<48xi32, #tpu.memory_space<smem>>) -> (i32, i32) {
    %c0_i32 = arith.constant 0 : i32
    %c0_i32_0 = arith.constant 0 : i32
    return %arg0, %c0_i32 : i32, i32
  }
}

</mosaic_0001>

<sc_bundles>
// kernel: kernel.5.cloned.1.call-start
scs
__scs_entry_jumppad:
0x0: {  	(pc) =	sbr.rel $0x88, $3  }
0x1: {  	(tag) =	ssettag $0x0;
	lr =	simm.s32 $0x1  }
0x2: {  	[smem:$0x3F99] =	sst lr;
	_ =	strace $0xD0000000  }
0x3: {  	_ = 	snop  }
0x4: {  	_ = 	snop  }
0x5: {  	_ = 	snop  }
0x6: {  	_ = 	snop  }
0x7: {  	_ = 	snop  }
__scs_overlays_trampoline_lowered:
0x8: {  	[smem:$0x3FA8] =	sst s0  }
0x9: {  	[smem:$0x3FA9] =	sst s1  }
0xa: {  	[smem:$0x3FAA] =	sst s2  }
0xb: {  	[smem:$0x3FAB] =	sst s3  }
0xc: {  	[smem:$0x3FAC] =	sst s4  }
0xd: {  	[smem:$0x3FAD] =	sst s5  }
0xe: {  	[smem:$0x3FAE] =	sst s6  }
0xf: {  	[smem:$0x3FAF] =	sst s7  }
0x10: {  	[smem:$0x3FB0] =	sst s8  }
0x11: {  	[smem:$0x3FB1] =	sst s9;
	s0 =	simm.s32 @!p0 $0x0  }
0x12: {  	s1 =	sld [smem:$0x3F97];
	s0 =	simm.s32 @p0 $0x1  }
0x13: {  	[smem:$0x3FB2] =	sst s0;
	s0 =	simm.s32 @!p1 $0x0  }
0x14: {  	s2 =	sld [smem:$0x3F96];
	s0 =	simm.s32 @p1 $0x1  }
0x15: {  	[smem:$0x3FB3] =	sst s0;
	s0 =	simm.s32 @!p2 $0x0  }
0x16: {  	s3 =	sld [smem:$0x3FDB];
	s0 =	simm.s32 @p2 $0x1  }
0x17: {  	s4 =	simm.s32 $0x1BF5;
	[smem:$0x3FB5] =	sst s0  }
0x18: {  	s0 =	sld [smem:$0x3F98];
	_ =	swait.ge [sflag:s4], $0x0  }
0x19: {  	s7 =	sld [smem:$0x3F99]  }
0x1a: {  	s8 =	sadd.s32 $0xFFFFE003, lr  }
0x1b: {  	s9 =	sadd.s32 $0xFFFFFEF7, lr;
	s5 =	simm.s32 $0xFFFFFFFF;
	p2 =	slt.u32 s8, $0xFFFFF086  }
0x1c: {  	p1 =	slt.u32 s9, $0xF7A;
	s5 =	simm.s32 @!p2 $0x0  }
0x1d: {  	s5 =	simm.s32 @p1 $0x1;
	p0 =	seq.s32 s7, s2  }
0x1e: {  	s7 =	smul.u32 @!p0 $0xF7A, s2;
	p2 =	seq.s32 @!p0 s5, $0x0  }
0x1f: {  	s9 =	smul.u32 $0xF7A, s1;
	s8 =	simm.s32 @!p0 $0x1BF5;
	p2 =	por !p2, p0  }
0x20: {  	[sflag:s8] =	ssyncset.s32 @!p0 $0xFFFFF086;
	s6 =	sadd.s32 @!p0 s3, s7;
	s7 =	simm.s32 @!p0 $0x108  }
0x21: {  	s3 =	sadd.s32 s3, s9;
	s6 =	sadd.s32 @!p0 $0x88, s6;
	s7 =	simm.s32 @p2 $0x1082  }
0x22: {  	[simem:s7], [sflag:s8] =	dma.local @!p0 [hbm:s6], $0xF7A  }
0x23: {  	s9 =	sor.u32 $0xD0000000, s2;
	s6 =	simm.s32 $0x108;
	_ =	swait.ge @!p0 [sflag:s8], $0x0  }
0x24: {  	s3 =	sadd.s32 $0x88, s3;
	s6 =	simm.s32 @!p1 $0x1082;
	[sflag:s4] =	ssyncset.s32 $0xFFFFF086  }
0x25: {  	[simem:s6], [sflag:s4] =	dma.local [hbm:s3], $0xF7A  }
0x26: {  	[smem:$0x3F99] =	sst s1;
	(tag) =	ssettag s2;
	_ =	strace s9  }
0x27: {  	s1 =	sld [smem:$0x3FA9]  }
0x28: {  	s2 =	sld [smem:$0x3FAA]  }
0x29: {  	s4 =	sld [smem:$0x3FAC]  }
0x2a: {  	p0 =	seq.s32 s5, $0x0;
	s5 =	sld [smem:$0x3FAD]  }
0x2b: {  	s6 =	sld [smem:$0x3FAE]  }
0x2c: {  	s7 =	sld [smem:$0x3FAF]  }
0x2d: {  	s3 =	simm.s32 $0x108;
	s8 =	sld [smem:$0x3FB0]  }
0x2e: {  	s3 =	simm.s32 @!p0 $0x1082;
	s9 =	sld [smem:$0x3FB1]  }
0x2f: {  	lr =	sadd.s32 s0, s3;
	s0 =	sld [smem:$0x3FA8]  }
0x30: {  	s3 =	sld [smem:$0x3FAB]  }
0x31: {  	[smem:$0x3FB4] =	sst s10  }
0x32: {  	s10 =	sld [smem:$0x3FB2];
	_ =	sdelay $0x3  }
0x33: {  	p0 =	seq.s32 s10, $0x1;
	s10 =	sld [smem:$0x3FB4];
	_ =	sdelay $0x3  }
0x34: {  	[smem:$0x3FB4] =	sst s10  }
0x35: {  	s10 =	sld [smem:$0x3FB3];
	_ =	sdelay $0x3  }
0x36: {  	p1 =	seq.s32 s10, $0x1;
	s10 =	sld [smem:$0x3FB4];
	_ =	sdelay $0x3  }
0x37: {  	[smem:$0x3FB4] =	sst s10  }
0x38: {  	s10 =	sld [smem:$0x3FB5]  }
0x39: {  	_ = 	snop;
	(pc) =	sbr.ind lr, $3  }
0x3a: {  	_ = 	snop  }
0x3b: {  	_ = 	snop  }
0x3c: {  	p2 =	seq.s32 s10, $0x1;
	s10 =	sld [smem:$0x3FB4]  }
0x3d: {  	_ =	shalt  }
0x3e: {  	_ =	shalt  }
0x3f: {  	_ =	shalt  }
0x40: {  	_ =	shalt  }
0x41: {  	_ =	shalt  }
0x42: {  	_ =	shalt  }
0x43: {  	_ =	shalt  }
0x44: {  	_ =	shalt  }
0x45: {  	_ =	shalt  }
0x46: {  	_ =	shalt  }
0x47: {  	_ =	shalt  }
0x48: {  	_ =	shalt  }
0x49: {  	_ =	shalt  }
0x4a: {  	_ =	shalt  }
0x4b: {  	_ =	shalt  }
0x4c: {  	_ =	shalt  }
0x4d: {  	_ =	shalt  }
0x4e: {  	_ =	shalt  }
0x4f: {  	_ =	shalt  }
0x50: {  	_ =	shalt  }
0x51: {  	_ =	shalt  }
0x52: {  	_ =	shalt  }
0x53: {  	_ =	shalt  }
0x54: {  	_ =	shalt  }
0x55: {  	_ =	shalt  }
0x56: {  	_ =	shalt  }
0x57: {  	_ =	shalt  }
0x58: {  	_ =	shalt  }
0x59: {  	_ =	shalt  }
0x5a: {  	_ =	shalt  }
0x5b: {  	_ =	shalt  }
0x5c: {  	_ =	shalt  }
0x5d: {  	_ =	shalt  }
0x5e: {  	_ =	shalt  }
0x5f: {  	_ =	shalt  }
0x60: {  	_ =	shalt  }
0x61: {  	_ =	shalt  }
0x62: {  	_ =	shalt  }
0x63: {  	_ =	shalt  }
0x64: {  	_ =	shalt  }
0x65: {  	_ =	shalt  }
0x66: {  	_ =	shalt  }
0x67: {  	_ =	shalt  }
0x68: {  	_ =	shalt  }
0x69: {  	_ =	shalt  }
0x6a: {  	_ =	shalt  }
0x6b: {  	_ =	shalt  }
0x6c: {  	_ =	shalt  }
0x6d: {  	_ =	shalt  }
0x6e: {  	_ =	shalt  }
0x6f: {  	_ =	shalt  }
0x70: {  	_ =	shalt  }
0x71: {  	_ =	shalt  }
0x72: {  	_ =	shalt  }
0x73: {  	_ =	shalt  }
0x74: {  	_ =	shalt  }
0x75: {  	_ =	shalt  }
0x76: {  	_ =	shalt  }
0x77: {  	_ =	shalt  }
0x78: {  	_ =	shalt  }
0x79: {  	_ =	shalt  }
0x7a: {  	_ =	shalt  }
0x7b: {  	_ =	shalt  }
0x7c: {  	_ =	shalt  }
0x7d: {  	_ =	shalt  }
0x7e: {  	_ =	shalt  }
0x7f: {  	_ =	shalt  }
0x80: {  	_ =	shalt  }
0x81: {  	_ =	shalt  }
0x82: {  	_ =	shalt  }
0x83: {  	_ =	shalt  }
0x84: {  	_ =	shalt  }
0x85: {  	_ =	shalt  }
0x86: {  	_ =	shalt  }
0x87: {  	_ =	shalt  }
.Lfunc_end0:
.L_simem_size_0:
called_computation_lowered:
.L_overlay_start_0:
0x88: {  	s2 =	sld [smem:$0x3FD9]  }
0x89: {  	s3 =	sld [smem:$0x3FFE];
	_ =	sdelay $0x1  }
0x8a: {  	s1 =	srdreg.scid  }
0x8b: {  	s0 =	sand.u32 $0x1, s1  }
0x8c: {  	s14 =	sshll.u32 s0, $0xA;
	s2 =	sadd.s32 s3, s2  }
0x8d: {  	s2 =	sadd.s32 s2, s14  }
0x8e: {  	[smem:$0x3FC0] =	sst s2  }
0x8f: {  	_ = 	snop  }
0x90: {  	s2 =	sld [smem:$0x3FD0];
	_ =	sdelay $0x1  }
0x91: {  	s15 =	sld [smem:$0x3FC9]  }
0x92: {  	s5 =	simm.s32 $0xA;
	s6 =	simm.s32 $0x10;
	s4 =	sld [smem:$0x3FC8]  }
0x93: {  	[smem:s6], [sflag:s5] =	dma.local [hbm:s2], $0x1  }
0x94: {  	_ =	swait.eq [sflag:s5], $0x1  }
0x95: {  	[sflag:s5] =	ssyncset.done $0x0  }
0x96: {  	s16 =	sld [smem:$0x10];
	[sflag:s5] =	ssyncadd.s32 $0xFFFFFFFF  }
0x97: {  	s17 =	sld [smem:$0x11];
	(tm) =	ssettm $0x1  }
0x98: {  	s18 =	sld [smem:$0x3FFB];
	_ =	sdelay $0x3  }
0x99: {  	_ =	strace s18  }
0x9a: {  	s6 =	sld [smem:$0x3FFC];
	_ =	sdelay $0x3  }
0x9b: {  	_ =	strace s6  }
0x9c: {  	s6 =	sld [smem:$0x3FFD];
	_ =	sdelay $0x3  }
0x9d: {  	_ =	strace s6  }
0x9e: {  	_ =	strace $0x8FFFFFFF  }
0x9f: {  	s19 =	sld [smem:$0x3FDB];
	_ =	sdelay $0x1  }
0xa0: {  	s7 =	simm.s32 $_scs_section_size  }
0xa1: {  	s8 =	simm.s32 $_size__tile_overlayer_lowered;
	s9 =	simm.s32 $_tile_overlayer_lowered  }
0xa2: {  	s22 =	simm.s32 $0x1BFF;
	s21 =	sshll.u32 s9, $0x1;
	s6 =	sadd.s32 s7, s19  }
0xa3: {  	s10 =	simm.s32 $0x0;
	s20 =	sshll.u32 s8, $0x1;
	s8 =	sadd.s32 s21, s6  }
0xa4: {  	[timem:s10], [sflag:s22] =	dma.local [hbm:s8], s20  }
0xa5: {  	_ =	swait.ge [sflag:s22], s20  }
0xa6: {  	s7 =	ssub.s32 $0x0, s20;
	[sflag:s22] =	ssyncset.done $0x0  }
0xa7: {  	[sflag:s22] =	ssyncadd.s32 s7;
	_ =	sdelay $0x1  }
0xa8: {  	s23 =	simm.s32 $0x1B8B  }
0xa9: {  	_ =	swait.ge [sflag:s23], $0x1  }
0xaa: {  	[sflag:s23] =	ssyncset.done $0x0  }
0xab: {  	s25 =	simm.s32 $0x1B8E;
	s24 =	sld [smem:$0x3FFE];
	[sflag:s23] =	ssyncadd.s32 $0xFFFFFFFF  }
0xac: {  	s26 =	simm.s32 $execute0_lowered;
	[smem:$0x3FD2] =	sst s25  }
0xad: {  	s8 =	sshll.u32 s26, $0x1;
	_ =	strace $0x80000046;
	[dreg:$0x1] =	wrdreg $0xFFFFFFFF  }
0xae: {  	s28 =	simm.s32 $_size_execute0_lowered;
	s6 =	sadd.s32 s6, s8;
	[dreg:$0x0] =	wrdreg $0x0  }
0xaf: {  	s8 =	sshll.u32 s28, $0x1;
	[dreg:$0x2] =	wrdreg s6  }
0xb0: {  	[dreg:$0x3] =	wrdreg s8  }
0xb1: {  	[dreg:$0x4] =	wrdreg $0xC0  }
0xb2: {  	_ =	task [dreg:s10], $0x5FFFF  }
0xb3: {  	[dreg:$0x1] =	wrdreg $0xFFFFFFFF  }
0xb4: {  	[dreg:$0x0] =	wrdreg $0x60  }
0xb5: {  	[dreg:$0x2] =	wrdreg s4  }
0xb6: {  	[dreg:$0x3] =	wrdreg s15  }
0xb7: {  	[dreg:$0x4] =	wrdreg s17  }
0xb8: {  	[dreg:$0x5] =	wrdreg s16  }
0xb9: {  	[dreg:$0x6] =	wrdreg s24  }
0xba: {  	[dreg:$0x7] =	wrdreg $0x9  }
0xbb: {  	_ =	task.clear_ibuf [dreg:s10], $0x8FFFF;
	_ =	strace $0x90000046  }
0xbc: {  	s29 =	simm.s32 $0x9;
	_ =	strace $0x80000048  }
0xbd: {  	_ =	swait.ge [sflag:s29], $0x1  }
0xbe: {  	[sflag:s29] =	ssyncadd.s32 $0xFFFFFFFF  }
0xbf: {  	_ =	strace $0x90000048  }
0xc0: {  	_ =	sfence  }
0xc1: {  	s30 =	sld [smem:$0x0];
	_ =	sdelay $0x2  }
0xc2: {  	s31 =	sshll.u32 s1, $0xD;
	s1 =	sshrl.u32 s1, $0x2  }
0xc3: {  	s3 =	sand.u32 $0x4000, s31;
	s1 =	sadd.s32 s1, s30  }
0xc4: {  	s0 =	sor.u32 s3, s0;
	s1 =	sshll.u32 s1, $0x11  }
0xc5: {  	s0 =	sor.u32 s1, s0  }
0xc6: {  	s0 =	sadd.s32 $0x8F2B, s0  }
0xc7: {  	[sflag:s0] =	ssyncadd.remote.s32 $0x1  }
0xc8: {  	_ =	sfence.sel $0xFFFF  }
0xc9: {  	[dreg:$0x0] =	wrdreg $0xFFFFFFFF;
	(pc) =	sbr.abs _section_cstart, $3  }
0xca: {  	[dreg:$0x1] =	wrdreg $0xFFFFFFFF  }
0xcb: {  	_ =	task.clear_ibuf [dreg:s10], $0x2FFFF;
	_ =	strace $0x9FFFFFFF  }
0xcc: {  	(tm) =	ssettm $0x7FFFFFFF  }
0xcd: {  	_ =	shalt  }
tec
execute0_lowered:
.L_overlay_start_1:
0x0: {  	(tag) =	ssettag $0x1  }
0x1: {  	s0 =	rddreg [dreg:$0x1]  }
0x2: {  	s1 =	rddreg [dreg:$0x2]  }
0x3: {  	s2 =	rddreg [dreg:$0x4];
	s4 =	simm.s32 $0x0  }
0x4: {  	s3 =	srdreg.scid;
	s5 =	stileid.u32;
	s30 =	simm.s32 $0x2300  }
0x5: {  	[smem:$0x7FF] =	sst s4;
	s3 =	sand.u32 $0x1, s3;
	s7 =	sshll.u32 s5, $0x1  }
0x6: {  	s5 =	sadd.s32 $0x1C00, s2;
	s11 =	sadd.s32 $0x1D00, s2;
	s12 =	sadd.s32 $0x1E00, s2  }
0x7: {  	s13 =	sadd.s32 $0x1F00, s2;
	s6 =	ssub.s32 $0x2, s3;
	s3 =	sor.u32 s3, s7  }
0x8: {  	s2 =	simm.s32 $0x1;
	_ =	strace $0x80000047;
	s9 =	sshll.u32 s3, $0x5  }
0x9: {  	s8 =	sshrl.u32 s6, $0x1;
	s7 =	sshll.u32 s3, $0x8;
	s1 =	sadd.s32 s1, s9  }
0xa: {  	s10 =	sshll.u32 s3, $0xF;
	s14 =	sor.u32 $0x80, s7;
	[dreg:$0x6] =	wrdreg s1  }
0xb: {  	v0 =	vimm.s32 $0x0;
	vm0 =	vmmov $0x1;
	p0 =	sne.s32 s3, $0x0;
	s25 =	sadd.s32 s0, s10;
	[dreg:$0xb] =	wrdreg s14  }
.Ltmp0:
0xc: {  	vm1 =	vcmask $0x704;
	vm2 =	vcmask $0xB08;
	v1 =	vlaneseq.u32;
	s28 =	sadd.s32 $0x2000, s25;
	[dreg:$0xc] =	wrdreg s25;
	(pc) =	sbr.rel .LBB2_1-.Ltmp0, $4  }
0xd: {  	vm3 =	vcmask $0x308;
	vm4 =	vcmask $0x70C;
	vm5 =	vmmov $0xffff;
	s8 =	ssub.s32 s6, s8;
	s29 =	sadd.s32 $0x6000, s25;
	[dreg:$0x7] =	wrdreg s28  }
0xe: {  	v2 =	vadd.s32 $0x1, v1;
	v3 =	vadd.s32 $0x11, v1;
	v4 =	vor.u32 $0x10, v1;
	s26 =	sshll.u32 s14, $0x7;
	s31 =	smax.u32 s8, $0x1;
	[dreg:$0x8] =	wrdreg s29  }
0xf: {  	v5 =	vadd.s32 $0x21, v1;
	v6 =	vor.u32 $0x20, v1;
	v8 =	vshrl.u32 v1, $0x3;
	s6 =	sshll.u32 s3, $0x4;
	s0 =	sadd.s32 s0, s26;
	[dreg:$0xa] =	wrdreg s31  }
0x10: {  	v7 =	vand.u32 $0x7, v1;
	v9 =	vor.u32 $0x8, v1;
	v8 =	vmul.u32 $0x8, v8;
	s26 =	simm.s32 $0x2;
	[dreg:$0x9] =	wrdreg s0;
	s0 =	simm.s32 $0x0  }
.LBB2_5:
0x11: {  	v13 =	vld [tilespmem:s7+$0x0];
	_ =	sdelay $0x4  }
0x12: {  	vm6 =	veq.s32 v13, $0x0  }
0x13: {  	vm7 =	veq.s32 v13, $0x1;
	v14 =	vsel vm6, $0x1, v0  }
0x14: {  	vm8 =	veq.s32 v13, $0x2;
	v48 =	vsel vm7, $0x1, v0;
	(xrf0) =	vadd.scan.msk.s32 $0xffff, v14  }
0x15: {  	v13 =	vsel vm8, $0x1, v0;
	(xrf0) =	vadd.scan.msk.s32 $0xffff, v48  }
0x16: {  	(xrf0) =	vadd.scan.msk.s32 $0xffff, v13;
	_ =	sdelay $0x1  }
0x17: {  	v11 =	vadd.s32 $0xFFFFFFFF, v11  }
0x18: {  	v12 =	vadd.s32 $0xFFFFFFFF, v12;
	v11 =	vbroadcast v11, $0xF  }
0x19: {  	v10 =	vadd.s32 $0xFFFFFFFF, v10;
	v12 =	vbroadcast v12, $0xF;
	v49, _, _ =	vpop (xrf0)  }
0x1a: {  	v10 =	vbroadcast v10, $0xF;
	v11 =	vadd.s32 v49, v11;
	(v2sf) =	vpush v49, $0xF;
	v50, _, _ =	vpop (xrf0)  }
0x1b: {  	v11 =	vnsel vm6, $0x0, v11;
	v12 =	vadd.s32 v50, v12;
	(v2sf) =	vpush v50, $0xF;
	v51, _, _ =	vpop (xrf0)  }
0x1c: {  	v12 =	vnsel vm7, $0x0, v12;
	v10 =	vadd.s32 v51, v10;
	(v2sf) =	vpush v51, $0xF  }
0x1d: {  	v11 =	vadd.s32 v12, v11;
	v10 =	vnsel vm8, $0x0, v10  }
0x1e: {  	v10 =	vadd.s32 v10, v11  }
0x1f: {  	[tilespmem:$0x2000] =	vst v10  }
0x20: {  	[tilespmem:$0x2100] =	vst v10  }
0x21: {  	v10 =	vld [tilespmem:s7+$0x10];
	_ =	sdelay $0x4  }
0x22: {  	vm6 =	veq.s32 v10, $0x0  }
0x23: {  	vm7 =	veq.s32 v10, $0x1;
	v11 =	vsel vm6, $0x1, v0  }
0x24: {  	vm13 =	veq.s32 v10, $0x2;
	(xrf0) =	vadd.scan.msk.s32 $0xffff, v11;
	v11 =	vsel vm7, $0x1, v0  }
0x25: {  	v10 =	vsel vm13, $0x1, v0;
	(xrf0) =	vadd.scan.msk.s32 $0xffff, v11;
	s8 =	spop (v2sf)  }
0x26: {  	(xrf0) =	vadd.scan.msk.s32 $0xffff, v10;
	s8 =	sadd.s32 s21, s8;
	s9 =	spop (v2sf)  }
0x27: {  	s1 =	sadd.s32 s1, s9;
	s31 =	spop (v2sf);
	v10 =	vmov s8  }
0x28: {  	s9 =	sadd.s32 s20, s31;
	v10 =	vadd.s32 $0xFFFFFFFF, v10;
	v11 =	vmov s1  }
0x29: {  	v10 =	vbroadcast v10, $0x0;
	v11 =	vadd.s32 $0xFFFFFFFF, v11;
	v52 =	vmov s9  }
0x2a: {  	v53, _, _ =	vpop (xrf0);
	v11 =	vbroadcast v11, $0x0;
	v12 =	vadd.s32 $0xFFFFFFFF, v52  }
0x2b: {  	(v2sf) =	vpush v53, $0xF;
	v54, _, _ =	vpop (xrf0);
	v10 =	vadd.s32 v53, v10;
	v12 =	vbroadcast v12, $0x0  }
0x2c: {  	(v2sf) =	vpush v54, $0xF;
	v55, _, _ =	vpop (xrf0);
	v10 =	vnsel vm6, $0x0, v10;
	v11 =	vadd.s32 v54, v11  }
0x2d: {  	(v2sf) =	vpush v55, $0xF;
	v11 =	vnsel vm7, $0x0, v11;
	v12 =	vadd.s32 v55, v12  }
0x2e: {  	v10 =	vadd.s32 v11, v10;
	v11 =	vnsel vm13, $0x0, v12  }
0x2f: {  	v10 =	vadd.s32 v11, v10  }
0x30: {  	[tilespmem:$0x2010] =	vst v10  }
0x31: {  	[tilespmem:$0x2110] =	vst v10  }
0x32: {  	v10 =	vld [tilespmem:s7+$0x20];
	_ =	sdelay $0x4  }
0x33: {  	vm6 =	veq.s32 v10, $0x0  }
0x34: {  	vm7 =	veq.s32 v10, $0x1;
	v11 =	vsel vm6, $0x1, v0  }
0x35: {  	vm14 =	veq.s32 v10, $0x2;
	(xrf0) =	vadd.scan.msk.s32 $0xffff, v11;
	v11 =	vsel vm7, $0x1, v0  }
0x36: {  	v10 =	vsel vm14, $0x1, v0;
	s14 =	spop (v2sf);
	(xrf0) =	vadd.scan.msk.s32 $0xffff, v11  }
0x37: {  	s8 =	sadd.s32 s8, s14;
	s0 =	spop (v2sf);
	(xrf0) =	vadd.scan.msk.s32 $0xffff, v10  }
0x38: {  	s1 =	sadd.s32 s1, s0;
	s3 =	spop (v2sf);
	v10 =	vmov s8  }
0x39: {  	s9 =	sadd.s32 s9, s3;
	v10 =	vadd.s32 $0xFFFFFFFF, v10;
	v11 =	vmov s1  }
0x3a: {  	v10 =	vbroadcast v10, $0x0;
	v11 =	vadd.s32 $0xFFFFFFFF, v11;
	v56 =	vmov s9  }
0x3b: {  	v57, _, _ =	vpop (xrf0);
	v11 =	vbroadcast v11, $0x0;
	v12 =	vadd.s32 $0xFFFFFFFF, v56  }
0x3c: {  	v10 =	vadd.s32 v57, v10;
	(v2sf) =	vpush v57, $0xF;
	v58, _, _ =	vpop (xrf0);
	v12 =	vbroadcast v12, $0x0  }
0x3d: {  	v10 =	vnsel vm6, $0x0, v10;
	v11 =	vadd.s32 v58, v11;
	(v2sf) =	vpush v58, $0xF;
	v59, _, _ =	vpop (xrf0)  }
0x3e: {  	v11 =	vnsel vm7, $0x0, v11;
	v12 =	vadd.s32 v59, v12;
	(v2sf) =	vpush v59, $0xF  }
0x3f: {  	v10 =	vadd.s32 v11, v10;
	v11 =	vnsel vm14, $0x0, v12  }
0x40: {  	v10 =	vadd.s32 v11, v10  }
0x41: {  	[tilespmem:$0x2020] =	vst v10  }
0x42: {  	[tilespmem:$0x2120] =	vst v10  }
0x43: {  	v10 =	vld [tilespmem:s7+$0x30];
	_ =	sdelay $0x4  }
0x44: {  	vm6 =	veq.s32 v10, $0x0  }
0x45: {  	vm7 =	veq.s32 v10, $0x1;
	v11 =	vsel vm6, $0x1, v0  }
0x46: {  	vm15 =	veq.s32 v10, $0x2;
	(xrf0) =	vadd.scan.msk.s32 $0xffff, v11;
	v11 =	vsel vm7, $0x1, v0  }
0x47: {  	v10 =	vsel vm15, $0x1, v0;
	(xrf0) =	vadd.scan.msk.s32 $0xffff, v11;
	s10 =	spop (v2sf)  }
0x48: {  	(xrf0) =	vadd.scan.msk.s32 $0xffff, v10;
	s8 =	sadd.s32 s8, s10;
	s15 =	spop (v2sf)  }
0x49: {  	s1 =	sadd.s32 s1, s15;
	s16 =	spop (v2sf);
	v10 =	vmov s8  }
0x4a: {  	s9 =	sadd.s32 s9, s16;
	v10 =	vadd.s32 $0xFFFFFFFF, v10;
	v11 =	vmov s1  }
0x4b: {  	v10 =	vbroadcast v10, $0x0;
	v11 =	vadd.s32 $0xFFFFFFFF, v11;
	v60 =	vmov s9  }
0x4c: {  	v61, _, _ =	vpop (xrf0);
	v11 =	vbroadcast v11, $0x0;
	v12 =	vadd.s32 $0xFFFFFFFF, v60  }
0x4d: {  	(v2sf) =	vpush v61, $0xF;
	v62, _, _ =	vpop (xrf0);
	v10 =	vadd.s32 v61, v10;
	v12 =	vbroadcast v12, $0x0  }
0x4e: {  	(v2sf) =	vpush v62, $0xF;
	v63, _, _ =	vpop (xrf0);
	v10 =	vnsel vm6, $0x0, v10;
	v11 =	vadd.s32 v62, v11  }
0x4f: {  	(v2sf) =	vpush v63, $0xF;
	v11 =	vnsel vm7, $0x0, v11;
	v12 =	vadd.s32 v63, v12  }
0x50: {  	v10 =	vadd.s32 v11, v10;
	v11 =	vnsel vm15, $0x0, v12  }
0x51: {  	v10 =	vadd.s32 v11, v10  }
0x52: {  	[tilespmem:$0x2030] =	vst v10  }
0x53: {  	[tilespmem:$0x2130] =	vst v10  }
0x54: {  	v10 =	vld [tilespmem:s7+$0x40];
	_ =	sdelay $0x4  }
0x55: {  	vm6 =	veq.s32 v10, $0x0  }
0x56: {  	vm7 =	veq.s32 v10, $0x1;
	v11 =	vsel vm6, $0x1, v0  }
0x57: {  	vm12 =	veq.s32 v10, $0x2;
	(xrf0) =	vadd.scan.msk.s32 $0xffff, v11;
	v11 =	vsel vm7, $0x1, v0  }
0x58: {  	v10 =	vsel vm12, $0x1, v0;
	s17 =	spop (v2sf);
	(xrf0) =	vadd.scan.msk.s32 $0xffff, v11  }
0x59: {  	s8 =	sadd.s32 s8, s17;
	s18 =	spop (v2sf);
	(xrf0) =	vadd.scan.msk.s32 $0xffff, v10  }
0x5a: {  	s1 =	sadd.s32 s1, s18;
	s19 =	spop (v2sf);
	v10 =	vmov s8  }
0x5b: {  	s9 =	sadd.s32 s9, s19;
	v10 =	vadd.s32 $0xFFFFFFFF, v10;
	v11 =	vmov s1  }
0x5c: {  	v10 =	vbroadcast v10, $0x0;
	v11 =	vadd.s32 $0xFFFFFFFF, v11;
	v16 =	vmov s9  }
0x5d: {  	v17, _, _ =	vpop (xrf0);
	v11 =	vbroadcast v11, $0x0;
	v12 =	vadd.s32 $0xFFFFFFFF, v16  }
0x5e: {  	v10 =	vadd.s32 v17, v10;
	(v2sf) =	vpush v17, $0xF;
	v18, _, _ =	vpop (xrf0);
	v12 =	vbroadcast v12, $0x0  }
0x5f: {  	v10 =	vnsel vm6, $0x0, v10;
	v11 =	vadd.s32 v18, v11;
	(v2sf) =	vpush v18, $0xF;
	v19, _, _ =	vpop (xrf0)  }
0x60: {  	v11 =	vnsel vm7, $0x0, v11;
	v12 =	vadd.s32 v19, v12;
	(v2sf) =	vpush v19, $0xF  }
0x61: {  	v10 =	vadd.s32 v11, v10;
	v11 =	vnsel vm12, $0x0, v12  }
0x62: {  	v10 =	vadd.s32 v11, v10  }
0x63: {  	[tilespmem:$0x2040] =	vst v10  }
0x64: {  	[tilespmem:$0x2180] =	vst v10  }
0x65: {  	v10 =	vld [tilespmem:s7+$0x50];
	_ =	sdelay $0x4  }
0x66: {  	vm6 =	veq.s32 v10, $0x0  }
0x67: {  	vm7 =	veq.s32 v10, $0x1;
	v11 =	vsel vm6, $0x1, v0  }
0x68: {  	vm13 =	veq.s32 v10, $0x2;
	(xrf0) =	vadd.scan.msk.s32 $0xffff, v11;
	v11 =	vsel vm7, $0x1, v0  }
0x69: {  	v10 =	vsel vm13, $0x1, v0;
	(xrf0) =	vadd.scan.msk.s32 $0xffff, v11;
	s20 =	spop (v2sf)  }
0x6a: {  	(xrf0) =	vadd.scan.msk.s32 $0xffff, v10;
	s8 =	sadd.s32 s8, s20;
	s21 =	spop (v2sf)  }
0x6b: {  	s1 =	sadd.s32 s1, s21;
	s22 =	spop (v2sf);
	v10 =	vmov s8  }
0x6c: {  	s9 =	sadd.s32 s9, s22;
	v10 =	vadd.s32 $0xFFFFFFFF, v10;
	v11 =	vmov s1  }
0x6d: {  	v10 =	vbroadcast v10, $0x0;
	v11 =	vadd.s32 $0xFFFFFFFF, v11;
	v20 =	vmov s9  }
0x6e: {  	v21, _, _ =	vpop (xrf0);
	v11 =	vbroadcast v11, $0x0;
	v12 =	vadd.s32 $0xFFFFFFFF, v20  }
0x6f: {  	(v2sf) =	vpush v21, $0xF;
	v22, _, _ =	vpop (xrf0);
	v10 =	vadd.s32 v21, v10;
	v12 =	vbroadcast v12, $0x0  }
0x70: {  	(v2sf) =	vpush v22, $0xF;
	v23, _, _ =	vpop (xrf0);
	v10 =	vnsel vm6, $0x0, v10;
	v11 =	vadd.s32 v22, v11  }
0x71: {  	(v2sf) =	vpush v23, $0xF;
	v11 =	vnsel vm7, $0x0, v11;
	v12 =	vadd.s32 v23, v12  }
0x72: {  	v10 =	vadd.s32 v11, v10;
	v11 =	vnsel vm13, $0x0, v12  }
0x73: {  	v10 =	vadd.s32 v11, v10  }
0x74: {  	[tilespmem:$0x2050] =	vst v10  }
0x75: {  	[tilespmem:$0x2190] =	vst v10  }
0x76: {  	v10 =	vld [tilespmem:s7+$0x60];
	_ =	sdelay $0x4  }
0x77: {  	vm6 =	veq.s32 v10, $0x0  }
0x78: {  	vm7 =	veq.s32 v10, $0x1;
	v11 =	vsel vm6, $0x1, v0  }
0x79: {  	vm14 =	veq.s32 v10, $0x2;
	(xrf0) =	vadd.scan.msk.s32 $0xffff, v11;
	v11 =	vsel vm7, $0x1, v0  }
0x7a: {  	v10 =	vsel vm14, $0x1, v0;
	s23 =	spop (v2sf);
	(xrf0) =	vadd.scan.msk.s32 $0xffff, v11  }
0x7b: {  	s8 =	sadd.s32 s8, s23;
	s24 =	spop (v2sf);
	(xrf0) =	vadd.scan.msk.s32 $0xffff, v10  }
0x7c: {  	s1 =	sadd.s32 s1, s24;
	s25 =	spop (v2sf);
	v10 =	vmov s8  }
0x7d: {  	s9 =	sadd.s32 s9, s25;
	v10 =	vadd.s32 $0xFFFFFFFF, v10;
	v11 =	vmov s1  }
0x7e: {  	v10 =	vbroadcast v10, $0x0;
	v11 =	vadd.s32 $0xFFFFFFFF, v11;
	v24 =	vmov s9  }
0x7f: {  	v25, _, _ =	vpop (xrf0);
	v11 =	vbroadcast v11, $0x0;
	v12 =	vadd.s32 $0xFFFFFFFF, v24  }
0x80: {  	v10 =	vadd.s32 v25, v10;
	(v2sf) =	vpush v25, $0xF;
	v26, _, _ =	vpop (xrf0);
	v12 =	vbroadcast v12, $0x0  }
0x81: {  	v10 =	vnsel vm6, $0x0, v10;
	v11 =	vadd.s32 v26, v11;
	(v2sf) =	vpush v26, $0xF;
	v27, _, _ =	vpop (xrf0)  }
0x82: {  	v11 =	vnsel vm7, $0x0, v11;
	v12 =	vadd.s32 v27, v12;
	(v2sf) =	vpush v27, $0xF  }
0x83: {  	v10 =	vadd.s32 v11, v10;
	v11 =	vnsel vm14, $0x0, v12  }
0x84: {  	v10 =	vadd.s32 v11, v10  }
0x85: {  	[tilespmem:$0x2060] =	vst v10  }
0x86: {  	[tilespmem:$0x21A0] =	vst v10  }
0x87: {  	v10 =	vld [tilespmem:s7+$0x70];
	_ =	sdelay $0x4  }
0x88: {  	vm6 =	veq.s32 v10, $0x0  }
0x89: {  	vm7 =	veq.s32 v10, $0x1;
	v11 =	vsel vm6, $0x1, v0  }
0x8a: {  	vm15 =	veq.s32 v10, $0x2;
	(xrf0) =	vadd.scan.msk.s32 $0xffff, v11;
	v11 =	vsel vm7, $0x1, v0  }
0x8b: {  	v10 =	vsel vm15, $0x1, v0;
	(xrf0) =	vadd.scan.msk.s32 $0xffff, v11;
	s28 =	spop (v2sf)  }
0x8c: {  	(xrf0) =	vadd.scan.msk.s32 $0xffff, v10;
	s8 =	sadd.s32 s8, s28;
	s29 =	spop (v2sf)  }
0x8d: {  	s1 =	sadd.s32 s1, s29;
	s31 =	spop (v2sf);
	v10 =	vmov s8  }
0x8e: {  	s9 =	sadd.s32 s9, s31;
	v10 =	vadd.s32 $0xFFFFFFFF, v10;
	v11 =	vmov s1  }
0x8f: {  	v10 =	vbroadcast v10, $0x0;
	v11 =	vadd.s32 $0xFFFFFFFF, v11;
	v28 =	vmov s9  }
0x90: {  	v29, _, _ =	vpop (xrf0);
	v11 =	vbroadcast v11, $0x0;
	v12 =	vadd.s32 $0xFFFFFFFF, v28  }
0x91: {  	(v2sf) =	vpush v29, $0xF;
	v30, _, _ =	vpop (xrf0);
	v10 =	vadd.s32 v29, v10;
	v12 =	vbroadcast v12, $0x0  }
0x92: {  	(v2sf) =	vpush v30, $0xF;
	v31, _, _ =	vpop (xrf0);
	v10 =	vnsel vm6, $0x0, v10;
	v11 =	vadd.s32 v30, v11  }
0x93: {  	(v2sf) =	vpush v31, $0xF;
	v11 =	vnsel vm7, $0x0, v11;
	v12 =	vadd.s32 v31, v12  }
0x94: {  	v10 =	vadd.s32 v11, v10;
	v11 =	vnsel vm15, $0x0, v12  }
0x95: {  	v10 =	vadd.s32 v11, v10  }
0x96: {  	[tilespmem:$0x2070] =	vst v10  }
0x97: {  	s0 =	rddreg [dreg:$0xb];
	[tilespmem:$0x21B0] =	vst v10  }
0x98: {  	v10 =	vld [tilespmem:s0+$0x0];
	_ =	sdelay $0x4  }
0x99: {  	vm6 =	veq.s32 v10, $0x0  }
0x9a: {  	vm7 =	veq.s32 v10, $0x1;
	v11 =	vsel vm6, $0x1, v0  }
0x9b: {  	vm12 =	veq.s32 v10, $0x2;
	(xrf0) =	vadd.scan.msk.s32 $0xffff, v11;
	v11 =	vsel vm7, $0x1, v0  }
0x9c: {  	v10 =	vsel vm12, $0x1, v0;
	s3 =	spop (v2sf);
	(xrf0) =	vadd.scan.msk.s32 $0xffff, v11  }
0x9d: {  	s8 =	sadd.s32 s8, s3;
	s10 =	spop (v2sf);
	(xrf0) =	vadd.scan.msk.s32 $0xffff, v10  }
0x9e: {  	s1 =	sadd.s32 s1, s10;
	s15 =	spop (v2sf);
	v10 =	vmov s8  }
0x9f: {  	s9 =	sadd.s32 s9, s15;
	v10 =	vadd.s32 $0xFFFFFFFF, v10;
	v11 =	vmov s1  }
0xa0: {  	v10 =	vbroadcast v10, $0x0;
	v11 =	vadd.s32 $0xFFFFFFFF, v11;
	v32 =	vmov s9  }
0xa1: {  	v33, _, _ =	vpop (xrf0);
	v11 =	vbroadcast v11, $0x0;
	v12 =	vadd.s32 $0xFFFFFFFF, v32  }
0xa2: {  	v10 =	vadd.s32 v33, v10;
	(v2sf) =	vpush v33, $0xF;
	v34, _, _ =	vpop (xrf0);
	v12 =	vbroadcast v12, $0x0  }
0xa3: {  	v10 =	vnsel vm6, $0x0, v10;
	v11 =	vadd.s32 v34, v11;
	(v2sf) =	vpush v34, $0xF;
	v35, _, _ =	vpop (xrf0)  }
0xa4: {  	v11 =	vnsel vm7, $0x0, v11;
	v12 =	vadd.s32 v35, v12;
	(v2sf) =	vpush v35, $0xF  }
0xa5: {  	v10 =	vadd.s32 v11, v10;
	v11 =	vnsel vm12, $0x0, v12  }
0xa6: {  	v10 =	vadd.s32 v11, v10  }
0xa7: {  	[tilespmem:$0x2080] =	vst v10  }
0xa8: {  	[tilespmem:$0x2200] =	vst v10  }
0xa9: {  	v10 =	vld [tilespmem:s7+$0x90];
	_ =	sdelay $0x4  }
0xaa: {  	vm6 =	veq.s32 v10, $0x0  }
0xab: {  	vm7 =	veq.s32 v10, $0x1;
	v11 =	vsel vm6, $0x1, v0  }
0xac: {  	vm13 =	veq.s32 v10, $0x2;
	(xrf0) =	vadd.scan.msk.s32 $0xffff, v11;
	v11 =	vsel vm7, $0x1, v0  }
0xad: {  	v10 =	vsel vm13, $0x1, v0;
	(xrf0) =	vadd.scan.msk.s32 $0xffff, v11;
	s16 =	spop (v2sf)  }
0xae: {  	(xrf0) =	vadd.scan.msk.s32 $0xffff, v10;
	s8 =	sadd.s32 s8, s16;
	s17 =	spop (v2sf)  }
0xaf: {  	s1 =	sadd.s32 s1, s17;
	s18 =	spop (v2sf);
	v10 =	vmov s8  }
0xb0: {  	s9 =	sadd.s32 s9, s18;
	v10 =	vadd.s32 $0xFFFFFFFF, v10;
	v11 =	vmov s1  }
0xb1: {  	v10 =	vbroadcast v10, $0x0;
	v11 =	vadd.s32 $0xFFFFFFFF, v11;
	v36 =	vmov s9  }
0xb2: {  	v37, _, _ =	vpop (xrf0);
	v11 =	vbroadcast v11, $0x0;
	v12 =	vadd.s32 $0xFFFFFFFF, v36  }
0xb3: {  	(v2sf) =	vpush v37, $0xF;
	v38, _, _ =	vpop (xrf0);
	v10 =	vadd.s32 v37, v10;
	v12 =	vbroadcast v12, $0x0  }
0xb4: {  	(v2sf) =	vpush v38, $0xF;
	v39, _, _ =	vpop (xrf0);
	v10 =	vnsel vm6, $0x0, v10;
	v11 =	vadd.s32 v38, v11  }
0xb5: {  	(v2sf) =	vpush v39, $0xF;
	v11 =	vnsel vm7, $0x0, v11;
	v12 =	vadd.s32 v39, v12  }
0xb6: {  	v10 =	vadd.s32 v11, v10;
	v11 =	vnsel vm13, $0x0, v12  }
0xb7: {  	v10 =	vadd.s32 v11, v10  }
0xb8: {  	[tilespmem:$0x2090] =	vst v10  }
0xb9: {  	[tilespmem:$0x2210] =	vst v10  }
0xba: {  	v10 =	vld [tilespmem:s7+$0xA0];
	_ =	sdelay $0x4  }
0xbb: {  	vm6 =	veq.s32 v10, $0x0  }
0xbc: {  	vm7 =	veq.s32 v10, $0x1;
	v11 =	vsel vm6, $0x1, v0  }
0xbd: {  	vm14 =	veq.s32 v10, $0x2;
	(xrf0) =	vadd.scan.msk.s32 $0xffff, v11;
	v11 =	vsel vm7, $0x1, v0  }
0xbe: {  	v10 =	vsel vm14, $0x1, v0;
	s19 =	spop (v2sf);
	(xrf0) =	vadd.scan.msk.s32 $0xffff, v11  }
0xbf: {  	s8 =	sadd.s32 s8, s19;
	s20 =	spop (v2sf);
	(xrf0) =	vadd.scan.msk.s32 $0xffff, v10  }
0xc0: {  	s1 =	sadd.s32 s1, s20;
	s21 =	spop (v2sf);
	v10 =	vmov s8  }
0xc1: {  	s9 =	sadd.s32 s9, s21;
	v10 =	vadd.s32 $0xFFFFFFFF, v10;
	v11 =	vmov s1  }
0xc2: {  	v10 =	vbroadcast v10, $0x0;
	v11 =	vadd.s32 $0xFFFFFFFF, v11;
	v40 =	vmov s9  }
0xc3: {  	v41, _, _ =	vpop (xrf0);
	v11 =	vbroadcast v11, $0x0;
	v12 =	vadd.s32 $0xFFFFFFFF, v40  }
0xc4: {  	v10 =	vadd.s32 v41, v10;
	(v2sf) =	vpush v41, $0xF;
	v42, _, _ =	vpop (xrf0);
	v12 =	vbroadcast v12, $0x0  }
0xc5: {  	v10 =	vnsel vm6, $0x0, v10;
	v11 =	vadd.s32 v42, v11;
	(v2sf) =	vpush v42, $0xF;
	v43, _, _ =	vpop (xrf0)  }
0xc6: {  	v11 =	vnsel vm7, $0x0, v11;
	v12 =	vadd.s32 v43, v12;
	(v2sf) =	vpush v43, $0xF  }
0xc7: {  	v10 =	vadd.s32 v11, v10;
	v11 =	vnsel vm14, $0x0, v12  }
0xc8: {  	v10 =	vadd.s32 v11, v10  }
0xc9: {  	[tilespmem:$0x20A0] =	vst v10  }
0xca: {  	[tilespmem:$0x2220] =	vst v10  }
0xcb: {  	v10 =	vld [tilespmem:s7+$0xB0];
	_ =	sdelay $0x4  }
0xcc: {  	vm6 =	veq.s32 v10, $0x0  }
0xcd: {  	vm7 =	veq.s32 v10, $0x1;
	v11 =	vsel vm6, $0x1, v0  }
0xce: {  	vm15 =	veq.s32 v10, $0x2;
	(xrf0) =	vadd.scan.msk.s32 $0xffff, v11;
	v11 =	vsel vm7, $0x1, v0  }
0xcf: {  	v10 =	vsel vm15, $0x1, v0;
	(xrf0) =	vadd.scan.msk.s32 $0xffff, v11;
	s22 =	spop (v2sf)  }
0xd0: {  	(xrf0) =	vadd.scan.msk.s32 $0xffff, v10;
	s8 =	sadd.s32 s8, s22;
	s23 =	spop (v2sf)  }
0xd1: {  	s1 =	sadd.s32 s1, s23;
	s24 =	spop (v2sf);
	v10 =	vmov s8  }
0xd2: {  	s9 =	sadd.s32 s9, s24;
	v10 =	vadd.s32 $0xFFFFFFFF, v10;
	v11 =	vmov s1  }
0xd3: {  	v10 =	vbroadcast v10, $0x0;
	v11 =	vadd.s32 $0xFFFFFFFF, v11;
	v44 =	vmov s9  }
0xd4: {  	v45, _, _ =	vpop (xrf0);
	v11 =	vbroadcast v11, $0x0;
	v12 =	vadd.s32 $0xFFFFFFFF, v44  }
0xd5: {  	(v2sf) =	vpush v45, $0xF;
	v46, _, _ =	vpop (xrf0);
	v10 =	vadd.s32 v45, v10;
	v12 =	vbroadcast v12, $0x0  }
0xd6: {  	(v2sf) =	vpush v46, $0xF;
	v47, _, _ =	vpop (xrf0);
	v10 =	vnsel vm6, $0x0, v10;
	v11 =	vadd.s32 v46, v11  }
0xd7: {  	(v2sf) =	vpush v47, $0xF;
	v11 =	vnsel vm7, $0x0, v11;
	v12 =	vadd.s32 v47, v12  }
0xd8: {  	v10 =	vadd.s32 v11, v10;
	v11 =	vnsel vm15, $0x0, v12  }
0xd9: {  	v10 =	vadd.s32 v11, v10  }
0xda: {  	[tilespmem:$0x20B0] =	vst v10  }
0xdb: {  	[tilespmem:$0x2230] =	vst v10  }
0xdc: {  	v10 =	vld [tilespmem:s7+$0xC0];
	_ =	sdelay $0x4  }
0xdd: {  	vm6 =	veq.s32 v10, $0x0  }
0xde: {  	vm7 =	veq.s32 v10, $0x1;
	v11 =	vsel vm6, $0x1, v0  }
0xdf: {  	vm12 =	veq.s32 v10, $0x2;
	(xrf0) =	vadd.scan.msk.s32 $0xffff, v11;
	v11 =	vsel vm7, $0x1, v0  }
0xe0: {  	v10 =	vsel vm12, $0x1, v0;
	s25 =	spop (v2sf);
	(xrf0) =	vadd.scan.msk.s32 $0xffff, v11  }
0xe1: {  	s8 =	sadd.s32 s8, s25;
	s28 =	spop (v2sf);
	(xrf0) =	vadd.scan.msk.s32 $0xffff, v10  }
0xe2: {  	s1 =	sadd.s32 s1, s28;
	s29 =	spop (v2sf);
	v10 =	vmov s8  }
0xe3: {  	s9 =	sadd.s32 s9, s29;
	v10 =	vadd.s32 $0xFFFFFFFF, v10;
	v11 =	vmov s1  }
0xe4: {  	v10 =	vbroadcast v10, $0x0;
	v11 =	vadd.s32 $0xFFFFFFFF, v11;
	v48 =	vmov s9  }
0xe5: {  	v49, _, _ =	vpop (xrf0);
	v11 =	vbroadcast v11, $0x0;
	v12 =	vadd.s32 $0xFFFFFFFF, v48  }
0xe6: {  	v10 =	vadd.s32 v49, v10;
	(v2sf) =	vpush v49, $0xF;
	v50, _, _ =	vpop (xrf0);
	v12 =	vbroadcast v12, $0x0  }
0xe7: {  	v10 =	vnsel vm6, $0x0, v10;
	v11 =	vadd.s32 v50, v11;
	(v2sf) =	vpush v50, $0xF;
	v51, _, _ =	vpop (xrf0)  }
0xe8: {  	v11 =	vnsel vm7, $0x0, v11;
	v12 =	vadd.s32 v51, v12;
	(v2sf) =	vpush v51, $0xF  }
0xe9: {  	v10 =	vadd.s32 v11, v10;
	v11 =	vnsel vm12, $0x0, v12  }
0xea: {  	v10 =	vadd.s32 v11, v10  }
0xeb: {  	[tilespmem:$0x20C0] =	vst v10  }
0xec: {  	[tilespmem:$0x2280] =	vst v10  }
0xed: {  	v10 =	vld [tilespmem:s7+$0xD0];
	_ =	sdelay $0x4  }
0xee: {  	vm6 =	veq.s32 v10, $0x0  }
0xef: {  	vm7 =	veq.s32 v10, $0x1;
	v11 =	vsel vm6, $0x1, v0  }
0xf0: {  	vm13 =	veq.s32 v10, $0x2;
	(xrf0) =	vadd.scan.msk.s32 $0xffff, v11;
	v11 =	vsel vm7, $0x1, v0  }
0xf1: {  	v10 =	vsel vm13, $0x1, v0;
	(xrf0) =	vadd.scan.msk.s32 $0xffff, v11;
	s31 =	spop (v2sf)  }
0xf2: {  	(xrf0) =	vadd.scan.msk.s32 $0xffff, v10;
	s8 =	sadd.s32 s8, s31;
	s0 =	spop (v2sf)  }
0xf3: {  	s1 =	sadd.s32 s1, s0;
	s3 =	spop (v2sf);
	v10 =	vmov s8  }
0xf4: {  	s9 =	sadd.s32 s9, s3;
	v10 =	vadd.s32 $0xFFFFFFFF, v10;
	v11 =	vmov s1  }
0xf5: {  	v10 =	vbroadcast v10, $0x0;
	v11 =	vadd.s32 $0xFFFFFFFF, v11;
	v52 =	vmov s9  }
0xf6: {  	v53, _, _ =	vpop (xrf0);
	v11 =	vbroadcast v11, $0x0;
	v12 =	vadd.s32 $0xFFFFFFFF, v52  }
0xf7: {  	(v2sf) =	vpush v53, $0xF;
	v54, _, _ =	vpop (xrf0);
	v10 =	vadd.s32 v53, v10;
	v12 =	vbroadcast v12, $0x0  }
0xf8: {  	(v2sf) =	vpush v54, $0xF;
	v55, _, _ =	vpop (xrf0);
	v10 =	vnsel vm6, $0x0, v10;
	v11 =	vadd.s32 v54, v11  }
0xf9: {  	(v2sf) =	vpush v55, $0xF;
	v11 =	vnsel vm7, $0x0, v11;
	v12 =	vadd.s32 v55, v12  }
0xfa: {  	v10 =	vadd.s32 v11, v10;
	v11 =	vnsel vm13, $0x0, v12  }
0xfb: {  	v10 =	vadd.s32 v11, v10  }
0xfc: {  	[tilespmem:$0x20D0] =	vst v10  }
0xfd: {  	[tilespmem:$0x2290] =	vst v10  }
0xfe: {  	v10 =	vld [tilespmem:s7+$0xE0];
	_ =	sdelay $0x4  }
0xff: {  	vm6 =	veq.s32 v10, $0x0  }
0x100: {  	vm7 =	veq.s32 v10, $0x1;
	v11 =	vsel vm6, $0x1, v0  }
0x101: {  	vm14 =	veq.s32 v10, $0x2;
	(xrf0) =	vadd.scan.msk.s32 $0xffff, v11;
	v11 =	vsel vm7, $0x1, v0  }
0x102: {  	v10 =	vsel vm14, $0x1, v0;
	s10 =	spop (v2sf);
	(xrf0) =	vadd.scan.msk.s32 $0xffff, v11  }
0x103: {  	s8 =	sadd.s32 s8, s10;
	s15 =	spop (v2sf);
	(xrf0) =	vadd.scan.msk.s32 $0xffff, v10  }
0x104: {  	s1 =	sadd.s32 s1, s15;
	s16 =	spop (v2sf);
	v10 =	vmov s8  }
0x105: {  	s9 =	sadd.s32 s9, s16;
	v10 =	vadd.s32 $0xFFFFFFFF, v10;
	v11 =	vmov s1  }
0x106: {  	v10 =	vbroadcast v10, $0x0;
	v11 =	vadd.s32 $0xFFFFFFFF, v11;
	v56 =	vmov s9  }
0x107: {  	v57, _, _ =	vpop (xrf0);
	v11 =	vbroadcast v11, $0x0;
	v12 =	vadd.s32 $0xFFFFFFFF, v56  }
0x108: {  	v10 =	vadd.s32 v57, v10;
	(v2sf) =	vpush v57, $0xF;
	v58, _, _ =	vpop (xrf0);
	v12 =	vbroadcast v12, $0x0  }
0x109: {  	v10 =	vnsel vm6, $0x0, v10;
	v11 =	vadd.s32 v58, v11;
	(v2sf) =	vpush v58, $0xF;
	v59, _, _ =	vpop (xrf0)  }
0x10a: {  	v11 =	vnsel vm7, $0x0, v11;
	v12 =	vadd.s32 v59, v12;
	(v2sf) =	vpush v59, $0xF  }
0x10b: {  	v10 =	vadd.s32 v11, v10;
	v11 =	vnsel vm14, $0x0, v12  }
0x10c: {  	v10 =	vadd.s32 v11, v10  }
0x10d: {  	[tilespmem:$0x20E0] =	vst v10  }
0x10e: {  	[tilespmem:$0x22A0] =	vst v10  }
0x10f: {  	v10 =	vld [tilespmem:s7+$0xF0];
	_ =	sdelay $0x4  }
0x110: {  	vm6 =	veq.s32 v10, $0x0  }
0x111: {  	vm7 =	veq.s32 v10, $0x1;
	v11 =	vsel vm6, $0x1, v0  }
0x112: {  	vm15 =	veq.s32 v10, $0x2;
	(xrf0) =	vadd.scan.msk.s32 $0xffff, v11;
	v11 =	vsel vm7, $0x1, v0  }
0x113: {  	v10 =	vsel vm15, $0x1, v0;
	(xrf0) =	vadd.scan.msk.s32 $0xffff, v11;
	s17 =	spop (v2sf)  }
0x114: {  	(xrf0) =	vadd.scan.msk.s32 $0xffff, v10;
	s15 =	spop (v2sf)  }
0x115: {  	s8 =	sadd.s32 s8, s17;
	s1 =	sadd.s32 s1, s15;
	s18 =	spop (v2sf)  }
0x116: {  	v10 =	vmov s8;
	s9 =	sadd.s32 s9, s18;
	v11 =	vmov s1  }
0x117: {  	v10 =	vadd.s32 $0xFFFFFFFF, v10;
	v60 =	vmov s9;
	v11 =	vadd.s32 $0xFFFFFFFF, v11  }
0x118: {  	v61, _, _ =	vpop (xrf0);
	v10 =	vbroadcast v10, $0x0;
	v11 =	vbroadcast v11, $0x0;
	v12 =	vadd.s32 $0xFFFFFFFF, v60  }
0x119: {  	v62, _, _ =	vpop (xrf0);
	v12 =	vbroadcast v12, $0x0  }
0x11a: {  	v10 =	vadd.s32 v61, v10;
	v63, _, _ =	vpop (xrf0);
	v11 =	vadd.s32 v62, v11  }
0x11b: {  	v10 =	vnsel vm6, $0x0, v10;
	v11 =	vnsel vm7, $0x0, v11;
	v12 =	vadd.s32 v63, v12  }
0x11c: {  	v10 =	vadd.s32 v11, v10;
	v11 =	vnsel vm15, $0x0, v12  }
0x11d: {  	v10 =	vadd.s32 v11, v10  }
0x11e: {  	[tilespmem:$0x20F0] =	vst v10  }
0x11f: {  	s19 =	simm.s32 $0x2000;
	s20 =	rddreg [dreg:$0x6];
	[tilespmem:$0x22B0] =	vst v10  }
0x120: {  	[hbm4b:s20+s4] =	stream.linear.scatter [tilespmem:s19], [sflag:$0x2], $0x100, $0x38;
	[tilespmem:$0x12380] =	vst v63  }
0x121: {  	_ =	swait.ge [sflag:s26], $0x100  }
0x122: {  	[sflag:s26] =	ssyncset.done $0x0  }
0x123: {  	s21 =	rddreg [dreg:$0xc];
	[sflag:s26] =	ssyncadd.s32 $0xFFFFFF00  }
0x124: {  	[tilespmem:s30], [sflag:$0x2] =	stream.linear.gather [hbm4b:s21+s4], $0x10000, $0x38;
	[tilespmem:$0x12380] =	vst v63  }
0x125: {  	_ =	swait.ge [sflag:s26], $0x10000  }
0x126: {  	[sflag:s26] =	ssyncset.done $0x0  }
0x127: {  	[sflag:s26] =	ssyncadd.s32 $0xFFFF0000  }
0x128: {  	v10 =	vld [tilespmem:$0x2100];
	_ =	sdelay $0x4  }
0x129: {  	v11 =	vshll.u32 v10, $0x3  }
0x12a: {  	v10 =	vand.u32 $0x7, v10;
	v11 =	vand.u32 $0xFFFFFFC0, v11  }
0x12b: {  	v10 =	vor.u32 v10, v11  }
0x12c: {  	v11 =	vperm.xlane v10, v7;
	_ =	sdelay $0x1  }
0x12d: {  	v11 =	vadd.s32 v8, v11;
	_ =	sdelay $0x4  }
0x12e: {  	[hbm4b:s5+s4] =	stream.indirect_vreg.scatter [tilespmem:s30], [sflag:$0x1], $0x80, v11, vm5, $0xb8;
	[tilespmem:$0x12380] =	vst v63  }
0x12f: {  	s0 =	simm.s32 $0x2B00;
	v10 =	vperm.xlane v10, v9  }
0x130: {  	[hbm4b:s11+s4] =	stream.indirect_vreg.scatter [tilespmem:s0], [sflag:$0x1], $0x80, v11, vm5, $0xb8;
	[tilespmem:$0x12380] =	vst v63  }
0x131: {  	s22 =	simm.s32 $0x3300;
	v10 =	vadd.s32 v8, v10  }
0x132: {  	[hbm4b:s12+s4] =	stream.indirect_vreg.scatter [tilespmem:s22], [sflag:$0x1], $0x80, v11, vm5, $0xb8;
	[tilespmem:$0x12380] =	vst v63  }
0x133: {  	s23 =	simm.s32 $0x3B00  }
0x134: {  	[hbm4b:s13+s4] =	stream.indirect_vreg.scatter [tilespmem:s23], [sflag:$0x1], $0x80, v11, vm5, $0xb8;
	[tilespmem:$0x12380] =	vst v63  }
0x135: {  	s24 =	simm.s32 $0x4300  }
0x136: {  	[hbm4b:s5+s4] =	stream.indirect_vreg.scatter [tilespmem:s24], [sflag:$0x1], $0x80, v10, vm5, $0xb8;
	[tilespmem:$0x12380] =	vst v63  }
0x137: {  	s25 =	simm.s32 $0x4B00  }
0x138: {  	[hbm4b:s11+s4] =	stream.indirect_vreg.scatter [tilespmem:s25], [sflag:$0x1], $0x80, v10, vm5, $0xb8;
	[tilespmem:$0x12380] =	vst v63  }
0x139: {  	s26 =	simm.s32 $0x5300  }
0x13a: {  	[hbm4b:s12+s4] =	stream.indirect_vreg.scatter [tilespmem:s26], [sflag:$0x1], $0x80, v10, vm5, $0xb8;
	[tilespmem:$0x12380] =	vst v63  }
0x13b: {  	s28 =	simm.s32 $0x5B00  }
0x13c: {  	[hbm4b:s13+s4] =	stream.indirect_vreg.scatter [tilespmem:s28], [sflag:$0x1], $0x80, v10, vm5, $0xb8;
	[tilespmem:$0x12380] =	vst v63  }
0x13d: {  	v10 =	vld [tilespmem:$0x2110];
	_ =	sdelay $0x4  }
0x13e: {  	v11 =	vshll.u32 v10, $0x3  }
0x13f: {  	v10 =	vand.u32 $0x7, v10;
	v11 =	vand.u32 $0xFFFFFFC0, v11  }
0x140: {  	v10 =	vor.u32 v10, v11  }
0x141: {  	v11 =	vperm.xlane v10, v7;
	_ =	sdelay $0x1  }
0x142: {  	v11 =	vadd.s32 v8, v11;
	_ =	sdelay $0x3  }
0x143: {  	s31 =	simm.s32 $0x6300  }
0x144: {  	[hbm4b:s5+s4] =	stream.indirect_vreg.scatter [tilespmem:s31], [sflag:$0x1], $0x80, v11, vm5, $0xb8;
	[tilespmem:$0x12380] =	vst v63  }
0x145: {  	s1 =	simm.s32 $0x6B00;
	v10 =	vperm.xlane v10, v9  }
0x146: {  	[hbm4b:s11+s4] =	stream.indirect_vreg.scatter [tilespmem:s1], [sflag:$0x1], $0x80, v11, vm5, $0xb8;
	[tilespmem:$0x12380] =	vst v63  }
0x147: {  	s3 =	simm.s32 $0x7300;
	v10 =	vadd.s32 v8, v10  }
0x148: {  	[hbm4b:s12+s4] =	stream.indirect_vreg.scatter [tilespmem:s3], [sflag:$0x1], $0x80, v11, vm5, $0xb8;
	[tilespmem:$0x12380] =	vst v63  }
0x149: {  	s8 =	simm.s32 $0x7B00  }
0x14a: {  	[hbm4b:s13+s4] =	stream.indirect_vreg.scatter [tilespmem:s8], [sflag:$0x1], $0x80, v11, vm5, $0xb8;
	[tilespmem:$0x12380] =	vst v63  }
0x14b: {  	s9 =	simm.s32 $0x8300  }
0x14c: {  	[hbm4b:s5+s4] =	stream.indirect_vreg.scatter [tilespmem:s9], [sflag:$0x1], $0x80, v10, vm5, $0xb8;
	[tilespmem:$0x12380] =	vst v63  }
0x14d: {  	s10 =	simm.s32 $0x8B00  }
0x14e: {  	[hbm4b:s11+s4] =	stream.indirect_vreg.scatter [tilespmem:s10], [sflag:$0x1], $0x80, v10, vm5, $0xb8;
	[tilespmem:$0x12380] =	vst v63  }
0x14f: {  	s18 =	simm.s32 $0x9300  }
0x150: {  	[hbm4b:s12+s4] =	stream.indirect_vreg.scatter [tilespmem:s18], [sflag:$0x1], $0x80, v10, vm5, $0xb8;
	[tilespmem:$0x12380] =	vst v63  }
0x151: {  	s24 =	simm.s32 $0x9B00  }
0x152: {  	[hbm4b:s13+s4] =	stream.indirect_vreg.scatter [tilespmem:s24], [sflag:$0x1], $0x80, v10, vm5, $0xb8;
	[tilespmem:$0x12380] =	vst v63  }
0x153: {  	v10 =	vld [tilespmem:$0x2120];
	_ =	sdelay $0x4  }
0x154: {  	v11 =	vshll.u32 v10, $0x3  }
0x155: {  	v10 =	vand.u32 $0x7, v10;
	v11 =	vand.u32 $0xFFFFFFC0, v11  }
0x156: {  	v10 =	vor.u32 v10, v11  }
0x157: {  	v11 =	vperm.xlane v10, v7;
	_ =	sdelay $0x1  }
0x158: {  	v11 =	vadd.s32 v8, v11;
	_ =	sdelay $0x3  }
0x159: {  	s25 =	simm.s32 $0xA300  }
0x15a: {  	[hbm4b:s5+s4] =	stream.indirect_vreg.scatter [tilespmem:s25], [sflag:$0x1], $0x80, v11, vm5, $0xb8;
	[tilespmem:$0x12380] =	vst v63  }
0x15b: {  	s26 =	simm.s32 $0xAB00;
	v10 =	vperm.xlane v10, v9  }
0x15c: {  	[hbm4b:s11+s4] =	stream.indirect_vreg.scatter [tilespmem:s26], [sflag:$0x1], $0x80, v11, vm5, $0xb8;
	[tilespmem:$0x12380] =	vst v63  }
0x15d: {  	s1 =	simm.s32 $0xB300;
	v10 =	vadd.s32 v8, v10  }
0x15e: {  	[hbm4b:s12+s4] =	stream.indirect_vreg.scatter [tilespmem:s1], [sflag:$0x1], $0x80, v11, vm5, $0xb8;
	[tilespmem:$0x12380] =	vst v63  }
0x15f: {  	s3 =	simm.s32 $0xBB00  }
0x160: {  	[hbm4b:s13+s4] =	stream.indirect_vreg.scatter [tilespmem:s3], [sflag:$0x1], $0x80, v11, vm5, $0xb8;
	[tilespmem:$0x12380] =	vst v63  }
0x161: {  	s8 =	simm.s32 $0xC300  }
0x162: {  	[hbm4b:s5+s4] =	stream.indirect_vreg.scatter [tilespmem:s8], [sflag:$0x1], $0x80, v10, vm5, $0xb8;
	[tilespmem:$0x12380] =	vst v63  }
0x163: {  	s24 =	simm.s32 $0xCB00  }
0x164: {  	[hbm4b:s11+s4] =	stream.indirect_vreg.scatter [tilespmem:s24], [sflag:$0x1], $0x80, v10, vm5, $0xb8;
	[tilespmem:$0x12380] =	vst v63  }
0x165: {  	s26 =	simm.s32 $0xD300  }
0x166: {  	[hbm4b:s12+s4] =	stream.indirect_vreg.scatter [tilespmem:s26], [sflag:$0x1], $0x80, v10, vm5, $0xb8;
	[tilespmem:$0x12380] =	vst v63  }
0x167: {  	s1 =	simm.s32 $0xDB00  }
0x168: {  	[hbm4b:s13+s4] =	stream.indirect_vreg.scatter [tilespmem:s1], [sflag:$0x1], $0x80, v10, vm5, $0xb8;
	[tilespmem:$0x12380] =	vst v63  }
0x169: {  	v10 =	vld [tilespmem:$0x2130];
	_ =	sdelay $0x4  }
0x16a: {  	v11 =	vshll.u32 v10, $0x3  }
0x16b: {  	v10 =	vand.u32 $0x7, v10;
	v11 =	vand.u32 $0xFFFFFFC0, v11  }
0x16c: {  	v10 =	vor.u32 v10, v11  }
0x16d: {  	v11 =	vperm.xlane v10, v7;
	_ =	sdelay $0x1  }
0x16e: {  	v11 =	vadd.s32 v8, v11;
	_ =	sdelay $0x3  }
0x16f: {  	s3 =	simm.s32 $0xE300  }
0x170: {  	[hbm4b:s5+s4] =	stream.indirect_vreg.scatter [tilespmem:s3], [sflag:$0x1], $0x80, v11, vm5, $0xb8;
	[tilespmem:$0x12380] =	vst v63  }
0x171: {  	s8 =	simm.s32 $0xEB00;
	v10 =	vperm.xlane v10, v9  }
0x172: {  	[hbm4b:s11+s4] =	stream.indirect_vreg.scatter [tilespmem:s8], [sflag:$0x1], $0x80, v11, vm5, $0xb8;
	[tilespmem:$0x12380] =	vst v63  }
0x173: {  	s26 =	simm.s32 $0xF300;
	v10 =	vadd.s32 v8, v10  }
0x174: {  	[hbm4b:s12+s4] =	stream.indirect_vreg.scatter [tilespmem:s26], [sflag:$0x1], $0x80, v11, vm5, $0xb8;
	[tilespmem:$0x12380] =	vst v63  }
0x175: {  	s26 =	simm.s32 $0xFB00  }
0x176: {  	[hbm4b:s13+s4] =	stream.indirect_vreg.scatter [tilespmem:s26], [sflag:$0x1], $0x80, v11, vm5, $0xb8;
	[tilespmem:$0x12380] =	vst v63  }
0x177: {  	s26 =	simm.s32 $0x10300  }
0x178: {  	[hbm4b:s5+s4] =	stream.indirect_vreg.scatter [tilespmem:s26], [sflag:$0x1], $0x80, v10, vm5, $0xb8;
	[tilespmem:$0x12380] =	vst v63  }
0x179: {  	s26 =	simm.s32 $0x10B00  }
0x17a: {  	[hbm4b:s11+s4] =	stream.indirect_vreg.scatter [tilespmem:s26], [sflag:$0x1], $0x80, v10, vm5, $0xb8;
	[tilespmem:$0x12380] =	vst v63  }
0x17b: {  	s26 =	simm.s32 $0x11300  }
0x17c: {  	[hbm4b:s12+s4] =	stream.indirect_vreg.scatter [tilespmem:s26], [sflag:$0x1], $0x80, v10, vm5, $0xb8;
	[tilespmem:$0x12380] =	vst v63  }
0x17d: {  	s26 =	simm.s32 $0x11B00  }
0x17e: {  	[hbm4b:s13+s4] =	stream.indirect_vreg.scatter [tilespmem:s26], [sflag:$0x1], $0x80, v10, vm5, $0xb8;
	[tilespmem:$0x12380] =	vst v63  }
0x17f: {  	_ =	swait.ge [sflag:s2], $0x10000  }
0x180: {  	[sflag:s2] =	ssyncset.done $0x0  }
0x181: {  	s0 =	simm.s32 $0x2;
	s26 =	rddreg [dreg:$0x7];
	[sflag:s2] =	ssyncadd.s32 $0xFFFF0000  }
0x182: {  	[tilespmem:s30], [sflag:$0x2] =	stream.linear.gather [hbm4b:s26+s4], $0x10000, $0x38;
	[tilespmem:$0x12380] =	vst v63  }
0x183: {  	_ =	swait.ge [sflag:s0], $0x10000  }
0x184: {  	[sflag:s0] =	ssyncset.done $0x0  }
0x185: {  	[sflag:s0] =	ssyncadd.s32 $0xFFFF0000  }
0x186: {  	v10 =	vld [tilespmem:$0x2180];
	_ =	sdelay $0x4  }
0x187: {  	v11 =	vshll.u32 v10, $0x3  }
0x188: {  	v10 =	vand.u32 $0x7, v10;
	v11 =	vand.u32 $0xFFFFFFC0, v11  }
0x189: {  	v10 =	vor.u32 v10, v11  }
0x18a: {  	v11 =	vperm.xlane v10, v7;
	_ =	sdelay $0x1  }
0x18b: {  	v11 =	vadd.s32 v8, v11;
	_ =	sdelay $0x4  }
0x18c: {  	[hbm4b:s5+s4] =	stream.indirect_vreg.scatter [tilespmem:s30], [sflag:$0x1], $0x80, v11, vm5, $0xb8;
	[tilespmem:$0x12380] =	vst v63  }
0x18d: {  	s14 =	simm.s32 $0x2B00;
	v10 =	vperm.xlane v10, v9  }
0x18e: {  	[hbm4b:s11+s4] =	stream.indirect_vreg.scatter [tilespmem:s14], [sflag:$0x1], $0x80, v11, vm5, $0xb8;
	[tilespmem:$0x12380] =	vst v63  }
0x18f: {  	s29 =	simm.s32 $0x3300;
	v10 =	vadd.s32 v8, v10  }
0x190: {  	[hbm4b:s12+s4] =	stream.indirect_vreg.scatter [tilespmem:s29], [sflag:$0x1], $0x80, v11, vm5, $0xb8;
	[tilespmem:$0x12380] =	vst v63  }
0x191: {  	s19 =	simm.s32 $0x3B00  }
0x192: {  	[hbm4b:s13+s4] =	stream.indirect_vreg.scatter [tilespmem:s19], [sflag:$0x1], $0x80, v11, vm5, $0xb8;
	[tilespmem:$0x12380] =	vst v63  }
0x193: {  	s20 =	simm.s32 $0x4300  }
0x194: {  	[hbm4b:s5+s4] =	stream.indirect_vreg.scatter [tilespmem:s20], [sflag:$0x1], $0x80, v10, vm5, $0xb8;
	[tilespmem:$0x12380] =	vst v63  }
0x195: {  	s21 =	simm.s32 $0x4B00  }
0x196: {  	[hbm4b:s11+s4] =	stream.indirect_vreg.scatter [tilespmem:s21], [sflag:$0x1], $0x80, v10, vm5, $0xb8;
	[tilespmem:$0x12380] =	vst v63  }
0x197: {  	s22 =	simm.s32 $0x5300  }
0x198: {  	[hbm4b:s12+s4] =	stream.indirect_vreg.scatter [tilespmem:s22], [sflag:$0x1], $0x80, v10, vm5, $0xb8;
	[tilespmem:$0x12380] =	vst v63  }
0x199: {  	s15 =	simm.s32 $0x5B00  }
0x19a: {  	[hbm4b:s13+s4] =	stream.indirect_vreg.scatter [tilespmem:s15], [sflag:$0x1], $0x80, v10, vm5, $0xb8;
	[tilespmem:$0x12380] =	vst v63  }
0x19b: {  	v10 =	vld [tilespmem:$0x2190];
	_ =	sdelay $0x4  }
0x19c: {  	v11 =	vshll.u32 v10, $0x3  }
0x19d: {  	v10 =	vand.u32 $0x7, v10;
	v11 =	vand.u32 $0xFFFFFFC0, v11  }
0x19e: {  	v10 =	vor.u32 v10, v11  }
0x19f: {  	v11 =	vperm.xlane v10, v7;
	_ =	sdelay $0x1  }
0x1a0: {  	v11 =	vadd.s32 v8, v11;
	_ =	sdelay $0x3  }
0x1a1: {  	s16 =	simm.s32 $0x6300  }
0x1a2: {  	[hbm4b:s5+s4] =	stream.indirect_vreg.scatter [tilespmem:s16], [sflag:$0x1], $0x80, v11, vm5, $0xb8;
	[tilespmem:$0x12380] =	vst v63  }
0x1a3: {  	s17 =	simm.s32 $0x6B00;
	v10 =	vperm.xlane v10, v9  }
0x1a4: {  	[hbm4b:s11+s4] =	stream.indirect_vreg.scatter [tilespmem:s17], [sflag:$0x1], $0x80, v11, vm5, $0xb8;
	[tilespmem:$0x12380] =	vst v63  }
0x1a5: {  	s23 =	simm.s32 $0x7300;
	v10 =	vadd.s32 v8, v10  }
0x1a6: {  	[hbm4b:s12+s4] =	stream.indirect_vreg.scatter [tilespmem:s23], [sflag:$0x1], $0x80, v11, vm5, $0xb8;
	[tilespmem:$0x12380] =	vst v63  }
0x1a7: {  	s28 =	simm.s32 $0x7B00  }
0x1a8: {  	[hbm4b:s13+s4] =	stream.indirect_vreg.scatter [tilespmem:s28], [sflag:$0x1], $0x80, v11, vm5, $0xb8;
	[tilespmem:$0x12380] =	vst v63  }
0x1a9: {  	s31 =	simm.s32 $0x8300  }
0x1aa: {  	[hbm4b:s5+s4] =	stream.indirect_vreg.scatter [tilespmem:s31], [sflag:$0x1], $0x80, v10, vm5, $0xb8;
	[tilespmem:$0x12380] =	vst v63  }
0x1ab: {  	s16 =	simm.s32 $0x8B00  }
0x1ac: {  	[hbm4b:s11+s4] =	stream.indirect_vreg.scatter [tilespmem:s16], [sflag:$0x1], $0x80, v10, vm5, $0xb8;
	[tilespmem:$0x12380] =	vst v63  }
0x1ad: {  	s17 =	simm.s32 $0x9300  }
0x1ae: {  	[hbm4b:s12+s4] =	stream.indirect_vreg.scatter [tilespmem:s17], [sflag:$0x1], $0x80, v10, vm5, $0xb8;
	[tilespmem:$0x12380] =	vst v63  }
0x1af: {  	s10 =	simm.s32 $0x9B00  }
0x1b0: {  	[hbm4b:s13+s4] =	stream.indirect_vreg.scatter [tilespmem:s10], [sflag:$0x1], $0x80, v10, vm5, $0xb8;
	[tilespmem:$0x12380] =	vst v63  }
0x1b1: {  	v10 =	vld [tilespmem:$0x21A0];
	_ =	sdelay $0x4  }
0x1b2: {  	v11 =	vshll.u32 v10, $0x3  }
0x1b3: {  	v10 =	vand.u32 $0x7, v10;
	v11 =	vand.u32 $0xFFFFFFC0, v11  }
0x1b4: {  	v10 =	vor.u32 v10, v11  }
0x1b5: {  	v11 =	vperm.xlane v10, v7;
	_ =	sdelay $0x1  }
0x1b6: {  	v11 =	vadd.s32 v8, v11;
	_ =	sdelay $0x3  }
0x1b7: {  	s9 =	simm.s32 $0xA300  }
0x1b8: {  	[hbm4b:s5+s4] =	stream.indirect_vreg.scatter [tilespmem:s9], [sflag:$0x1], $0x80, v11, vm5, $0xb8;
	[tilespmem:$0x12380] =	vst v63  }
0x1b9: {  	s18 =	simm.s32 $0xAB00;
	v10 =	vperm.xlane v10, v9  }
0x1ba: {  	[hbm4b:s11+s4] =	stream.indirect_vreg.scatter [tilespmem:s18], [sflag:$0x1], $0x80, v11, vm5, $0xb8;
	[tilespmem:$0x12380] =	vst v63  }
0x1bb: {  	v10 =	vadd.s32 v8, v10;
	s18 =	simm.s32 $0xB300  }
0x1bc: {  	[hbm4b:s12+s4] =	stream.indirect_vreg.scatter [tilespmem:s18], [sflag:$0x1], $0x80, v11, vm5, $0xb8;
	[tilespmem:$0x12380] =	vst v63  }
0x1bd: {  	s26 =	simm.s32 $0xBB00  }
0x1be: {  	[hbm4b:s13+s4] =	stream.indirect_vreg.scatter [tilespmem:s26], [sflag:$0x1], $0x80, v11, vm5, $0xb8;
	[tilespmem:$0x12380] =	vst v63  }
0x1bf: {  	s25 =	simm.s32 $0xC300  }
0x1c0: {  	[hbm4b:s5+s4] =	stream.indirect_vreg.scatter [tilespmem:s25], [sflag:$0x1], $0x80, v10, vm5, $0xb8;
	[tilespmem:$0x12380] =	vst v63  }
0x1c1: {  	s24 =	simm.s32 $0xCB00  }
0x1c2: {  	[hbm4b:s11+s4] =	stream.indirect_vreg.scatter [tilespmem:s24], [sflag:$0x1], $0x80, v10, vm5, $0xb8;
	[tilespmem:$0x12380] =	vst v63  }
0x1c3: {  	s28 =	simm.s32 $0xD300  }
0x1c4: {  	[hbm4b:s12+s4] =	stream.indirect_vreg.scatter [tilespmem:s28], [sflag:$0x1], $0x80, v10, vm5, $0xb8;
	[tilespmem:$0x12380] =	vst v63  }
0x1c5: {  	s1 =	simm.s32 $0xDB00  }
0x1c6: {  	[hbm4b:s13+s4] =	stream.indirect_vreg.scatter [tilespmem:s1], [sflag:$0x1], $0x80, v10, vm5, $0xb8;
	[tilespmem:$0x12380] =	vst v63  }
0x1c7: {  	v10 =	vld [tilespmem:$0x21B0];
	_ =	sdelay $0x4  }
0x1c8: {  	v11 =	vshll.u32 v10, $0x3  }
0x1c9: {  	v10 =	vand.u32 $0x7, v10;
	v11 =	vand.u32 $0xFFFFFFC0, v11  }
0x1ca: {  	v10 =	vor.u32 v10, v11  }
0x1cb: {  	v11 =	vperm.xlane v10, v7;
	_ =	sdelay $0x1  }
0x1cc: {  	v11 =	vadd.s32 v8, v11;
	_ =	sdelay $0x3  }
0x1cd: {  	s3 =	simm.s32 $0xE300  }
0x1ce: {  	[hbm4b:s5+s4] =	stream.indirect_vreg.scatter [tilespmem:s3], [sflag:$0x1], $0x80, v11, vm5, $0xb8;
	[tilespmem:$0x12380] =	vst v63  }
0x1cf: {  	s8 =	simm.s32 $0xEB00;
	v10 =	vperm.xlane v10, v9  }
0x1d0: {  	[hbm4b:s11+s4] =	stream.indirect_vreg.scatter [tilespmem:s8], [sflag:$0x1], $0x80, v11, vm5, $0xb8;
	[tilespmem:$0x12380] =	vst v63  }
0x1d1: {  	s9 =	simm.s32 $0xF300;
	v10 =	vadd.s32 v8, v10  }
0x1d2: {  	[hbm4b:s12+s4] =	stream.indirect_vreg.scatter [tilespmem:s9], [sflag:$0x1], $0x80, v11, vm5, $0xb8;
	[tilespmem:$0x12380] =	vst v63  }
0x1d3: {  	s10 =	simm.s32 $0xFB00  }
0x1d4: {  	[hbm4b:s13+s4] =	stream.indirect_vreg.scatter [tilespmem:s10], [sflag:$0x1], $0x80, v11, vm5, $0xb8;
	[tilespmem:$0x12380] =	vst v63  }
0x1d5: {  	s15 =	simm.s32 $0x10300  }
0x1d6: {  	[hbm4b:s5+s4] =	stream.indirect_vreg.scatter [tilespmem:s15], [sflag:$0x1], $0x80, v10, vm5, $0xb8;
	[tilespmem:$0x12380] =	vst v63  }
0x1d7: {  	s16 =	simm.s32 $0x10B00  }
0x1d8: {  	[hbm4b:s11+s4] =	stream.indirect_vreg.scatter [tilespmem:s16], [sflag:$0x1], $0x80, v10, vm5, $0xb8;
	[tilespmem:$0x12380] =	vst v63  }
0x1d9: {  	s17 =	simm.s32 $0x11300  }
0x1da: {  	[hbm4b:s12+s4] =	stream.indirect_vreg.scatter [tilespmem:s17], [sflag:$0x1], $0x80, v10, vm5, $0xb8;
	[tilespmem:$0x12380] =	vst v63  }
0x1db: {  	s26 =	simm.s32 $0x11B00  }
0x1dc: {  	[hbm4b:s13+s4] =	stream.indirect_vreg.scatter [tilespmem:s26], [sflag:$0x1], $0x80, v10, vm5, $0xb8;
	[tilespmem:$0x12380] =	vst v63  }
0x1dd: {  	_ =	swait.ge [sflag:s2], $0x10000  }
0x1de: {  	[sflag:s2] =	ssyncset.done $0x0  }
0x1df: {  	s1 =	rddreg [dreg:$0x9];
	[sflag:s2] =	ssyncadd.s32 $0xFFFF0000  }
0x1e0: {  	[tilespmem:s30], [sflag:$0x2] =	stream.linear.gather [hbm4b:s1+s4], $0x10000, $0x38;
	[tilespmem:$0x12380] =	vst v63  }
0x1e1: {  	_ =	swait.ge [sflag:s0], $0x10000  }
0x1e2: {  	[sflag:s0] =	ssyncset.done $0x0  }
0x1e3: {  	[sflag:s0] =	ssyncadd.s32 $0xFFFF0000  }
0x1e4: {  	v10 =	vld [tilespmem:$0x2200];
	_ =	sdelay $0x4  }
0x1e5: {  	v11 =	vshll.u32 v10, $0x3  }
0x1e6: {  	v10 =	vand.u32 $0x7, v10;
	v11 =	vand.u32 $0xFFFFFFC0, v11  }
0x1e7: {  	v10 =	vor.u32 v10, v11  }
0x1e8: {  	v11 =	vperm.xlane v10, v7;
	_ =	sdelay $0x1  }
0x1e9: {  	v11 =	vadd.s32 v8, v11;
	_ =	sdelay $0x4  }
0x1ea: {  	[hbm4b:s5+s4] =	stream.indirect_vreg.scatter [tilespmem:s30], [sflag:$0x1], $0x80, v11, vm5, $0xb8;
	[tilespmem:$0x12380] =	vst v63  }
0x1eb: {  	s17 =	simm.s32 $0x2B00;
	v10 =	vperm.xlane v10, v9  }
0x1ec: {  	[hbm4b:s11+s4] =	stream.indirect_vreg.scatter [tilespmem:s17], [sflag:$0x1], $0x80, v11, vm5, $0xb8;
	[tilespmem:$0x12380] =	vst v63  }
0x1ed: {  	s14 =	simm.s32 $0x3300;
	v10 =	vadd.s32 v8, v10  }
0x1ee: {  	[hbm4b:s12+s4] =	stream.indirect_vreg.scatter [tilespmem:s14], [sflag:$0x1], $0x80, v11, vm5, $0xb8;
	[tilespmem:$0x12380] =	vst v63  }
0x1ef: {  	s19 =	simm.s32 $0x3B00  }
0x1f0: {  	[hbm4b:s13+s4] =	stream.indirect_vreg.scatter [tilespmem:s19], [sflag:$0x1], $0x80, v11, vm5, $0xb8;
	[tilespmem:$0x12380] =	vst v63  }
0x1f1: {  	s20 =	simm.s32 $0x4300  }
0x1f2: {  	[hbm4b:s5+s4] =	stream.indirect_vreg.scatter [tilespmem:s20], [sflag:$0x1], $0x80, v10, vm5, $0xb8;
	[tilespmem:$0x12380] =	vst v63  }
0x1f3: {  	s21 =	simm.s32 $0x4B00  }
0x1f4: {  	[hbm4b:s11+s4] =	stream.indirect_vreg.scatter [tilespmem:s21], [sflag:$0x1], $0x80, v10, vm5, $0xb8;
	[tilespmem:$0x12380] =	vst v63  }
0x1f5: {  	s22 =	simm.s32 $0x5300  }
0x1f6: {  	[hbm4b:s12+s4] =	stream.indirect_vreg.scatter [tilespmem:s22], [sflag:$0x1], $0x80, v10, vm5, $0xb8;
	[tilespmem:$0x12380] =	vst v63  }
0x1f7: {  	s19 =	simm.s32 $0x5B00  }
0x1f8: {  	[hbm4b:s13+s4] =	stream.indirect_vreg.scatter [tilespmem:s19], [sflag:$0x1], $0x80, v10, vm5, $0xb8;
	[tilespmem:$0x12380] =	vst v63  }
0x1f9: {  	v10 =	vld [tilespmem:$0x2210];
	_ =	sdelay $0x4  }
0x1fa: {  	v11 =	vshll.u32 v10, $0x3  }
0x1fb: {  	v10 =	vand.u32 $0x7, v10;
	v11 =	vand.u32 $0xFFFFFFC0, v11  }
0x1fc: {  	v10 =	vor.u32 v10, v11  }
0x1fd: {  	v11 =	vperm.xlane v10, v7;
	_ =	sdelay $0x1  }
0x1fe: {  	v11 =	vadd.s32 v8, v11;
	_ =	sdelay $0x3  }
0x1ff: {  	s26 =	simm.s32 $0x6300  }
0x200: {  	[hbm4b:s5+s4] =	stream.indirect_vreg.scatter [tilespmem:s26], [sflag:$0x1], $0x80, v11, vm5, $0xb8;
	[tilespmem:$0x12380] =	vst v63  }
0x201: {  	s14 =	simm.s32 $0x6B00;
	v10 =	vperm.xlane v10, v9  }
0x202: {  	[hbm4b:s11+s4] =	stream.indirect_vreg.scatter [tilespmem:s14], [sflag:$0x1], $0x80, v11, vm5, $0xb8;
	[tilespmem:$0x12380] =	vst v63  }
0x203: {  	s23 =	simm.s32 $0x7300;
	v10 =	vadd.s32 v8, v10  }
0x204: {  	[hbm4b:s12+s4] =	stream.indirect_vreg.scatter [tilespmem:s23], [sflag:$0x1], $0x80, v11, vm5, $0xb8;
	[tilespmem:$0x12380] =	vst v63  }
0x205: {  	s29 =	simm.s32 $0x7B00  }
0x206: {  	[hbm4b:s13+s4] =	stream.indirect_vreg.scatter [tilespmem:s29], [sflag:$0x1], $0x80, v11, vm5, $0xb8;
	[tilespmem:$0x12380] =	vst v63  }
0x207: {  	s31 =	simm.s32 $0x8300  }
0x208: {  	[hbm4b:s5+s4] =	stream.indirect_vreg.scatter [tilespmem:s31], [sflag:$0x1], $0x80, v10, vm5, $0xb8;
	[tilespmem:$0x12380] =	vst v63  }
0x209: {  	s19 =	simm.s32 $0x8B00  }
0x20a: {  	[hbm4b:s11+s4] =	stream.indirect_vreg.scatter [tilespmem:s19], [sflag:$0x1], $0x80, v10, vm5, $0xb8;
	[tilespmem:$0x12380] =	vst v63  }
0x20b: {  	s26 =	simm.s32 $0x9300  }
0x20c: {  	[hbm4b:s12+s4] =	stream.indirect_vreg.scatter [tilespmem:s26], [sflag:$0x1], $0x80, v10, vm5, $0xb8;
	[tilespmem:$0x12380] =	vst v63  }
0x20d: {  	s14 =	simm.s32 $0x9B00  }
0x20e: {  	[hbm4b:s13+s4] =	stream.indirect_vreg.scatter [tilespmem:s14], [sflag:$0x1], $0x80, v10, vm5, $0xb8;
	[tilespmem:$0x12380] =	vst v63  }
0x20f: {  	v10 =	vld [tilespmem:$0x2220];
	_ =	sdelay $0x4  }
0x210: {  	v11 =	vshll.u32 v10, $0x3  }
0x211: {  	v10 =	vand.u32 $0x7, v10;
	v11 =	vand.u32 $0xFFFFFFC0, v11  }
0x212: {  	v10 =	vor.u32 v10, v11  }
0x213: {  	v11 =	vperm.xlane v10, v7;
	_ =	sdelay $0x1  }
0x214: {  	v11 =	vadd.s32 v8, v11;
	_ =	sdelay $0x3  }
0x215: {  	s19 =	simm.s32 $0xA300  }
0x216: {  	[hbm4b:s5+s4] =	stream.indirect_vreg.scatter [tilespmem:s19], [sflag:$0x1], $0x80, v11, vm5, $0xb8;
	[tilespmem:$0x12380] =	vst v63  }
0x217: {  	s26 =	simm.s32 $0xAB00;
	v10 =	vperm.xlane v10, v9  }
0x218: {  	[hbm4b:s11+s4] =	stream.indirect_vreg.scatter [tilespmem:s26], [sflag:$0x1], $0x80, v11, vm5, $0xb8;
	[tilespmem:$0x12380] =	vst v63  }
0x219: {  	s0 =	simm.s32 $0xB300;
	v10 =	vadd.s32 v8, v10  }
0x21a: {  	[hbm4b:s12+s4] =	stream.indirect_vreg.scatter [tilespmem:s0], [sflag:$0x1], $0x80, v11, vm5, $0xb8;
	[tilespmem:$0x12380] =	vst v63  }
0x21b: {  	s18 =	simm.s32 $0xBB00  }
0x21c: {  	[hbm4b:s13+s4] =	stream.indirect_vreg.scatter [tilespmem:s18], [sflag:$0x1], $0x80, v11, vm5, $0xb8;
	[tilespmem:$0x12380] =	vst v63  }
0x21d: {  	s25 =	simm.s32 $0xC300  }
0x21e: {  	[hbm4b:s5+s4] =	stream.indirect_vreg.scatter [tilespmem:s25], [sflag:$0x1], $0x80, v10, vm5, $0xb8;
	[tilespmem:$0x12380] =	vst v63  }
0x21f: {  	s24 =	simm.s32 $0xCB00  }
0x220: {  	[hbm4b:s11+s4] =	stream.indirect_vreg.scatter [tilespmem:s24], [sflag:$0x1], $0x80, v10, vm5, $0xb8;
	[tilespmem:$0x12380] =	vst v63  }
0x221: {  	s28 =	simm.s32 $0xD300  }
0x222: {  	[hbm4b:s12+s4] =	stream.indirect_vreg.scatter [tilespmem:s28], [sflag:$0x1], $0x80, v10, vm5, $0xb8;
	[tilespmem:$0x12380] =	vst v63  }
0x223: {  	s28 =	simm.s32 $0xDB00  }
0x224: {  	[hbm4b:s13+s4] =	stream.indirect_vreg.scatter [tilespmem:s28], [sflag:$0x1], $0x80, v10, vm5, $0xb8;
	[tilespmem:$0x12380] =	vst v63  }
0x225: {  	v10 =	vld [tilespmem:$0x2230];
	_ =	sdelay $0x4  }
0x226: {  	v11 =	vshll.u32 v10, $0x3  }
0x227: {  	v10 =	vand.u32 $0x7, v10;
	v11 =	vand.u32 $0xFFFFFFC0, v11  }
0x228: {  	v10 =	vor.u32 v10, v11  }
0x229: {  	v11 =	vperm.xlane v10, v7;
	_ =	sdelay $0x1  }
0x22a: {  	v11 =	vadd.s32 v8, v11;
	_ =	sdelay $0x3  }
0x22b: {  	s26 =	simm.s32 $0xE300  }
0x22c: {  	[hbm4b:s5+s4] =	stream.indirect_vreg.scatter [tilespmem:s26], [sflag:$0x1], $0x80, v11, vm5, $0xb8;
	[tilespmem:$0x12380] =	vst v63  }
0x22d: {  	v10 =	vperm.xlane v10, v9;
	s26 =	simm.s32 $0xEB00  }
0x22e: {  	[hbm4b:s11+s4] =	stream.indirect_vreg.scatter [tilespmem:s26], [sflag:$0x1], $0x80, v11, vm5, $0xb8;
	[tilespmem:$0x12380] =	vst v63  }
0x22f: {  	s8 =	simm.s32 $0xF300;
	v10 =	vadd.s32 v8, v10  }
0x230: {  	[hbm4b:s12+s4] =	stream.indirect_vreg.scatter [tilespmem:s8], [sflag:$0x1], $0x80, v11, vm5, $0xb8;
	[tilespmem:$0x12380] =	vst v63  }
0x231: {  	s9 =	simm.s32 $0xFB00  }
0x232: {  	[hbm4b:s13+s4] =	stream.indirect_vreg.scatter [tilespmem:s9], [sflag:$0x1], $0x80, v11, vm5, $0xb8;
	[tilespmem:$0x12380] =	vst v63  }
0x233: {  	s10 =	simm.s32 $0x10300  }
0x234: {  	[hbm4b:s5+s4] =	stream.indirect_vreg.scatter [tilespmem:s10], [sflag:$0x1], $0x80, v10, vm5, $0xb8;
	[tilespmem:$0x12380] =	vst v63  }
0x235: {  	s15 =	simm.s32 $0x10B00  }
0x236: {  	[hbm4b:s11+s4] =	stream.indirect_vreg.scatter [tilespmem:s15], [sflag:$0x1], $0x80, v10, vm5, $0xb8;
	[tilespmem:$0x12380] =	vst v63  }
0x237: {  	s3 =	simm.s32 $0x11300  }
0x238: {  	[hbm4b:s12+s4] =	stream.indirect_vreg.scatter [tilespmem:s3], [sflag:$0x1], $0x80, v10, vm5, $0xb8;
	[tilespmem:$0x12380] =	vst v63  }
0x239: {  	s16 =	simm.s32 $0x11B00  }
0x23a: {  	[hbm4b:s13+s4] =	stream.indirect_vreg.scatter [tilespmem:s16], [sflag:$0x1], $0x80, v10, vm5, $0xb8;
	[tilespmem:$0x12380] =	vst v63  }
0x23b: {  	_ =	swait.ge [sflag:s2], $0x10000  }
0x23c: {  	[sflag:s2] =	ssyncset.done $0x0  }
0x23d: {  	s26 =	simm.s32 $0x2;
	s16 =	rddreg [dreg:$0x8];
	[sflag:s2] =	ssyncadd.s32 $0xFFFF0000  }
0x23e: {  	[tilespmem:s30], [sflag:$0x2] =	stream.linear.gather [hbm4b:s16+s4], $0x10000, $0x38;
	[tilespmem:$0x12380] =	vst v63  }
0x23f: {  	_ =	swait.ge [sflag:s26], $0x10000  }
0x240: {  	[sflag:s26] =	ssyncset.done $0x0  }
0x241: {  	[sflag:s26] =	ssyncadd.s32 $0xFFFF0000  }
0x242: {  	v10 =	vld [tilespmem:$0x2280];
	_ =	sdelay $0x4  }
0x243: {  	v11 =	vshll.u32 v10, $0x3  }
0x244: {  	v10 =	vand.u32 $0x7, v10;
	v11 =	vand.u32 $0xFFFFFFC0, v11  }
0x245: {  	v10 =	vor.u32 v10, v11  }
0x246: {  	v11 =	vperm.xlane v10, v7;
	_ =	sdelay $0x1  }
0x247: {  	v11 =	vadd.s32 v8, v11;
	_ =	sdelay $0x4  }
0x248: {  	[hbm4b:s5+s4] =	stream.indirect_vreg.scatter [tilespmem:s30], [sflag:$0x1], $0x80, v11, vm5, $0xb8;
	[tilespmem:$0x12380] =	vst v63  }
0x249: {  	s16 =	simm.s32 $0x2B00;
	v10 =	vperm.xlane v10, v9  }
0x24a: {  	[hbm4b:s11+s4] =	stream.indirect_vreg.scatter [tilespmem:s16], [sflag:$0x1], $0x80, v11, vm5, $0xb8;
	[tilespmem:$0x12380] =	vst v63  }
0x24b: {  	s1 =	simm.s32 $0x3300;
	v10 =	vadd.s32 v8, v10  }
0x24c: {  	[hbm4b:s12+s4] =	stream.indirect_vreg.scatter [tilespmem:s1], [sflag:$0x1], $0x80, v11, vm5, $0xb8;
	[tilespmem:$0x12380] =	vst v63  }
0x24d: {  	s17 =	simm.s32 $0x3B00  }
0x24e: {  	[hbm4b:s13+s4] =	stream.indirect_vreg.scatter [tilespmem:s17], [sflag:$0x1], $0x80, v11, vm5, $0xb8;
	[tilespmem:$0x12380] =	vst v63  }
0x24f: {  	s20 =	simm.s32 $0x4300  }
0x250: {  	[hbm4b:s5+s4] =	stream.indirect_vreg.scatter [tilespmem:s20], [sflag:$0x1], $0x80, v10, vm5, $0xb8;
	[tilespmem:$0x12380] =	vst v63  }
0x251: {  	s21 =	simm.s32 $0x4B00  }
0x252: {  	[hbm4b:s11+s4] =	stream.indirect_vreg.scatter [tilespmem:s21], [sflag:$0x1], $0x80, v10, vm5, $0xb8;
	[tilespmem:$0x12380] =	vst v63  }
0x253: {  	s22 =	simm.s32 $0x5300  }
0x254: {  	[hbm4b:s12+s4] =	stream.indirect_vreg.scatter [tilespmem:s22], [sflag:$0x1], $0x80, v10, vm5, $0xb8;
	[tilespmem:$0x12380] =	vst v63  }
0x255: {  	s21 =	simm.s32 $0x5B00  }
0x256: {  	[hbm4b:s13+s4] =	stream.indirect_vreg.scatter [tilespmem:s21], [sflag:$0x1], $0x80, v10, vm5, $0xb8;
	[tilespmem:$0x12380] =	vst v63  }
0x257: {  	v10 =	vld [tilespmem:$0x2290];
	_ =	sdelay $0x4  }
0x258: {  	v11 =	vshll.u32 v10, $0x3  }
0x259: {  	v10 =	vand.u32 $0x7, v10;
	v11 =	vand.u32 $0xFFFFFFC0, v11  }
0x25a: {  	v10 =	vor.u32 v10, v11  }
0x25b: {  	v11 =	vperm.xlane v10, v7;
	_ =	sdelay $0x1  }
0x25c: {  	v11 =	vadd.s32 v8, v11;
	_ =	sdelay $0x3  }
0x25d: {  	s22 =	simm.s32 $0x6300  }
0x25e: {  	[hbm4b:s5+s4] =	stream.indirect_vreg.scatter [tilespmem:s22], [sflag:$0x1], $0x80, v11, vm5, $0xb8;
	[tilespmem:$0x12380] =	vst v63  }
0x25f: {  	s16 =	simm.s32 $0x6B00;
	v10 =	vperm.xlane v10, v9  }
0x260: {  	[hbm4b:s11+s4] =	stream.indirect_vreg.scatter [tilespmem:s16], [sflag:$0x1], $0x80, v11, vm5, $0xb8;
	[tilespmem:$0x12380] =	vst v63  }
0x261: {  	s23 =	simm.s32 $0x7300;
	v10 =	vadd.s32 v8, v10  }
0x262: {  	[hbm4b:s12+s4] =	stream.indirect_vreg.scatter [tilespmem:s23], [sflag:$0x1], $0x80, v11, vm5, $0xb8;
	[tilespmem:$0x12380] =	vst v63  }
0x263: {  	s29 =	simm.s32 $0x7B00  }
0x264: {  	[hbm4b:s13+s4] =	stream.indirect_vreg.scatter [tilespmem:s29], [sflag:$0x1], $0x80, v11, vm5, $0xb8;
	[tilespmem:$0x12380] =	vst v63  }
0x265: {  	s31 =	simm.s32 $0x8300  }
0x266: {  	[hbm4b:s5+s4] =	stream.indirect_vreg.scatter [tilespmem:s31], [sflag:$0x1], $0x80, v10, vm5, $0xb8;
	[tilespmem:$0x12380] =	vst v63  }
0x267: {  	s17 =	simm.s32 $0x8B00  }
0x268: {  	[hbm4b:s11+s4] =	stream.indirect_vreg.scatter [tilespmem:s17], [sflag:$0x1], $0x80, v10, vm5, $0xb8;
	[tilespmem:$0x12380] =	vst v63  }
0x269: {  	s20 =	simm.s32 $0x9300  }
0x26a: {  	[hbm4b:s12+s4] =	stream.indirect_vreg.scatter [tilespmem:s20], [sflag:$0x1], $0x80, v10, vm5, $0xb8;
	[tilespmem:$0x12380] =	vst v63  }
0x26b: {  	s21 =	simm.s32 $0x9B00  }
0x26c: {  	[hbm4b:s13+s4] =	stream.indirect_vreg.scatter [tilespmem:s21], [sflag:$0x1], $0x80, v10, vm5, $0xb8;
	[tilespmem:$0x12380] =	vst v63  }
0x26d: {  	v10 =	vld [tilespmem:$0x22A0];
	_ =	sdelay $0x4  }
0x26e: {  	v11 =	vshll.u32 v10, $0x3  }
0x26f: {  	v10 =	vand.u32 $0x7, v10;
	v11 =	vand.u32 $0xFFFFFFC0, v11  }
0x270: {  	v10 =	vor.u32 v10, v11  }
0x271: {  	v11 =	vperm.xlane v10, v7;
	_ =	sdelay $0x1  }
0x272: {  	v11 =	vadd.s32 v8, v11;
	_ =	sdelay $0x3  }
0x273: {  	s22 =	simm.s32 $0xA300  }
0x274: {  	[hbm4b:s5+s4] =	stream.indirect_vreg.scatter [tilespmem:s22], [sflag:$0x1], $0x80, v11, vm5, $0xb8;
	[tilespmem:$0x12380] =	vst v63  }
0x275: {  	s23 =	simm.s32 $0xAB00;
	v10 =	vperm.xlane v10, v9  }
0x276: {  	[hbm4b:s11+s4] =	stream.indirect_vreg.scatter [tilespmem:s23], [sflag:$0x1], $0x80, v11, vm5, $0xb8;
	[tilespmem:$0x12380] =	vst v63  }
0x277: {  	v10 =	vadd.s32 v8, v10  }
0x278: {  	[hbm4b:s12+s4] =	stream.indirect_vreg.scatter [tilespmem:s0], [sflag:$0x1], $0x80, v11, vm5, $0xb8;
	[tilespmem:$0x12380] =	vst v63  }
0x279: {  	s19 =	simm.s32 $0xBB00  }
0x27a: {  	[hbm4b:s13+s4] =	stream.indirect_vreg.scatter [tilespmem:s19], [sflag:$0x1], $0x80, v11, vm5, $0xb8;
	[tilespmem:$0x12380] =	vst v63  }
0x27b: {  	s25 =	simm.s32 $0xC300  }
0x27c: {  	[hbm4b:s5+s4] =	stream.indirect_vreg.scatter [tilespmem:s25], [sflag:$0x1], $0x80, v10, vm5, $0xb8;
	[tilespmem:$0x12380] =	vst v63  }
0x27d: {  	s18 =	simm.s32 $0xCB00  }
0x27e: {  	[hbm4b:s11+s4] =	stream.indirect_vreg.scatter [tilespmem:s18], [sflag:$0x1], $0x80, v10, vm5, $0xb8;
	[tilespmem:$0x12380] =	vst v63  }
0x27f: {  	s24 =	simm.s32 $0xD300  }
0x280: {  	[hbm4b:s12+s4] =	stream.indirect_vreg.scatter [tilespmem:s24], [sflag:$0x1], $0x80, v10, vm5, $0xb8;
	[tilespmem:$0x12380] =	vst v63  }
0x281: {  	s28 =	simm.s32 $0xDB00  }
0x282: {  	[hbm4b:s13+s4] =	stream.indirect_vreg.scatter [tilespmem:s28], [sflag:$0x1], $0x80, v10, vm5, $0xb8;
	[tilespmem:$0x12380] =	vst v63  }
0x283: {  	v10 =	vld [tilespmem:$0x22B0];
	_ =	sdelay $0x4  }
0x284: {  	v11 =	vshll.u32 v10, $0x3  }
0x285: {  	v10 =	vand.u32 $0x7, v10;
	v11 =	vand.u32 $0xFFFFFFC0, v11  }
0x286: {  	v10 =	vor.u32 v10, v11  }
0x287: {  	v11 =	vperm.xlane v10, v7;
	_ =	sdelay $0x1  }
0x288: {  	v11 =	vadd.s32 v8, v11;
	_ =	sdelay $0x3  }
0x289: {  	s25 =	simm.s32 $0xE300  }
0x28a: {  	[hbm4b:s5+s4] =	stream.indirect_vreg.scatter [tilespmem:s25], [sflag:$0x1], $0x80, v11, vm5, $0xb8;
	[tilespmem:$0x12380] =	vst v63  }
0x28b: {  	s28 =	simm.s32 $0xEB00;
	v10 =	vperm.xlane v10, v9  }
0x28c: {  	[hbm4b:s11+s4] =	stream.indirect_vreg.scatter [tilespmem:s28], [sflag:$0x1], $0x80, v11, vm5, $0xb8;
	[tilespmem:$0x12380] =	vst v63  }
0x28d: {  	s8 =	simm.s32 $0xF300;
	v10 =	vadd.s32 v8, v10  }
0x28e: {  	[hbm4b:s12+s4] =	stream.indirect_vreg.scatter [tilespmem:s8], [sflag:$0x1], $0x80, v11, vm5, $0xb8;
	[tilespmem:$0x12380] =	vst v63  }
0x28f: {  	s9 =	simm.s32 $0xFB00  }
0x290: {  	[hbm4b:s13+s4] =	stream.indirect_vreg.scatter [tilespmem:s9], [sflag:$0x1], $0x80, v11, vm5, $0xb8;
	[tilespmem:$0x12380] =	vst v63  }
0x291: {  	s10 =	simm.s32 $0x10300  }
0x292: {  	[hbm4b:s5+s4] =	stream.indirect_vreg.scatter [tilespmem:s10], [sflag:$0x1], $0x80, v10, vm5, $0xb8;
	[tilespmem:$0x12380] =	vst v63  }
0x293: {  	s15 =	simm.s32 $0x10B00  }
0x294: {  	[hbm4b:s11+s4] =	stream.indirect_vreg.scatter [tilespmem:s15], [sflag:$0x1], $0x80, v10, vm5, $0xb8;
	[tilespmem:$0x12380] =	vst v63  }
0x295: {  	s14 =	simm.s32 $0x11300  }
0x296: {  	[hbm4b:s12+s4] =	stream.indirect_vreg.scatter [tilespmem:s14], [sflag:$0x1], $0x80, v10, vm5, $0xb8;
	[tilespmem:$0x12380] =	vst v63  }
0x297: {  	s3 =	simm.s32 $0x11B00  }
0x298: {  	[hbm4b:s13+s4] =	stream.indirect_vreg.scatter [tilespmem:s3], [sflag:$0x1], $0x80, v10, vm5, $0xb8;
	[tilespmem:$0x12380] =	vst v63  }
0x299: {  	_ =	swait.ge [sflag:s2], $0x10000  }
0x29a: {  	s29 =	rddreg [dreg:$0xd]  }
0x29b: {  	s31 =	rddreg [dreg:$0xa];
	s0 =	sadd.s32 $0x1, s29  }
0x29c: {  	p1 =	sne.s32 s0, s31  }
.Ltmp1:
0x29d: {  	_ = 	snop;
	(pc) =	sbr.rel @!p1 .LBB2_6-.Ltmp1, $3  }
0x29e: {  	_ =	sdelay $0x1  }
0x29f: {  	[sflag:s2] =	ssyncset.done $0x0  }
0x2a0: {  	[sflag:s2] =	ssyncadd.s32 $0xFFFF0000  }
.LBB2_1:
0x2a1: {  	s1 =	rddreg [dreg:$0x0]  }
0x2a2: {  	[tilespmem:s4], [sflag:$0x2] =	stream.linear.gather [hbm4b:s1+s4], $0x2000, $0x38;
	[tilespmem:$0x12380] =	vst v63  }
0x2a3: {  	_ =	swait.ge [sflag:s26], $0x2000  }
0x2a4: {  	[sflag:s26] =	ssyncset.done $0x0  }
0x2a5: {  	[sflag:s26] =	ssyncadd.s32 $0xFFFFE000  }
0x2a6: {  	v10 =	vld [tilespmem:s4+$0x0];
	_ =	sdelay $0x4  }
0x2a7: {  	s29 =	simm.s32 $0x10;
	vm6 =	veq.s32 v10, $0x0  }
0x2a8: {  	v13 =	vld [tilespmem:s29+$0x0];
	vm7 =	veq.s32 v10, $0x1;
	v11 =	vsel vm6, $0x1, v0  }
0x2a9: {  	v12 =	vsel vm7, $0x1, v0;
	vm6 =	veq.s32 v10, $0x2;
	(xrf0) =	vadd.scan.msk.s32 $0xffff, v11  }
0x2aa: {  	v10 =	vsel vm6, $0x1, v0;
	(xrf0) =	vadd.scan.msk.s32 $0xffff, v12  }
0x2ab: {  	s31 =	simm.s32 $0x20;
	(xrf0) =	vadd.scan.msk.s32 $0xffff, v10  }
0x2ac: {  	v12 =	vld [tilespmem:s31+$0x0]  }
0x2ad: {  	vm6 =	veq.s32 v13, $0x0  }
0x2ae: {  	vm7 =	veq.s32 v13, $0x1;
	v10 =	vsel vm6, $0x1, v0  }
0x2af: {  	vm6 =	veq.s32 v13, $0x2;
	v13 =	vsel vm7, $0x1, v0;
	v11, _, _ =	vpop (xrf0);
	(xrf0) =	vadd.scan.msk.s32 $0xffff, v10  }
0x2b0: {  	v10 =	vsel vm6, $0x1, v0;
	v14, _, _ =	vpop (xrf0);
	(xrf0) =	vadd.scan.msk.s32 $0xffff, v13  }
0x2b1: {  	s21 =	simm.s32 $0x1;
	s9 =	simm.s32 $0x3;
	vm6 =	veq.s32 v12, $0x0;
	v13 =	vbroadcast v11, $0xF;
	v14 =	vbroadcast v14, $0xF;
	v11, _, _ =	vpop (xrf0);
	(xrf0) =	vadd.scan.msk.s32 $0xffff, v10  }
0x2b2: {  	s14 =	simm.s32 $0x30;
	s20 =	simm.s32 $0x0;
	s1 =	simm.s32 $0x2;
	v10 =	vimm.s32 $0x0;
	v15 =	vbroadcast v11, $0xF;
	v11 =	vimm.s32 $0x0  }
.LBB2_2:
0x2b3: {  	v16 =	vld [tilespmem:s14+$0x0];
	vm7 =	veq.s32 v12, $0x1;
	v13 =	vnsel vm0, $0x0, v13;
	v14 =	vnsel vm1, $0x0, v14;
	s15 =	smov.u32 s9;
	p2 =	slt.u32 s20, s6;
	p1 =	sne.s32 s9, $0x1FF  }
.Ltmp2:
0x2b4: {  	v17 =	vsel vm6, $0x1, v0;
	s20 =	smov.u32 s21;
	s21 =	simm.s32 $0x1;
	v13 =	vadd.s32 v14, v13;
	v14 =	vnsel vm2, $0x0, v15;
	(pc) =	sbr.rel @p1 .LBB2_2-.Ltmp2, $4  }
0x2b5: {  	s9 =	sadd.s32 $0x1, s9;
	vm6 =	veq.s32 v12, $0x2;
	v18 =	vsel vm7, $0x1, v0;
	s21 =	simm.s32 @!p2 $0x0;
	(xrf0) =	vadd.scan.msk.s32 $0xffff, v17;
	v12, _, _ =	vpop (xrf0);
	v13 =	vadd.s32 v14, v13  }
0x2b6: {  	v14 =	vsel vm6, $0x1, v0;
	(xrf0) =	vadd.scan.msk.s32 $0xffff, v18;
	v15, _, _ =	vpop (xrf0);
	v17 =	vmul.u32 s21, v13;
	v11 =	vadd.s32 v11, v13;
	s21 =	smov.u32 s1;
	s1 =	smov.u32 s15  }
0x2b7: {  	v13 =	vbroadcast v12, $0xF;
	(xrf0) =	vadd.scan.msk.s32 $0xffff, v14;
	v14 =	vbroadcast v15, $0xF;
	v12, _, _ =	vpop (xrf0)  }
0x2b8: {  	s14 =	sadd.s32 $0x10, s14;
	vm6 =	veq.s32 v16, $0x0;
	v15 =	vbroadcast v12, $0xF;
	v10 =	vadd.s32 v10, v17;
	v12 =	vmovc v16  }
0x2b9: {  	vm7 =	veq.s32 v12, $0x1;
	v16 =	vsel vm6, $0x1, v0;
	vm6 =	veq.s32 v12, $0x2  }
0x2ba: {  	v17 =	vsel vm7, $0x1, v0;
	(xrf0) =	vadd.scan.msk.s32 $0xffff, v16;
	v12 =	vsel vm6, $0x1, v0  }
0x2bb: {  	(xrf0) =	vadd.scan.msk.s32 $0xffff, v17  }
0x2bc: {  	(xrf0) =	vadd.scan.msk.s32 $0xffff, v12  }
0x2bd: {  	v12, _, _ =	vpop (xrf0)  }
0x2be: {  	v58, _, _ =	vpop (xrf0)  }
0x2bf: {  	v13 =	vnsel vm0, $0x0, v13;
	v14 =	vnsel vm1, $0x0, v14;
	v12 =	vbroadcast v12, $0xF;
	v59, _, _ =	vpop (xrf0)  }
0x2c0: {  	v13 =	vadd.s32 v14, v13;
	v14 =	vnsel vm2, $0x0, v15;
	v15 =	vbroadcast v58, $0xF;
	v60, _, _ =	vpop (xrf0)  }
0x2c1: {  	v14 =	vadd.s32 v14, v13;
	v13 =	vbroadcast v59, $0xF;
	v12 =	vnsel vm0, $0x0, v12;
	v61, _, _ =	vpop (xrf0)  }
0x2c2: {  	v15 =	vnsel vm1, $0x0, v15;
	v16 =	vbroadcast v60, $0xF;
	v17 =	vbroadcast v61, $0xF;
	v18, _, _ =	vpop (xrf0)  }
0x2c3: {  	v12 =	vadd.s32 v15, v12;
	v13 =	vnsel vm2, $0x0, v13;
	v15 =	vbroadcast v18, $0xF  }
0x2c4: {  	v12 =	vadd.s32 v13, v12;
	v13 =	vnsel vm0, $0x0, v16;
	v62 =	vnsel vm1, $0x0, v17  }
0x2c5: {  	v11 =	vadd.s32 v11, v14;
	v13 =	vadd.s32 v62, v13;
	v15 =	vnsel vm2, $0x0, v15  }
0x2c6: {  	v11 =	vadd.s32 v11, v12;
	v15 =	vadd.s32 v15, v13  }
0x2c7: {  	v11 =	vadd.s32 v11, v15  }
0x2c8: {  	v11 =	vadd.s32 $0xFF, v11  }
0x2c9: {  	v13 =	vshra.s32 v11, $0x1F;
	v63 =	vand.u32 $0xFF, v11  }
0x2ca: {  	vm6 =	vlt.s32 v11, $0x1;
	v13 =	vshrl.u32 v13, $0x18;
	vm7 =	vne.s32 v63, $0x0  }
0x2cb: {  	v11 =	vadd.s32 v13, v11;
	vm6 =	vmand vm6, vm7  }
0x2cc: {  	v11 =	vshrl.u32 v11, $0x8;
	v13 =	vsel vm6, $0xFFFFFFFF, v0  }
0x2cd: {  	v11 =	vadd.s32 v13, v11  }
0x2ce: {  	p1 =	slt.u32 s20, s6;
	s9 =	simm.s32 $0x1;
	v13 =	vshll.u32 v11, $0x8  }
0x2cf: {  	s14 =	simm.s32 $0x1;
	s9 =	simm.s32 @!p1 $0x0;
	p1 =	slt.u32 s21, s6;
	(xrf0) =	vadd.scan.msk.s32 $0xffff, v13  }
0x2d0: {  	s14 =	simm.s32 @!p1 $0x0  }
0x2d1: {  	v12 =	vmul.u32 s14, v12  }
0x2d2: {  	p1 =	slt.u32 s1, s6;
	s1 =	simm.s32 $0x1;
	v11 =	vmul.u32 s9, v14  }
0x2d3: {  	s1 =	simm.s32 @!p1 $0x0  }
0x2d4: {  	v10 =	vadd.s32 v10, v11;
	v11 =	vmul.u32 s1, v15  }
0x2d5: {  	v10 =	vadd.s32 v10, v12;
	v12, _, _ =	vpop (xrf0)  }
0x2d6: {  	v10 =	vadd.s32 v10, v11;
	v14 =	vsub.s32 v12, v13  }
0x2d7: {  	v10 =	vadd.s32 v10, v14  }
0x2d8: {  	v11 =	vnsel vm0, $0x0, v10  }
0x2d9: {  	(xrf0) =	vadd.scan.msk.s32 $0xffff, v11;
	v11 =	vsel vm3, $0x0, v10  }
0x2da: {  	v10 =	vsel vm4, $0x0, v10;
	(xrf0) =	vadd.scan.msk.s32 $0xffff, v11  }
0x2db: {  	(xrf0) =	vadd.scan.msk.s32 $0xffff, v10;
	_ =	sdelay $0x3  }
0x2dc: {  	v11, _, _ =	vpop (xrf0)  }
0x2dd: {  	(v2sf) =	vpush v11, $0xF;
	v12, _, _ =	vpop (xrf0)  }
0x2de: {  	(v2sf) =	vpush v12, $0xF;
	v10, _, _ =	vpop (xrf0)  }
0x2df: {  	(v2sf) =	vpush v10, $0xF;
	_ =	sdelay $0xa  }
.Ltmp3:
0x2e0: {  	_ = 	snop;
	(pc) =	sbr.rel @p0 .LBB2_5-.Ltmp3, $4  }
0x2e1: {  	_ = 	snop  }
0x2e2: {  	s21 =	spop (v2sf)  }
0x2e3: {  	s1 =	spop (v2sf)  }
0x2e4: {  	[dreg:$0xd] =	wrdreg s0;
	s20 =	spop (v2sf)  }
0x2e5: {  	v15 =	vsel vm3, $0x0, v14  }
0x2e6: {  	(xrf0) =	vadd.scan.msk.s32 $0xffff, v15  }
0x2e7: {  	v14 =	vsel vm4, $0x0, v14  }
0x2e8: {  	(xrf0) =	vadd.scan.msk.s32 $0xffff, v14;
	v14 =	vsel vm3, $0x0, v13  }
0x2e9: {  	(xrf0) =	vadd.scan.msk.s32 $0xffff, v14;
	_ =	sdelay $0x2  }
0x2ea: {  	v13 =	vsel vm4, $0x0, v13;
	v14, _, _ =	vpop (xrf0)  }
0x2eb: {  	(v2sf) =	vpush v14, $0xF  }
0x2ec: {  	v14, _, _ =	vpop (xrf0)  }
0x2ed: {  	(xrf0) =	vadd.scan.msk.s32 $0xffff, v13;
	(v2sf) =	vpush v14, $0xF;
	v13, _, _ =	vpop (xrf0)  }
0x2ee: {  	(v2sf) =	vpush v13, $0xF;
	_ =	sdelay $0x5  }
0x2ef: {  	v13, _, _ =	vpop (xrf0)  }
0x2f0: {  	(v2sf) =	vpush v13, $0xF;
	_ =	sdelay $0x4  }
0x2f1: {  	s9 =	spop (v2sf)  }
0x2f2: {  	s14 =	sand.u32 $0xFF, s9;
	s15 =	sshra.s32 s9, $0x1F  }
0x2f3: {  	p1 =	slt.s32 s9, $0x1;
	s18 =	spop (v2sf);
	p2 =	sne.s32 s14, $0x0  }
0x2f4: {  	s15 =	sshrl.u32 s15, $0x18;
	s16 =	spop (v2sf);
	s19 =	sshra.s32 s18, $0x1F  }
0x2f5: {  	s17 =	sand.u32 $0xFF, s18;
	p1 =	por !p1, !p2;
	s9 =	sadd.s32 s15, s9  }
0x2f6: {  	s15 =	simm.s32 $0x1;
	p2 =	slt.s32 s18, $0x1;
	p3 =	sne.s32 s17, $0x0  }
0x2f7: {  	s22 =	sand.u32 $0xFF, s16;
	p4 =	slt.s32 s16, $0x1;
	s24 =	sshra.s32 s16, $0x1F  }
0x2f8: {  	p1 =	por !p1, !p1;
	s9 =	sshra.s32 s9, $0x8;
	s17 =	sshrl.u32 s24, $0x18  }
0x2f9: {  	s15 =	simm.s32 @!p1 $0x0;
	p1 =	por !p2, !p3;
	p3 =	sne.s32 s22, $0x0  }
0x2fa: {  	s16 =	sadd.s32 s17, s16;
	s9 =	ssub.s32 s9, s15;
	s15 =	sshrl.u32 s19, $0x18  }
0x2fb: {  	s23 =	spop (v2sf);
	p2 =	por !p4, !p3;
	p1 =	por !p1, !p1  }
0x2fc: {  	s16 =	sshra.s32 s16, $0x8;
	s14 =	sadd.s32 s15, s18;
	s8 =	sand.u32 $0xFF, s23  }
0x2fd: {  	p2 =	por !p2, !p2;
	p6 =	slt.s32 s23, $0x1;
	s25 =	sshra.s32 s23, $0x1F  }
0x2fe: {  	p5 =	sne.s32 s8, $0x0;
	s8 =	simm.s32 $0x1;
	s14 =	sshra.s32 s14, $0x8  }
0x2ff: {  	s17 =	sshrl.u32 s25, $0x18;
	s8 =	simm.s32 @!p2 $0x0;
	p2 =	por !p6, !p5  }
0x300: {  	s15 =	sadd.s32 s17, s23;
	s17 =	simm.s32 $0x1;
	s8 =	ssub.s32 s16, s8  }
0x301: {  	s16 =	simm.s32 $0x1;
	p2 =	por !p2, !p2;
	s15 =	sshra.s32 s15, $0x8  }
0x302: {  	v13 =	vmov s9;
	s16 =	simm.s32 @!p1 $0x0;
	s17 =	simm.s32 @!p2 $0x0;
	s8 =	sadd.s32 s9, s8  }
0x303: {  	vm6 =	vlt.s32 v13, v2;
	s14 =	ssub.s32 s14, s16;
	s15 =	ssub.s32 s15, s17;
	v14 =	vmov s8  }
0x304: {  	vm12 =	vlt.s32 v13, v3;
	s28 =	sadd.s32 s14, s15;
	vm7 =	vgt.s32 v14, v1;
	v15 =	vmov s14  }
0x305: {  	vm9 =	vgt.s32 v14, v4;
	v16 =	vmov s28;
	vm6 =	vmand vm6, vm7  }
0x306: {  	vm7 =	vlt.s32 v15, v2;
	vm13 =	vlt.s32 v15, v3;
	vm14 =	vlt.s32 v15, v5  }
0x307: {  	vm8 =	vgt.s32 v16, v1;
	vm10 =	vgt.s32 v16, v4;
	v17 =	vsel vm6, $0x1, v0  }
0x308: {  	vm6 =	vlt.s32 v13, v5;
	vm15 =	vgt.s32 v16, v6;
	vm7 =	vmand vm7, vm8  }
0x309: {  	vm8 =	vmand vm12, vm9;
	vm9 =	vmand vm13, vm10;
	v18 =	vsel vm7, $0x2, v0  }
0x30a: {  	v13 =	vsel vm8, $0x1, v0;
	vm7 =	vgt.s32 v14, v6;
	v14 =	vsel vm9, $0x2, v0  }
0x30b: {  	vm6 =	vmand vm6, vm7;
	vm7 =	vmand vm14, vm15;
	v15 =	vor.u32 v17, v18  }
0x30c: {  	v13 =	vor.u32 v13, v14;
	[tilespmem:$0x12300] =	vst v15;
	v14 =	vsel vm6, $0x1, v0;
	v15 =	vsel vm7, $0x2, v0  }
0x30d: {  	[tilespmem:$0x12310] =	vst v13;
	v13 =	vor.u32 v14, v15  }
.Ltmp4:
0x30e: {  	s29 =	rddreg [dreg:$0x3];
	s31 =	simm.s32 $0x12300;
	[tilespmem:$0x12320] =	vst v13;
	(pc) =	sbr.rel .LBB2_5-.Ltmp4, $4  }
0x30f: {  	[hbm4b:s29+s4] =	stream.linear.scatter [tilespmem:s31], [sflag:$0x2], $0x80, $0x38;
	[tilespmem:$0x12380] =	vst v63  }
0x310: {  	_ =	swait.ge [sflag:s26], $0x80  }
0x311: {  	[sflag:s26] =	ssyncset.done $0x0  }
0x312: {  	[sflag:s26] =	ssyncadd.s32 $0xFFFFFF80  }
.LBB2_6:
0x313: {  	_ =	sfence.sel $0x180000  }
0x314: {  	[bflag:$0x0] =	sbarrier.arrive $0xFFFF  }
0x315: {  	_ =	strace $0x90000047  }
0x316: {  	s0 =	stileid.u32;
	[bflag:$0x2] =	sbarrier.arrive $0xFFFF  }
0x317: {  	p0 =	sne.s32 s0, $0x0;
	s0 =	rddreg [dreg:$0x5]  }
0x318: {  	s0 =	sadd.s32 @!p0 $0x100000, s0  }
0x319: {  	[sflag:s0] =	ssyncadd.tile.s32 @!p0 $0x1;
	_ =	shalt  }
.Lfunc_end2:
_tile_overlayer_lowered:
.L_overlay_start_2:
0x31a: {  	(tag) =	ssettag $0x2  }
0x31b: {  	s0 =	rddreg [dreg:$0x0];
	s2 =	stileid.u32  }
0x31c: {  	s1 =	rddreg [dreg:$0x1];
	p0 =	sne.s32 s2, $0x0  }
0x31d: {  	s3 =	rddreg [dreg:$0x2];
	[bflag:$0x3] =	sbarrier.arrive $0xFFFF;
	s2 =	simm.s32 @!p0 $0x1C02  }
0x31e: {  	[timem:s3], [sflag:s2] =	dma.local @!p0 [hbm:s0], s1  }
0x31f: {  	s0 =	simm.s32 @!p0 $0x2  }
0x320: {  	_ =	swait.ge @!p0 [sflag:s0], s1  }
0x321: {  	s1 =	ssub.s32 @!p0 $0x0, s1;
	[sflag:s0] =	ssyncset.done @!p0 $0x0  }
0x322: {  	[sflag:s0] =	ssyncadd.s32 @!p0 s1  }
0x323: {  	[bflag:$0x3] =	sbarrier.arrive $0xFFFF  }
0x324: {  	_ =	shalt  }

// kernel: kernel.8.cloned.1.call-start
scs
__scs_entry_jumppad:
0x0: {  	(pc) =	sbr.rel $0x88, $3  }
0x1: {  	(tag) =	ssettag $0x0;
	lr =	simm.s32 $0x1  }
0x2: {  	[smem:$0x3F99] =	sst lr;
	_ =	strace $0xD0000000  }
0x3: {  	_ = 	snop  }
0x4: {  	_ = 	snop  }
0x5: {  	_ = 	snop  }
0x6: {  	_ = 	snop  }
0x7: {  	_ = 	snop  }
__scs_overlays_trampoline_lowered:
0x8: {  	[smem:$0x3FA8] =	sst s0  }
0x9: {  	[smem:$0x3FA9] =	sst s1  }
0xa: {  	[smem:$0x3FAA] =	sst s2  }
0xb: {  	[smem:$0x3FAB] =	sst s3  }
0xc: {  	[smem:$0x3FAC] =	sst s4  }
0xd: {  	[smem:$0x3FAD] =	sst s5  }
0xe: {  	[smem:$0x3FAE] =	sst s6  }
0xf: {  	[smem:$0x3FAF] =	sst s7  }
0x10: {  	[smem:$0x3FB0] =	sst s8  }
0x11: {  	[smem:$0x3FB1] =	sst s9;
	s0 =	simm.s32 @!p0 $0x0  }
0x12: {  	s1 =	sld [smem:$0x3F97];
	s0 =	simm.s32 @p0 $0x1  }
0x13: {  	[smem:$0x3FB2] =	sst s0;
	s0 =	simm.s32 @!p1 $0x0  }
0x14: {  	s2 =	sld [smem:$0x3F96];
	s0 =	simm.s32 @p1 $0x1  }
0x15: {  	[smem:$0x3FB3] =	sst s0;
	s0 =	simm.s32 @!p2 $0x0  }
0x16: {  	s3 =	sld [smem:$0x3FDB];
	s0 =	simm.s32 @p2 $0x1  }
0x17: {  	s4 =	simm.s32 $0x1BF5;
	[smem:$0x3FB5] =	sst s0  }
0x18: {  	s0 =	sld [smem:$0x3F98];
	_ =	swait.ge [sflag:s4], $0x0  }
0x19: {  	s7 =	sld [smem:$0x3F99]  }
0x1a: {  	s8 =	sadd.s32 $0xFFFFE003, lr  }
0x1b: {  	s9 =	sadd.s32 $0xFFFFFEF7, lr;
	s5 =	simm.s32 $0xFFFFFFFF;
	p2 =	slt.u32 s8, $0xFFFFF086  }
0x1c: {  	p1 =	slt.u32 s9, $0xF7A;
	s5 =	simm.s32 @!p2 $0x0  }
0x1d: {  	s5 =	simm.s32 @p1 $0x1;
	p0 =	seq.s32 s7, s2  }
0x1e: {  	s7 =	smul.u32 @!p0 $0xF7A, s2;
	p2 =	seq.s32 @!p0 s5, $0x0  }
0x1f: {  	s9 =	smul.u32 $0xF7A, s1;
	s8 =	simm.s32 @!p0 $0x1BF5;
	p2 =	por !p2, p0  }
0x20: {  	[sflag:s8] =	ssyncset.s32 @!p0 $0xFFFFF086;
	s6 =	sadd.s32 @!p0 s3, s7;
	s7 =	simm.s32 @!p0 $0x108  }
0x21: {  	s3 =	sadd.s32 s3, s9;
	s6 =	sadd.s32 @!p0 $0x88, s6;
	s7 =	simm.s32 @p2 $0x1082  }
0x22: {  	[simem:s7], [sflag:s8] =	dma.local @!p0 [hbm:s6], $0xF7A  }
0x23: {  	s9 =	sor.u32 $0xD0000000, s2;
	s6 =	simm.s32 $0x108;
	_ =	swait.ge @!p0 [sflag:s8], $0x0  }
0x24: {  	s3 =	sadd.s32 $0x88, s3;
	s6 =	simm.s32 @!p1 $0x1082;
	[sflag:s4] =	ssyncset.s32 $0xFFFFF086  }
0x25: {  	[simem:s6], [sflag:s4] =	dma.local [hbm:s3], $0xF7A  }
0x26: {  	[smem:$0x3F99] =	sst s1;
	(tag) =	ssettag s2;
	_ =	strace s9  }
0x27: {  	s1 =	sld [smem:$0x3FA9]  }
0x28: {  	s2 =	sld [smem:$0x3FAA]  }
0x29: {  	s4 =	sld [smem:$0x3FAC]  }
0x2a: {  	p0 =	seq.s32 s5, $0x0;
	s5 =	sld [smem:$0x3FAD]  }
0x2b: {  	s6 =	sld [smem:$0x3FAE]  }
0x2c: {  	s7 =	sld [smem:$0x3FAF]  }
0x2d: {  	s3 =	simm.s32 $0x108;
	s8 =	sld [smem:$0x3FB0]  }
0x2e: {  	s3 =	simm.s32 @!p0 $0x1082;
	s9 =	sld [smem:$0x3FB1]  }
0x2f: {  	lr =	sadd.s32 s0, s3;
	s0 =	sld [smem:$0x3FA8]  }
0x30: {  	s3 =	sld [smem:$0x3FAB]  }
0x31: {  	[smem:$0x3FB4] =	sst s10  }
0x32: {  	s10 =	sld [smem:$0x3FB2];
	_ =	sdelay $0x3  }
0x33: {  	p0 =	seq.s32 s10, $0x1;
	s10 =	sld [smem:$0x3FB4];
	_ =	sdelay $0x3  }
0x34: {  	[smem:$0x3FB4] =	sst s10  }
0x35: {  	s10 =	sld [smem:$0x3FB3];
	_ =	sdelay $0x3  }
0x36: {  	p1 =	seq.s32 s10, $0x1;
	s10 =	sld [smem:$0x3FB4];
	_ =	sdelay $0x3  }
0x37: {  	[smem:$0x3FB4] =	sst s10  }
0x38: {  	s10 =	sld [smem:$0x3FB5]  }
0x39: {  	_ = 	snop;
	(pc) =	sbr.ind lr, $3  }
0x3a: {  	_ = 	snop  }
0x3b: {  	_ = 	snop  }
0x3c: {  	p2 =	seq.s32 s10, $0x1;
	s10 =	sld [smem:$0x3FB4]  }
0x3d: {  	_ =	shalt  }
0x3e: {  	_ =	shalt  }
0x3f: {  	_ =	shalt  }
0x40: {  	_ =	shalt  }
0x41: {  	_ =	shalt  }
0x42: {  	_ =	shalt  }
0x43: {  	_ =	shalt  }
0x44: {  	_ =	shalt  }
0x45: {  	_ =	shalt  }
0x46: {  	_ =	shalt  }
0x47: {  	_ =	shalt  }
0x48: {  	_ =	shalt  }
0x49: {  	_ =	shalt  }
0x4a: {  	_ =	shalt  }
0x4b: {  	_ =	shalt  }
0x4c: {  	_ =	shalt  }
0x4d: {  	_ =	shalt  }
0x4e: {  	_ =	shalt  }
0x4f: {  	_ =	shalt  }
0x50: {  	_ =	shalt  }
0x51: {  	_ =	shalt  }
0x52: {  	_ =	shalt  }
0x53: {  	_ =	shalt  }
0x54: {  	_ =	shalt  }
0x55: {  	_ =	shalt  }
0x56: {  	_ =	shalt  }
0x57: {  	_ =	shalt  }
0x58: {  	_ =	shalt  }
0x59: {  	_ =	shalt  }
0x5a: {  	_ =	shalt  }
0x5b: {  	_ =	shalt  }
0x5c: {  	_ =	shalt  }
0x5d: {  	_ =	shalt  }
0x5e: {  	_ =	shalt  }
0x5f: {  	_ =	shalt  }
0x60: {  	_ =	shalt  }
0x61: {  	_ =	shalt  }
0x62: {  	_ =	shalt  }
0x63: {  	_ =	shalt  }
0x64: {  	_ =	shalt  }
0x65: {  	_ =	shalt  }
0x66: {  	_ =	shalt  }
0x67: {  	_ =	shalt  }
0x68: {  	_ =	shalt  }
0x69: {  	_ =	shalt  }
0x6a: {  	_ =	shalt  }
0x6b: {  	_ =	shalt  }
0x6c: {  	_ =	shalt  }
0x6d: {  	_ =	shalt  }
0x6e: {  	_ =	shalt  }
0x6f: {  	_ =	shalt  }
0x70: {  	_ =	shalt  }
0x71: {  	_ =	shalt  }
0x72: {  	_ =	shalt  }
0x73: {  	_ =	shalt  }
0x74: {  	_ =	shalt  }
0x75: {  	_ =	shalt  }
0x76: {  	_ =	shalt  }
0x77: {  	_ =	shalt  }
0x78: {  	_ =	shalt  }
0x79: {  	_ =	shalt  }
0x7a: {  	_ =	shalt  }
0x7b: {  	_ =	shalt  }
0x7c: {  	_ =	shalt  }
0x7d: {  	_ =	shalt  }
0x7e: {  	_ =	shalt  }
0x7f: {  	_ =	shalt  }
0x80: {  	_ =	shalt  }
0x81: {  	_ =	shalt  }
0x82: {  	_ =	shalt  }
0x83: {  	_ =	shalt  }
0x84: {  	_ =	shalt  }
0x85: {  	_ =	shalt  }
0x86: {  	_ =	shalt  }
0x87: {  	_ =	shalt  }
.Lfunc_end0:
.L_simem_size_0:
called_computation.1_lowered:
.L_overlay_start_0:
0x88: {  	s2 =	sld [smem:$0x3FD9]  }
0x89: {  	s3 =	sld [smem:$0x3FFE];
	_ =	sdelay $0x1  }
0x8a: {  	s1 =	srdreg.scid  }
0x8b: {  	s0 =	sand.u32 $0x1, s1  }
0x8c: {  	s14 =	sshll.u32 s0, $0xA;
	s2 =	sadd.s32 s3, s2  }
0x8d: {  	s2 =	sadd.s32 s2, s14  }
0x8e: {  	[smem:$0x3FC0] =	sst s2  }
0x8f: {  	_ = 	snop  }
0x90: {  	s2 =	sld [smem:$0x3FD0];
	_ =	sdelay $0x2  }
0x91: {  	s15 =	simm.s32 $0xA;
	s4 =	simm.s32 $0x10  }
0x92: {  	[smem:s4], [sflag:s15] =	dma.local [hbm:s2], $0x1  }
0x93: {  	_ =	swait.eq [sflag:s15], $0x1  }
0x94: {  	[sflag:s15] =	ssyncset.done $0x0  }
0x95: {  	[sflag:s15] =	ssyncadd.s32 $0xFFFFFFFF  }
0x96: {  	s16 =	sld [smem:$0x11];
	(tm) =	ssettm $0x1  }
0x97: {  	s17 =	sld [smem:$0x3FFB];
	_ =	sdelay $0x3  }
0x98: {  	_ =	strace s17  }
0x99: {  	s3 =	sld [smem:$0x3FFC];
	_ =	sdelay $0x3  }
0x9a: {  	_ =	strace s3  }
0x9b: {  	s3 =	sld [smem:$0x3FFD];
	_ =	sdelay $0x3  }
0x9c: {  	_ =	strace s3  }
0x9d: {  	_ =	strace $0x8FFFFFFF  }
0x9e: {  	s18 =	sld [smem:$0x3FDB];
	_ =	sdelay $0x1  }
0x9f: {  	s19 =	simm.s32 $_scs_section_size  }
0xa0: {  	s5 =	simm.s32 $_size__tile_overlayer_lowered;
	s6 =	simm.s32 $_tile_overlayer_lowered  }
0xa1: {  	s22 =	simm.s32 $0x1BFF;
	s21 =	sshll.u32 s6, $0x1;
	s3 =	sadd.s32 s19, s18  }
0xa2: {  	s7 =	simm.s32 $0x0;
	s20 =	sshll.u32 s5, $0x1;
	s5 =	sadd.s32 s21, s3  }
0xa3: {  	[timem:s7], [sflag:s22] =	dma.local [hbm:s5], s20  }
0xa4: {  	_ =	swait.ge [sflag:s22], s20  }
0xa5: {  	s4 =	ssub.s32 $0x0, s20;
	[sflag:s22] =	ssyncset.done $0x0  }
0xa6: {  	[sflag:s22] =	ssyncadd.s32 s4;
	_ =	sdelay $0x1  }
0xa7: {  	s23 =	simm.s32 $0x1B8B  }
0xa8: {  	_ =	swait.ge [sflag:s23], $0x1  }
0xa9: {  	[sflag:s23] =	ssyncset.done $0x0  }
0xaa: {  	s25 =	simm.s32 $0x1B8E;
	s24 =	sld [smem:$0x3FFE];
	[sflag:s23] =	ssyncadd.s32 $0xFFFFFFFF  }
0xab: {  	s26 =	simm.s32 $execute0_lowered;
	[smem:$0x3FD2] =	sst s25  }
0xac: {  	s5 =	sshll.u32 s26, $0x1;
	_ =	strace $0x80000049;
	[dreg:$0x1] =	wrdreg $0xFFFFFFFF  }
0xad: {  	s28 =	simm.s32 $_size_execute0_lowered;
	s3 =	sadd.s32 s3, s5;
	[dreg:$0x0] =	wrdreg $0x0  }
0xae: {  	s5 =	sshll.u32 s28, $0x1;
	[dreg:$0x2] =	wrdreg s3  }
0xaf: {  	[dreg:$0x3] =	wrdreg s5  }
0xb0: {  	[dreg:$0x4] =	wrdreg $0xC0  }
0xb1: {  	_ =	task [dreg:s7], $0x5FFFF  }
0xb2: {  	[dreg:$0x1] =	wrdreg $0xFFFFFFFF  }
0xb3: {  	[dreg:$0x0] =	wrdreg $0x60  }
0xb4: {  	[dreg:$0x2] =	wrdreg s24  }
0xb5: {  	[dreg:$0x3] =	wrdreg s16  }
0xb6: {  	[dreg:$0x4] =	wrdreg $0x9  }
0xb7: {  	_ =	task.clear_ibuf [dreg:s7], $0x5FFFF;
	_ =	strace $0x90000049  }
0xb8: {  	s29 =	simm.s32 $0x9;
	_ =	strace $0x8000004B  }
0xb9: {  	_ =	swait.ge [sflag:s29], $0x1  }
0xba: {  	[sflag:s29] =	ssyncadd.s32 $0xFFFFFFFF  }
0xbb: {  	_ =	strace $0x9000004B  }
0xbc: {  	_ =	sfence  }
0xbd: {  	s30 =	sld [smem:$0x0];
	_ =	sdelay $0x2  }
0xbe: {  	s31 =	sshll.u32 s1, $0xD;
	s1 =	sshrl.u32 s1, $0x2  }
0xbf: {  	s3 =	sand.u32 $0x4000, s31;
	s1 =	sadd.s32 s1, s30  }
0xc0: {  	s0 =	sor.u32 s3, s0;
	s1 =	sshll.u32 s1, $0x11  }
0xc1: {  	s0 =	sor.u32 s1, s0  }
0xc2: {  	s0 =	sadd.s32 $0x8F2B, s0  }
0xc3: {  	[sflag:s0] =	ssyncadd.remote.s32 $0x1  }
0xc4: {  	_ =	sfence.sel $0xFFFF  }
0xc5: {  	[dreg:$0x0] =	wrdreg $0xFFFFFFFF;
	(pc) =	sbr.abs _section_cstart, $3  }
0xc6: {  	[dreg:$0x1] =	wrdreg $0xFFFFFFFF  }
0xc7: {  	_ =	task.clear_ibuf [dreg:s7], $0x2FFFF;
	_ =	strace $0x9FFFFFFF  }
0xc8: {  	(tm) =	ssettm $0x7FFFFFFF  }
0xc9: {  	_ =	shalt  }
tec
execute0_lowered:
.L_overlay_start_1:
0x0: {  	(tag) =	ssettag $0x1  }
0x1: {  	s1 =	srdreg.scid  }
0x2: {  	s8 =	rddreg [dreg:$0x0];
	s0 =	stileid.u32  }
0x3: {  	s3 =	rddreg [dreg:$0x1];
	s2 =	simm.s32 $0x0;
	s6 =	sand.u32 $0x1, s1  }
0x4: {  	s4 =	sshll.u32 s0, $0x9;
	s1 =	rddreg [dreg:$0x2];
	s5 =	sshll.u32 s6, $0x8  }
0x5: {  	s7 =	simm.s32 $0x1;
	[smem:$0x7FF] =	sst s2;
	s9 =	sor.u32 s5, s4  }
0x6: {  	_ =	strace $0x8000004A;
	s10 =	ssub.s32 $0x2, s6;
	s4 =	sshrl.u32 s9, $0x3  }
0x7: {  	s6 =	simm.s32 $0x100;
	s4 =	sadd.s32 s3, s4;
	s3 =	simm.s32 $0x2  }
0x8: {  	[tilespmem:s2], [sflag:$0x2] =	stream.linear.gather [hbm4b:s4+s2], $0x100, $0x38;
	[tilespmem:$0x8100] =	vst v63  }
0x9: {  	s5 =	sadd.s32 $0x1C00, s8;
	s11 =	sshrl.u32 s10, $0x1;
	_ =	swait.ge [sflag:s3], $0x100  }
0xa: {  	s9 =	sshll.u32 s9, $0x4;
	s31 =	ssub.s32 s10, s11;
	[sflag:s3] =	ssyncset.done $0x0  }
0xb: {  	s8 =	sadd.s32 s9, s8;
	s9 =	smax.u32 s31, $0x1;
	[sflag:s3] =	ssyncadd.s32 $0xFFFFFF00  }
0xc: {  	[tilespmem:s6], [sflag:$0x1] =	stream.indirect.gather [hbm4b:s5+s6], $0x80, s2, s6, $0xb8;
	[tilespmem:$0x8100] =	vst v63  }
0xd: {  	p0 =	sne.s32 s9, $0x1;
	_ =	swait.ge [sflag:s7], $0x8000  }
.Ltmp0:
0xe: {  	[sflag:s7] =	ssyncset.done $0x0;
	(pc) =	sbr.rel @!p0 .LBB2_2-.Ltmp0, $4  }
0xf: {  	s8 =	sadd.s32 $0x24C00, s8;
	[sflag:s7] =	ssyncadd.s32 $0xFFFF8000  }
0x10: {  	[hbm4b:s8+s2] =	stream.linear.scatter [tilespmem:s6], [sflag:$0x2], $0x8000, $0x38;
	[tilespmem:$0x8100] =	vst v63  }
0x11: {  	_ =	swait.ge [sflag:s3], $0x8000  }
0x12: {  	s9 =	sadd.s32 $0xFFFFFFFF, s9;
	[sflag:s3] =	ssyncset.done $0x0  }
.LBB2_1:
0x13: {  	p0 =	sne.s32 s9, $0x1;
	s9 =	sadd.s32 $0xFFFFFFFF, s9;
	[sflag:s3] =	ssyncadd.s32 $0xFFFF8000  }
0x14: {  	[tilespmem:s2], [sflag:$0x2] =	stream.linear.gather [hbm4b:s4+s2], $0x100, $0x38;
	[tilespmem:$0x8100] =	vst v63  }
0x15: {  	_ =	swait.ge [sflag:s3], $0x100  }
0x16: {  	[sflag:s3] =	ssyncset.done $0x0  }
0x17: {  	[sflag:s3] =	ssyncadd.s32 $0xFFFFFF00  }
0x18: {  	[tilespmem:s6], [sflag:$0x1] =	stream.indirect.gather [hbm4b:s5+s6], $0x80, s2, s6, $0xb8;
	[tilespmem:$0x8100] =	vst v63  }
0x19: {  	_ =	swait.ge [sflag:s7], $0x8000  }
.Ltmp1:
0x1a: {  	[sflag:s7] =	ssyncset.done $0x0;
	(pc) =	sbr.rel @p0 .LBB2_1-.Ltmp1, $4  }
0x1b: {  	[sflag:s7] =	ssyncadd.s32 $0xFFFF8000  }
0x1c: {  	[hbm4b:s8+s2] =	stream.linear.scatter [tilespmem:s6], [sflag:$0x2], $0x8000, $0x38;
	[tilespmem:$0x8100] =	vst v63  }
0x1d: {  	_ =	swait.ge [sflag:s3], $0x8000  }
0x1e: {  	[sflag:s3] =	ssyncset.done $0x0  }
.LBB2_2:
0x1f: {  	[sflag:s3] =	ssyncadd.s32 $0xFFFF8000  }
0x20: {  	_ =	sfence.sel $0x180000  }
0x21: {  	[bflag:$0x0] =	sbarrier.arrive $0xFFFF  }
0x22: {  	p0 =	sne.s32 s0, $0x0;
	_ =	strace $0x9000004A  }
0x23: {  	s0 =	sadd.s32 @!p0 $0x100000, s1;
	[bflag:$0x2] =	sbarrier.arrive $0xFFFF  }
0x24: {  	[sflag:s0] =	ssyncadd.tile.s32 @!p0 $0x1;
	_ =	shalt  }
.Lfunc_end2:
_tile_overlayer_lowered:
.L_overlay_start_2:
0x25: {  	(tag) =	ssettag $0x2  }
0x26: {  	s0 =	rddreg [dreg:$0x0];
	s2 =	stileid.u32  }
0x27: {  	s1 =	rddreg [dreg:$0x1];
	p0 =	sne.s32 s2, $0x0  }
0x28: {  	s3 =	rddreg [dreg:$0x2];
	[bflag:$0x3] =	sbarrier.arrive $0xFFFF;
	s2 =	simm.s32 @!p0 $0x1C02  }
0x29: {  	[timem:s3], [sflag:s2] =	dma.local @!p0 [hbm:s0], s1  }
0x2a: {  	s0 =	simm.s32 @!p0 $0x2  }
0x2b: {  	_ =	swait.ge @!p0 [sflag:s0], s1  }
0x2c: {  	s1 =	ssub.s32 @!p0 $0x0, s1;
	[sflag:s0] =	ssyncset.done @!p0 $0x0  }
0x2d: {  	[sflag:s0] =	ssyncadd.s32 @!p0 s1  }
0x2e: {  	[bflag:$0x3] =	sbarrier.arrive $0xFFFF  }
0x2f: {  	_ =	shalt  }

</sc_bundles>
